<compile_context>
chip_gen: v7x
topology: tpu7x:2x2x1
jax: 0.10.2.dev20260603
libtpu: 0.0.44.dev20260713+nightly
codegen_flags: <defaults>
</compile_context>

<pallas_src>
import functools

import jax
import jax.numpy as jnp
from jax import lax
from jax.experimental import pallas as pl
from jax.experimental.pallas import tpu as pltpu
from jax.experimental.pallas import tpu_sc as plsc

_N_USERS = 10000
_N_ITEMS = 10000
_E = 320000
_D = 128
_NB = 2
_NC = 5

_NCORES = 2
_NSUB = 16
_NW = _NCORES * _NSUB
_EPW = _E // _NW
_C = 128
_CS = 32
_SBC = 16
_SB = _SBC * _C
_NSB = _EPW // _SB
_REMC = (_EPW - _NSB * _SB) // _C
_TAIL = _EPW - _NSB * _SB - _REMC * _C


def _fu_body(u_ref, w_ref, b_ref, o_ref):
    o_ref[...] = (
        jnp.dot(u_ref[...], w_ref[...], preferred_element_type=jnp.float32,
                precision=lax.Precision.HIGHEST)
        + b_ref[0:1, :]
    )


def _compute_fu(ufeats, wcat, btile):
    rows = 1000
    grid = _N_USERS // rows
    return pl.pallas_call(
        _fu_body,
        grid=(grid,),
        in_specs=[
            pl.BlockSpec((rows, _D), lambda i: (i, 0)),
            pl.BlockSpec((_D, _NB * _D), lambda i: (0, 0)),
            pl.BlockSpec((8, _NB * _D), lambda i: (0, 0)),
        ],
        out_specs=pl.BlockSpec((rows, _NB * _D), lambda i: (i, 0)),
        out_shape=jax.ShapeDtypeStruct((_N_USERS, _NB * _D), jnp.float32),
    )(ufeats, wcat, btile)


def _sc_body(fu_hbm, if_hbm, src_hbm, dst_hbm, wtab_hbm, out_hbm,
             idxs_v, idxd_v, hi0, hi1, fu0, fu1, out_v, wtab_v,
             semh0, semh1, semf0, semf1):
    cid = lax.axis_index("c")
    sid = lax.axis_index("s")
    wid = sid * _NCORES + cid
    base = wid * _EPW

    pltpu.sync_copy(wtab_hbm, wtab_v)
    w0 = [wtab_v[c] for c in range(_NC)]
    w1 = [wtab_v[_NC + c] for c in range(_NC)]
    wb = [wtab_v[2 * _NC + c] for c in range(_NC)]
    iota = lax.iota(jnp.int32, 16)
    zf = jnp.zeros((16,), jnp.float32)
    zi = jnp.zeros((16,), jnp.int32)

    his = (hi0, hi1)
    fus = (fu0, fu1)
    semh = (semh0, semh1)
    semf = (semf0, semf1)

    def gather_chunk(c_local, b):
        ns = _C // _CS
        for h in range(ns):
            isl = idxs_v.at[pl.ds(c_local * _C + h * _CS, _CS)]
            dsl = idxd_v.at[pl.ds(c_local * _C + h * _CS, _CS)]
            pltpu.async_copy(if_hbm.at[isl], his[b].at[pl.ds(h * _CS, _CS)],
                             semh[b])
            pltpu.async_copy(fu_hbm.at[dsl], fus[b].at[pl.ds(h * _CS, _CS)],
                             semf[b])

    def wait_chunk(c_local, b):
        isl = idxs_v.at[pl.ds(c_local * _C, _C)]
        dsl = idxd_v.at[pl.ds(c_local * _C, _C)]
        pltpu.make_async_copy(if_hbm.at[isl], his[b], semh[b]).wait()
        pltpu.make_async_copy(fu_hbm.at[dsl], fus[b], semf[b]).wait()

    def compute(orow_base, b, ngroups):
        hi_v = his[b]
        fu_v = fus[b]

        def gbody(g, _):
            rows = g * 16 + iota

            def dstep(i, carry):
                a0, a0b, a1, a1b, col = carry
                for k in range(8):
                    ck = col + k if k else col
                    hi = plsc.load_gather(hi_v, [rows, ck])
                    f0 = plsc.load_gather(fu_v, [rows, ck])
                    f1 = plsc.load_gather(fu_v, [rows, ck + _D])
                    if k % 2 == 0:
                        a0 = a0 + hi * f0
                        a1 = a1 + hi * f1
                    else:
                        a0b = a0b + hi * f0
                        a1b = a1b + hi * f1
                return a0, a0b, a1, a1b, col + 8

            a0, a0b, a1, a1b, _unused = lax.fori_loop(
                0, _D // 8, dstep, (zf, zf, zf, zf, zi))
            s0 = a0 + a0b
            s1 = a1 + a1b
            orow5 = (orow_base + g * 16 + iota) * _NC
            for c in range(_NC):
                val = s0 * w0[c] + s1 * w1[c] + wb[c]
                plsc.store_scatter(out_v, [orow5 + c], val)
            return 0

        lax.fori_loop(0, ngroups, gbody, 0)

    def run_block(sb_base, nchunks, stage_n):
        pltpu.sync_copy(src_hbm.at[pl.ds(sb_base, stage_n)],
                        idxs_v.at[pl.ds(0, stage_n)])
        pltpu.sync_copy(dst_hbm.at[pl.ds(sb_base, stage_n)],
                        idxd_v.at[pl.ds(0, stage_n)])
        gather_chunk(0, 0)
        npairs = nchunks // 2

        def pbody(p, _):
            c0 = 2 * p
            c1 = c0 + 1
            gather_chunk(c1, 1)
            wait_chunk(c0, 0)
            compute(c0 * _C, 0, _C // 16)

            @pl.when(p < npairs - 1)
            def _prefetch():
                gather_chunk(c0 + 2, 0)

            wait_chunk(c1, 1)
            compute(c1 * _C, 1, _C // 16)
            return 0

        lax.fori_loop(0, npairs, pbody, 0)

    def sb_body(t, _):
        sb_base = base + t * _SB
        run_block(sb_base, _SBC, _SB)
        pltpu.sync_copy(out_v, out_hbm.at[pl.ds(sb_base * _NC, _SB * _NC)])
        return 0

    lax.fori_loop(0, _NSB, sb_body, 0)

    rem_base = base + _NSB * _SB
    rem_edges = _REMC * _C + _TAIL
    run_block(rem_base, _REMC, rem_edges)
    isl = idxs_v.at[pl.ds(_REMC * _C, _TAIL)]
    dsl = idxd_v.at[pl.ds(_REMC * _C, _TAIL)]
    g1 = pltpu.async_copy(if_hbm.at[isl], hi0.at[pl.ds(0, _TAIL)], semh0)
    g2 = pltpu.async_copy(fu_hbm.at[dsl], fu0.at[pl.ds(0, _TAIL)], semf0)
    g1.wait()
    g2.wait()
    compute(_REMC * _C, 0, _TAIL // 16)
    pltpu.sync_copy(out_v.at[pl.ds(0, rem_edges * _NC)],
                    out_hbm.at[pl.ds(rem_base * _NC, rem_edges * _NC)])


_sc_kernel = functools.partial(
    pl.kernel,
    out_type=jax.ShapeDtypeStruct((_E * _NC,), jnp.float32),
    mesh=plsc.VectorSubcoreMesh(core_axis_name="c", subcore_axis_name="s"),
    compiler_params=pltpu.CompilerParams(needs_layout_passes=False),
    scratch_types=[
        pltpu.VMEM((_SB,), jnp.int32),
        pltpu.VMEM((_SB,), jnp.int32),
        pltpu.VMEM((_C, _D), jnp.float32),
        pltpu.VMEM((_C, _D), jnp.float32),
        pltpu.VMEM((_C, _NB * _D), jnp.float32),
        pltpu.VMEM((_C, _NB * _D), jnp.float32),
        pltpu.VMEM((_SB * _NC,), jnp.float32),
        pltpu.VMEM((16, 16), jnp.float32),
        pltpu.SemaphoreType.DMA,
        pltpu.SemaphoreType.DMA,
        pltpu.SemaphoreType.DMA,
        pltpu.SemaphoreType.DMA,
    ],
)(_sc_body)


def kernel(ufeats, ifeats, Pw, Pb, Ww, Wb, edge_index):
    wcat = jnp.concatenate([Pw[0].T, Pw[1].T], axis=1)
    bcat = jnp.concatenate([Pb[0], Pb[1]], axis=0)
    btile = jnp.tile(bcat[None, :], (8, 1))
    src = edge_index[0].astype(jnp.int32)
    dst = edge_index[1].astype(jnp.int32)
    wtab = jnp.zeros((16, 16), jnp.float32)
    wtab = wtab.at[0:_NC, :].set(Ww[:, 0:1])
    wtab = wtab.at[_NC:2 * _NC, :].set(Ww[:, 1:2])
    wtab = wtab.at[2 * _NC:3 * _NC, :].set(Wb[:, None])

    fu = _compute_fu(ufeats, wcat, btile)
    return _sc_kernel(fu, ifeats, src, dst, wtab).reshape(_E, _NC)

# --- scband reference (transcript-rebuilt; emitter-appended) ---
"""Pipeline reference for scband-bilinear-decoder-46540265620249 (READ-ONLY COPY).

The authoritative reference and input builder live on the scoring server;
editing this copy changes nothing except your own understanding.
"""

import jax, jax.numpy as jnp
import numpy as np

N_USERS = 10000
N_ITEMS = 10000
E = 320000
D = 128
N_BASIS = 2
N_CLASSES = 5


def setup_inputs(seed: int = 0) -> dict:
    key = jax.random.key(seed)
    ks = jax.random.split(key, 8)
    ufeats = jax.random.normal(ks[0], (N_USERS, D), dtype=jnp.float32)
    ifeats = jax.random.normal(ks[1], (N_ITEMS, D), dtype=jnp.float32)
    src = jax.random.randint(ks[2], (E,), 0, N_ITEMS)
    dst = jax.random.randint(ks[3], (E,), 0, N_USERS)
    edge_index = jnp.stack([src, dst], axis=0)
    # Basis bilinear projections P_r: torch nn.Linear(feats_dim, feats_dim)
    # weight shape [out, in] = [D, D], bias [D]
    Pw = jax.random.normal(ks[4], (N_BASIS, D, D), dtype=jnp.float32) / jnp.sqrt(D)
    Pb = jax.random.normal(ks[5], (N_BASIS, D), dtype=jnp.float32) * 0.01
    # weighted_sum: nn.Linear(n_basis, n_classes): weight [n_classes, n_basis], bias [n_classes]
    Ww = jax.random.normal(ks[6], (N_CLASSES, N_BASIS), dtype=jnp.float32) / jnp.sqrt(N_BASIS)
    Wb = jax.random.normal(ks[7], (N_CLASSES,), dtype=jnp.float32) * 0.01
    return {"ufeats": ufeats, "ifeats": ifeats, "Pw": Pw, "Pb": Pb, "Ww": Ww, "Wb": Wb, "edge_index": edge_index}


def reference(ufeats, ifeats, Pw, Pb, Ww, Wb, edge_index):
    # hu_r = P_r(ufeats) for every basis r: [N_BASIS, N_USERS, D]
    hu = jnp.einsum("nd,rod->rno", ufeats, Pw) + Pb[:, None, :]
    src = edge_index[0]  # item indices (u side of u_dot_v)
    dst = edge_index[1]  # user indices (v side)
    hi_e = jnp.take(ifeats, src, axis=0)          # [E, D]
    hu_e = jnp.take(hu, dst, axis=1)              # [N_BASIS, E, D]
    # per-edge dot products per basis -> [E, N_BASIS]
    scores = jnp.einsum("red,ed->er", hu_e, hi_e)
    # weighted_sum over bases -> [E, N_CLASSES]
    logits = scores @ Ww.T + Wb
    return logits

if __name__ == "__main__":
    import jax
    _d = setup_inputs()
    print(jax.jit(kernel)(*tuple(_d.values())))

</pallas_src>

<mosaic_0001>
#map = affine_map<(d0, d1) -> (0, 0)>
#map1 = affine_map<(d0, d1) -> (0)>
module attributes {stable_mosaic.version = 14 : i64} {
  func.func @_sc_body(%arg0: i32, %arg1: i32, %arg2: memref<10000x256xf32, #tpu.memory_space<hbm>>, %arg3: memref<10000x128xf32, #tpu.memory_space<hbm>>, %arg4: memref<320000xi32, #tpu.memory_space<hbm>>, %arg5: memref<320000xi32, #tpu.memory_space<hbm>>, %arg6: memref<16x16xf32, #tpu.memory_space<hbm>>, %arg7: memref<1600000xf32, #tpu.memory_space<hbm>>, %arg8: memref<2048xi32, #tpu.memory_space<vmem>>, %arg9: memref<2048xi32, #tpu.memory_space<vmem>>, %arg10: memref<128x128xf32, #tpu.memory_space<vmem>>, %arg11: memref<128x128xf32, #tpu.memory_space<vmem>>, %arg12: memref<128x256xf32, #tpu.memory_space<vmem>>, %arg13: memref<128x256xf32, #tpu.memory_space<vmem>>, %arg14: memref<10240xf32, #tpu.memory_space<vmem>>, %arg15: memref<16x16xf32, #tpu.memory_space<vmem>>, %arg16: memref<!tpu.dma_semaphore, #tpu.memory_space<semaphore_mem>>, %arg17: memref<!tpu.dma_semaphore, #tpu.memory_space<semaphore_mem>>, %arg18: memref<!tpu.dma_semaphore, #tpu.memory_space<semaphore_mem>>, %arg19: memref<!tpu.dma_semaphore, #tpu.memory_space<semaphore_mem>>) attributes {dimension_semantics = [#tpu.dimension_semantics<core_parallel>, #tpu.dimension_semantics<subcore_parallel>], iteration_bounds = array<i64: 2, 16>, scalar_prefetch = 0 : i64, scratch_operands = 12 : i64, tpu.core_type = #tpu.core_type<sc_vector_subcore>, window_params = [{transform_indices = #map}, {transform_indices = #map}, {transform_indices = #map1}, {transform_indices = #map1}, {transform_indices = #map}, {transform_indices = #map1}]} {
    %mul3A = arith.constant 2 : i32
    %mul3A_0 = arith.muli %arg1, %mul3A : i32
    %add3A = arith.addi %mul3A_0, %arg0 : i32
    %mul3A_1 = arith.constant 10000 : i32
    %mul3A_2 = arith.muli %add3A, %mul3A_1 : i32
    "tpu.region"() ({
      %run_scoped3A = tpu.sem_alloc : memref<!tpu.dma_semaphore, #tpu.memory_space<semaphore_mem>>
      tpu.enqueue_dma source(%arg6 : memref<16x16xf32, #tpu.memory_space<hbm>>) target(%arg15 : memref<16x16xf32, #tpu.memory_space<vmem>>) target_semaphore(%run_scoped3A : memref<!tpu.dma_semaphore, #tpu.memory_space<semaphore_mem>>)
      tpu.wait_dma2 semaphore(%run_scoped3A : memref<!tpu.dma_semaphore, #tpu.memory_space<semaphore_mem>>) src(%arg6 : memref<16x16xf32, #tpu.memory_space<hbm>>) dst(%arg15 : memref<16x16xf32, #tpu.memory_space<vmem>>)
      tpu.yield
    }) : () -> ()
    %get3A = arith.constant 0 : i32
    %get3A_3 = arith.index_cast %get3A : i32 to index
    %get3A_4 = arith.constant 0 : index
    %get3A_5 = tpu.vector_load %arg15[%get3A_3, %get3A_4] {strides = array<i32>} : memref<16x16xf32, #tpu.memory_space<vmem>>, vector<16xf32>,
    %get3A_6 = arith.constant 1 : i32
    %get3A_7 = arith.index_cast %get3A_6 : i32 to index
    %get3A_8 = arith.constant 0 : index
    %get3A_9 = tpu.vector_load %arg15[%get3A_7, %get3A_8] {strides = array<i32>} : memref<16x16xf32, #tpu.memory_space<vmem>>, vector<16xf32>,
    %get3A_10 = arith.constant 2 : i32
    %get3A_11 = arith.index_cast %get3A_10 : i32 to index
    %get3A_12 = arith.constant 0 : index
    %get3A_13 = tpu.vector_load %arg15[%get3A_11, %get3A_12] {strides = array<i32>} : memref<16x16xf32, #tpu.memory_space<vmem>>, vector<16xf32>,
    %get3A_14 = arith.constant 3 : i32
    %get3A_15 = arith.index_cast %get3A_14 : i32 to index
    %get3A_16 = arith.constant 0 : index
    %get3A_17 = tpu.vector_load %arg15[%get3A_15, %get3A_16] {strides = array<i32>} : memref<16x16xf32, #tpu.memory_space<vmem>>, vector<16xf32>,
    %get3A_18 = arith.constant 4 : i32
    %get3A_19 = arith.index_cast %get3A_18 : i32 to index
    %get3A_20 = arith.constant 0 : index
    %get3A_21 = tpu.vector_load %arg15[%get3A_19, %get3A_20] {strides = array<i32>} : memref<16x16xf32, #tpu.memory_space<vmem>>, vector<16xf32>,
    %get3A_22 = arith.constant 5 : i32
    %get3A_23 = arith.index_cast %get3A_22 : i32 to index
    %get3A_24 = arith.constant 0 : index
    %get3A_25 = tpu.vector_load %arg15[%get3A_23, %get3A_24] {strides = array<i32>} : memref<16x16xf32, #tpu.memory_space<vmem>>, vector<16xf32>,
    %get3A_26 = arith.constant 6 : i32
    %get3A_27 = arith.index_cast %get3A_26 : i32 to index
    %get3A_28 = arith.constant 0 : index
    %get3A_29 = tpu.vector_load %arg15[%get3A_27, %get3A_28] {strides = array<i32>} : memref<16x16xf32, #tpu.memory_space<vmem>>, vector<16xf32>,
    %get3A_30 = arith.constant 7 : i32
    %get3A_31 = arith.index_cast %get3A_30 : i32 to index
    %get3A_32 = arith.constant 0 : index
    %get3A_33 = tpu.vector_load %arg15[%get3A_31, %get3A_32] {strides = array<i32>} : memref<16x16xf32, #tpu.memory_space<vmem>>, vector<16xf32>,
    %get3A_34 = arith.constant 8 : i32
    %get3A_35 = arith.index_cast %get3A_34 : i32 to index
    %get3A_36 = arith.constant 0 : index
    %get3A_37 = tpu.vector_load %arg15[%get3A_35, %get3A_36] {strides = array<i32>} : memref<16x16xf32, #tpu.memory_space<vmem>>, vector<16xf32>,
    %get3A_38 = arith.constant 9 : i32
    %get3A_39 = arith.index_cast %get3A_38 : i32 to index
    %get3A_40 = arith.constant 0 : index
    %get3A_41 = tpu.vector_load %arg15[%get3A_39, %get3A_40] {strides = array<i32>} : memref<16x16xf32, #tpu.memory_space<vmem>>, vector<16xf32>,
    %get3A_42 = arith.constant 10 : i32
    %get3A_43 = arith.index_cast %get3A_42 : i32 to index
    %get3A_44 = arith.constant 0 : index
    %get3A_45 = tpu.vector_load %arg15[%get3A_43, %get3A_44] {strides = array<i32>} : memref<16x16xf32, #tpu.memory_space<vmem>>, vector<16xf32>,
    %get3A_46 = arith.constant 11 : i32
    %get3A_47 = arith.index_cast %get3A_46 : i32 to index
    %get3A_48 = arith.constant 0 : index
    %get3A_49 = tpu.vector_load %arg15[%get3A_47, %get3A_48] {strides = array<i32>} : memref<16x16xf32, #tpu.memory_space<vmem>>, vector<16xf32>,
    %get3A_50 = arith.constant 12 : i32
    %get3A_51 = arith.index_cast %get3A_50 : i32 to index
    %get3A_52 = arith.constant 0 : index
    %get3A_53 = tpu.vector_load %arg15[%get3A_51, %get3A_52] {strides = array<i32>} : memref<16x16xf32, #tpu.memory_space<vmem>>, vector<16xf32>,
    %get3A_54 = arith.constant 13 : i32
    %get3A_55 = arith.index_cast %get3A_54 : i32 to index
    %get3A_56 = arith.constant 0 : index
    %get3A_57 = tpu.vector_load %arg15[%get3A_55, %get3A_56] {strides = array<i32>} : memref<16x16xf32, #tpu.memory_space<vmem>>, vector<16xf32>,
    %get3A_58 = arith.constant 14 : i32
    %get3A_59 = arith.index_cast %get3A_58 : i32 to index
    %get3A_60 = arith.constant 0 : index
    %get3A_61 = tpu.vector_load %arg15[%get3A_59, %get3A_60] {strides = array<i32>} : memref<16x16xf32, #tpu.memory_space<vmem>>, vector<16xf32>,
    %iota3A = tpu.iota {dimensions = array<i32: 0>} : vector<16xi32>
    %broadcast_in_dim3A = arith.constant 0.000000e+00 : f32
    %broadcast_in_dim3A_62 = vector.broadcast %broadcast_in_dim3A : f32 to vector<16xf32>
    %broadcast_in_dim3A_63 = arith.constant 0 : i32
    %broadcast_in_dim3A_64 = vector.broadcast %broadcast_in_dim3A_63 : i32 to vector<16xi32>
    %scan3A = arith.constant 0 : i32
    %scan3A_65 = arith.constant 0 : i32
    %scan3A_66 = arith.constant 4 : i32
    %scan3A_67 = arith.addi %scan3A_65, %scan3A_66 : i32
    %scan3A_68 = arith.constant 1 : i32
    %scan3A_69 = scf.for %scan3A_236 = %scan3A_65 to %scan3A_67 step %scan3A_68 iter_args(%scan3A_237 = %scan3A) -> (i32)  : i32 {
      %mul3A_238 = arith.constant 2048 : i32
      %mul3A_239 = arith.muli %scan3A_236, %mul3A_238 : i32
      %add3A_240 = arith.addi %mul3A_2, %mul3A_239 : i32
      "tpu.region"() ({
        %run_scoped3A = tpu.sem_alloc : memref<!tpu.dma_semaphore, #tpu.memory_space<semaphore_mem>>
        %dma_start3A_315 = arith.constant 0 : i32
        %dma_start3A_316 = tpu.memref_slice %arg8[%dma_start3A_315] : memref<2048xi32, #tpu.memory_space<vmem>> -> memref<2048xi32, #tpu.memory_space<vmem>>
        %dma_start3A_317 = tpu.memref_slice %arg4[%add3A_240] : memref<320000xi32, #tpu.memory_space<hbm>> -> memref<2048xi32, #tpu.memory_space<hbm>>
        %dma_start3A_318 = arith.constant 0 : i32
        %dma_start3A_319 = tpu.memref_slice %arg8[%dma_start3A_318] : memref<2048xi32, #tpu.memory_space<vmem>> -> memref<2048xi32, #tpu.memory_space<vmem>>
        %dma_start3A_320 = tpu.memref_slice %arg4[%add3A_240] : memref<320000xi32, #tpu.memory_space<hbm>> -> memref<2048xi32, #tpu.memory_space<hbm>>
        tpu.enqueue_dma source(%dma_start3A_320 : memref<2048xi32, #tpu.memory_space<hbm>>) target(%dma_start3A_319 : memref<2048xi32, #tpu.memory_space<vmem>>) target_semaphore(%run_scoped3A : memref<!tpu.dma_semaphore, #tpu.memory_space<semaphore_mem>>)
        %dma_wait3A_321 = arith.constant 0 : i32
        %dma_wait3A_322 = tpu.memref_slice %arg8[%dma_wait3A_321] : memref<2048xi32, #tpu.memory_space<vmem>> -> memref<2048xi32, #tpu.memory_space<vmem>>
        %dma_wait3A_323 = tpu.memref_slice %arg4[%add3A_240] : memref<320000xi32, #tpu.memory_space<hbm>> -> memref<2048xi32, #tpu.memory_space<hbm>>
        %dma_wait3A_324 = arith.constant 0 : i32
        %dma_wait3A_325 = tpu.memref_slice %arg8[%dma_wait3A_324] : memref<2048xi32, #tpu.memory_space<vmem>> -> memref<2048xi32, #tpu.memory_space<vmem>>
        %dma_wait3A_326 = tpu.memref_slice %arg4[%add3A_240] : memref<320000xi32, #tpu.memory_space<hbm>> -> memref<2048xi32, #tpu.memory_space<hbm>>
        tpu.wait_dma2 semaphore(%run_scoped3A : memref<!tpu.dma_semaphore, #tpu.memory_space<semaphore_mem>>) src(%dma_wait3A_326 : memref<2048xi32, #tpu.memory_space<hbm>>) dst(%dma_wait3A_325 : memref<2048xi32, #tpu.memory_space<vmem>>)
        tpu.yield
      }) : () -> ()
      "tpu.region"() ({
        %run_scoped3A = tpu.sem_alloc : memref<!tpu.dma_semaphore, #tpu.memory_space<semaphore_mem>>
        %dma_start3A_315 = arith.constant 0 : i32
        %dma_start3A_316 = tpu.memref_slice %arg9[%dma_start3A_315] : memref<2048xi32, #tpu.memory_space<vmem>> -> memref<2048xi32, #tpu.memory_space<vmem>>
        %dma_start3A_317 = tpu.memref_slice %arg5[%add3A_240] : memref<320000xi32, #tpu.memory_space<hbm>> -> memref<2048xi32, #tpu.memory_space<hbm>>
        %dma_start3A_318 = arith.constant 0 : i32
        %dma_start3A_319 = tpu.memref_slice %arg9[%dma_start3A_318] : memref<2048xi32, #tpu.memory_space<vmem>> -> memref<2048xi32, #tpu.memory_space<vmem>>
        %dma_start3A_320 = tpu.memref_slice %arg5[%add3A_240] : memref<320000xi32, #tpu.memory_space<hbm>> -> memref<2048xi32, #tpu.memory_space<hbm>>
        tpu.enqueue_dma source(%dma_start3A_320 : memref<2048xi32, #tpu.memory_space<hbm>>) target(%dma_start3A_319 : memref<2048xi32, #tpu.memory_space<vmem>>) target_semaphore(%run_scoped3A : memref<!tpu.dma_semaphore, #tpu.memory_space<semaphore_mem>>)
        %dma_wait3A_321 = arith.constant 0 : i32
        %dma_wait3A_322 = tpu.memref_slice %arg9[%dma_wait3A_321] : memref<2048xi32, #tpu.memory_space<vmem>> -> memref<2048xi32, #tpu.memory_space<vmem>>
        %dma_wait3A_323 = tpu.memref_slice %arg5[%add3A_240] : memref<320000xi32, #tpu.memory_space<hbm>> -> memref<2048xi32, #tpu.memory_space<hbm>>
        %dma_wait3A_324 = arith.constant 0 : i32
        %dma_wait3A_325 = tpu.memref_slice %arg9[%dma_wait3A_324] : memref<2048xi32, #tpu.memory_space<vmem>> -> memref<2048xi32, #tpu.memory_space<vmem>>
        %dma_wait3A_326 = tpu.memref_slice %arg5[%add3A_240] : memref<320000xi32, #tpu.memory_space<hbm>> -> memref<2048xi32, #tpu.memory_space<hbm>>
        tpu.wait_dma2 semaphore(%run_scoped3A : memref<!tpu.dma_semaphore, #tpu.memory_space<semaphore_mem>>) src(%dma_wait3A_326 : memref<2048xi32, #tpu.memory_space<hbm>>) dst(%dma_wait3A_325 : memref<2048xi32, #tpu.memory_space<vmem>>)
        tpu.yield
      }) : () -> ()
      %dma_start3A_241 = arith.constant 0 : i32
      %dma_start3A_242 = arith.constant 0 : i32
      %dma_start3A_243 = tpu.memref_slice %arg10[%dma_start3A_241, %dma_start3A_242] : memref<128x128xf32, #tpu.memory_space<vmem>> -> memref<32x128xf32, #tpu.memory_space<vmem>>
      %dma_start3A_244 = arith.constant 0 : i32
      %dma_start3A_245 = tpu.memref_slice %arg8[%dma_start3A_244] : memref<2048xi32, #tpu.memory_space<vmem>> -> memref<32xi32, #tpu.memory_space<vmem>>
      %dma_start3A_246 = arith.constant 0 : i32
      %dma_start3A_247 = arith.constant 0 : i32
      %dma_start3A_248 = tpu.memref_slice %arg3[%dma_start3A_246, %dma_start3A_247] : memref<10000x128xf32, #tpu.memory_space<hbm>> -> memref<10000x128xf32, #tpu.memory_space<hbm>>
      tpu.enqueue_indirect_dma source(%dma_start3A_248 : memref<10000x128xf32, #tpu.memory_space<hbm>>) target(%dma_start3A_243 : memref<32x128xf32, #tpu.memory_space<vmem>>) offsets(%dma_start3A_245 : memref<32xi32, #tpu.memory_space<vmem>>) semaphore(%arg16 : memref<!tpu.dma_semaphore, #tpu.memory_space<semaphore_mem>>)
      %dma_start3A_249 = arith.constant 0 : i32
      %dma_start3A_250 = arith.constant 0 : i32
      %dma_start3A_251 = tpu.memref_slice %arg12[%dma_start3A_249, %dma_start3A_250] : memref<128x256xf32, #tpu.memory_space<vmem>> -> memref<32x256xf32, #tpu.memory_space<vmem>>
      %dma_start3A_252 = arith.constant 0 : i32
      %dma_start3A_253 = tpu.memref_slice %arg9[%dma_start3A_252] : memref<2048xi32, #tpu.memory_space<vmem>> -> memref<32xi32, #tpu.memory_space<vmem>>
      %dma_start3A_254 = arith.constant 0 : i32
      %dma_start3A_255 = arith.constant 0 : i32
      %dma_start3A_256 = tpu.memref_slice %arg2[%dma_start3A_254, %dma_start3A_255] : memref<10000x256xf32, #tpu.memory_space<hbm>> -> memref<10000x256xf32, #tpu.memory_space<hbm>>
      tpu.enqueue_indirect_dma source(%dma_start3A_256 : memref<10000x256xf32, #tpu.memory_space<hbm>>) target(%dma_start3A_251 : memref<32x256xf32, #tpu.memory_space<vmem>>) offsets(%dma_start3A_253 : memref<32xi32, #tpu.memory_space<vmem>>) semaphore(%arg18 : memref<!tpu.dma_semaphore, #tpu.memory_space<semaphore_mem>>)
      %dma_start3A_257 = arith.constant 32 : i32
      %dma_start3A_258 = arith.constant 0 : i32
      %dma_start3A_259 = tpu.memref_slice %arg10[%dma_start3A_257, %dma_start3A_258] : memref<128x128xf32, #tpu.memory_space<vmem>> -> memref<32x128xf32, #tpu.memory_space<vmem>>
      %dma_start3A_260 = arith.constant 32 : i32
      %dma_start3A_261 = tpu.memref_slice %arg8[%dma_start3A_260] : memref<2048xi32, #tpu.memory_space<vmem>> -> memref<32xi32, #tpu.memory_space<vmem>>
      %dma_start3A_262 = arith.constant 0 : i32
      %dma_start3A_263 = arith.constant 0 : i32
      %dma_start3A_264 = tpu.memref_slice %arg3[%dma_start3A_262, %dma_start3A_263] : memref<10000x128xf32, #tpu.memory_space<hbm>> -> memref<10000x128xf32, #tpu.memory_space<hbm>>
      tpu.enqueue_indirect_dma source(%dma_start3A_264 : memref<10000x128xf32, #tpu.memory_space<hbm>>) target(%dma_start3A_259 : memref<32x128xf32, #tpu.memory_space<vmem>>) offsets(%dma_start3A_261 : memref<32xi32, #tpu.memory_space<vmem>>) semaphore(%arg16 : memref<!tpu.dma_semaphore, #tpu.memory_space<semaphore_mem>>)
      %dma_start3A_265 = arith.constant 32 : i32
      %dma_start3A_266 = arith.constant 0 : i32
      %dma_start3A_267 = tpu.memref_slice %arg12[%dma_start3A_265, %dma_start3A_266] : memref<128x256xf32, #tpu.memory_space<vmem>> -> memref<32x256xf32, #tpu.memory_space<vmem>>
      %dma_start3A_268 = arith.constant 32 : i32
      %dma_start3A_269 = tpu.memref_slice %arg9[%dma_start3A_268] : memref<2048xi32, #tpu.memory_space<vmem>> -> memref<32xi32, #tpu.memory_space<vmem>>
      %dma_start3A_270 = arith.constant 0 : i32
      %dma_start3A_271 = arith.constant 0 : i32
      %dma_start3A_272 = tpu.memref_slice %arg2[%dma_start3A_270, %dma_start3A_271] : memref<10000x256xf32, #tpu.memory_space<hbm>> -> memref<10000x256xf32, #tpu.memory_space<hbm>>
      tpu.enqueue_indirect_dma source(%dma_start3A_272 : memref<10000x256xf32, #tpu.memory_space<hbm>>) target(%dma_start3A_267 : memref<32x256xf32, #tpu.memory_space<vmem>>) offsets(%dma_start3A_269 : memref<32xi32, #tpu.memory_space<vmem>>) semaphore(%arg18 : memref<!tpu.dma_semaphore, #tpu.memory_space<semaphore_mem>>)
      %dma_start3A_273 = arith.constant 64 : i32
      %dma_start3A_274 = arith.constant 0 : i32
      %dma_start3A_275 = tpu.memref_slice %arg10[%dma_start3A_273, %dma_start3A_274] : memref<128x128xf32, #tpu.memory_space<vmem>> -> memref<32x128xf32, #tpu.memory_space<vmem>>
      %dma_start3A_276 = arith.constant 64 : i32
      %dma_start3A_277 = tpu.memref_slice %arg8[%dma_start3A_276] : memref<2048xi32, #tpu.memory_space<vmem>> -> memref<32xi32, #tpu.memory_space<vmem>>
      %dma_start3A_278 = arith.constant 0 : i32
      %dma_start3A_279 = arith.constant 0 : i32
      %dma_start3A_280 = tpu.memref_slice %arg3[%dma_start3A_278, %dma_start3A_279] : memref<10000x128xf32, #tpu.memory_space<hbm>> -> memref<10000x128xf32, #tpu.memory_space<hbm>>
      tpu.enqueue_indirect_dma source(%dma_start3A_280 : memref<10000x128xf32, #tpu.memory_space<hbm>>) target(%dma_start3A_275 : memref<32x128xf32, #tpu.memory_space<vmem>>) offsets(%dma_start3A_277 : memref<32xi32, #tpu.memory_space<vmem>>) semaphore(%arg16 : memref<!tpu.dma_semaphore, #tpu.memory_space<semaphore_mem>>)
      %dma_start3A_281 = arith.constant 64 : i32
      %dma_start3A_282 = arith.constant 0 : i32
      %dma_start3A_283 = tpu.memref_slice %arg12[%dma_start3A_281, %dma_start3A_282] : memref<128x256xf32, #tpu.memory_space<vmem>> -> memref<32x256xf32, #tpu.memory_space<vmem>>
      %dma_start3A_284 = arith.constant 64 : i32
      %dma_start3A_285 = tpu.memref_slice %arg9[%dma_start3A_284] : memref<2048xi32, #tpu.memory_space<vmem>> -> memref<32xi32, #tpu.memory_space<vmem>>
      %dma_start3A_286 = arith.constant 0 : i32
      %dma_start3A_287 = arith.constant 0 : i32
      %dma_start3A_288 = tpu.memref_slice %arg2[%dma_start3A_286, %dma_start3A_287] : memref<10000x256xf32, #tpu.memory_space<hbm>> -> memref<10000x256xf32, #tpu.memory_space<hbm>>
      tpu.enqueue_indirect_dma source(%dma_start3A_288 : memref<10000x256xf32, #tpu.memory_space<hbm>>) target(%dma_start3A_283 : memref<32x256xf32, #tpu.memory_space<vmem>>) offsets(%dma_start3A_285 : memref<32xi32, #tpu.memory_space<vmem>>) semaphore(%arg18 : memref<!tpu.dma_semaphore, #tpu.memory_space<semaphore_mem>>)
      %dma_start3A_289 = arith.constant 96 : i32
      %dma_start3A_290 = arith.constant 0 : i32
      %dma_start3A_291 = tpu.memref_slice %arg10[%dma_start3A_289, %dma_start3A_290] : memref<128x128xf32, #tpu.memory_space<vmem>> -> memref<32x128xf32, #tpu.memory_space<vmem>>
      %dma_start3A_292 = arith.constant 96 : i32
      %dma_start3A_293 = tpu.memref_slice %arg8[%dma_start3A_292] : memref<2048xi32, #tpu.memory_space<vmem>> -> memref<32xi32, #tpu.memory_space<vmem>>
      %dma_start3A_294 = arith.constant 0 : i32
      %dma_start3A_295 = arith.constant 0 : i32
      %dma_start3A_296 = tpu.memref_slice %arg3[%dma_start3A_294, %dma_start3A_295] : memref<10000x128xf32, #tpu.memory_space<hbm>> -> memref<10000x128xf32, #tpu.memory_space<hbm>>
      tpu.enqueue_indirect_dma source(%dma_start3A_296 : memref<10000x128xf32, #tpu.memory_space<hbm>>) target(%dma_start3A_291 : memref<32x128xf32, #tpu.memory_space<vmem>>) offsets(%dma_start3A_293 : memref<32xi32, #tpu.memory_space<vmem>>) semaphore(%arg16 : memref<!tpu.dma_semaphore, #tpu.memory_space<semaphore_mem>>)
      %dma_start3A_297 = arith.constant 96 : i32
      %dma_start3A_298 = arith.constant 0 : i32
      %dma_start3A_299 = tpu.memref_slice %arg12[%dma_start3A_297, %dma_start3A_298] : memref<128x256xf32, #tpu.memory_space<vmem>> -> memref<32x256xf32, #tpu.memory_space<vmem>>
      %dma_start3A_300 = arith.constant 96 : i32
      %dma_start3A_301 = tpu.memref_slice %arg9[%dma_start3A_300] : memref<2048xi32, #tpu.memory_space<vmem>> -> memref<32xi32, #tpu.memory_space<vmem>>
      %dma_start3A_302 = arith.constant 0 : i32
      %dma_start3A_303 = arith.constant 0 : i32
      %dma_start3A_304 = tpu.memref_slice %arg2[%dma_start3A_302, %dma_start3A_303] : memref<10000x256xf32, #tpu.memory_space<hbm>> -> memref<10000x256xf32, #tpu.memory_space<hbm>>
      tpu.enqueue_indirect_dma source(%dma_start3A_304 : memref<10000x256xf32, #tpu.memory_space<hbm>>) target(%dma_start3A_299 : memref<32x256xf32, #tpu.memory_space<vmem>>) offsets(%dma_start3A_301 : memref<32xi32, #tpu.memory_space<vmem>>) semaphore(%arg18 : memref<!tpu.dma_semaphore, #tpu.memory_space<semaphore_mem>>)
      %scan3A_305 = arith.constant 0 : i32
      %scan3A_306 = arith.constant 0 : i32
      %scan3A_307 = arith.constant 8 : i32
      %scan3A_308 = arith.addi %scan3A_306, %scan3A_307 : i32
      %scan3A_309 = arith.constant 1 : i32
      %scan3A_310 = scf.for %scan3A_315 = %scan3A_306 to %scan3A_308 step %scan3A_309 iter_args(%scan3A_316 = %scan3A_305) -> (i32)  : i32 {
        %mul3A_317 = arith.constant 2 : i32
        %mul3A_318 = arith.muli %mul3A_317, %scan3A_315 : i32
        %add3A_319 = arith.constant 1 : i32
        %add3A_320 = arith.addi %mul3A_318, %add3A_319 : i32
        %mul3A_321 = arith.constant 128 : i32
        %mul3A_322 = arith.muli %add3A_320, %mul3A_321 : i32
        %add3A_323 = arith.constant 0 : i32
        %add3A_324 = arith.addi %mul3A_322, %add3A_323 : i32
        %mul3A_325 = arith.constant 128 : i32
        %mul3A_326 = arith.muli %add3A_320, %mul3A_325 : i32
        %add3A_327 = arith.constant 0 : i32
        %add3A_328 = arith.addi %mul3A_326, %add3A_327 : i32
        %dma_start3A_329 = arith.constant 0 : i32
        %dma_start3A_330 = arith.constant 0 : i32
        %dma_start3A_331 = tpu.memref_slice %arg11[%dma_start3A_329, %dma_start3A_330] : memref<128x128xf32, #tpu.memory_space<vmem>> -> memref<32x128xf32, #tpu.memory_space<vmem>>
        %dma_start3A_332 = tpu.memref_slice %arg8[%add3A_324] : memref<2048xi32, #tpu.memory_space<vmem>> -> memref<32xi32, #tpu.memory_space<vmem>>
        %dma_start3A_333 = arith.constant 0 : i32
        %dma_start3A_334 = arith.constant 0 : i32
        %dma_start3A_335 = tpu.memref_slice %arg3[%dma_start3A_333, %dma_start3A_334] : memref<10000x128xf32, #tpu.memory_space<hbm>> -> memref<10000x128xf32, #tpu.memory_space<hbm>>
        tpu.enqueue_indirect_dma source(%dma_start3A_335 : memref<10000x128xf32, #tpu.memory_space<hbm>>) target(%dma_start3A_331 : memref<32x128xf32, #tpu.memory_space<vmem>>) offsets(%dma_start3A_332 : memref<32xi32, #tpu.memory_space<vmem>>) semaphore(%arg17 : memref<!tpu.dma_semaphore, #tpu.memory_space<semaphore_mem>>)
        %dma_start3A_336 = arith.constant 0 : i32
        %dma_start3A_337 = arith.constant 0 : i32
        %dma_start3A_338 = tpu.memref_slice %arg13[%dma_start3A_336, %dma_start3A_337] : memref<128x256xf32, #tpu.memory_space<vmem>> -> memref<32x256xf32, #tpu.memory_space<vmem>>
        %dma_start3A_339 = tpu.memref_slice %arg9[%add3A_328] : memref<2048xi32, #tpu.memory_space<vmem>> -> memref<32xi32, #tpu.memory_space<vmem>>
        %dma_start3A_340 = arith.constant 0 : i32
        %dma_start3A_341 = arith.constant 0 : i32
        %dma_start3A_342 = tpu.memref_slice %arg2[%dma_start3A_340, %dma_start3A_341] : memref<10000x256xf32, #tpu.memory_space<hbm>> -> memref<10000x256xf32, #tpu.memory_space<hbm>>
        tpu.enqueue_indirect_dma source(%dma_start3A_342 : memref<10000x256xf32, #tpu.memory_space<hbm>>) target(%dma_start3A_338 : memref<32x256xf32, #tpu.memory_space<vmem>>) offsets(%dma_start3A_339 : memref<32xi32, #tpu.memory_space<vmem>>) semaphore(%arg19 : memref<!tpu.dma_semaphore, #tpu.memory_space<semaphore_mem>>)
        %mul3A_343 = arith.constant 128 : i32
        %mul3A_344 = arith.muli %add3A_320, %mul3A_343 : i32
        %add3A_345 = arith.constant 32 : i32
        %add3A_346 = arith.addi %mul3A_344, %add3A_345 : i32
        %mul3A_347 = arith.constant 128 : i32
        %mul3A_348 = arith.muli %add3A_320, %mul3A_347 : i32
        %add3A_349 = arith.constant 32 : i32
        %add3A_350 = arith.addi %mul3A_348, %add3A_349 : i32
        %dma_start3A_351 = arith.constant 32 : i32
        %dma_start3A_352 = arith.constant 0 : i32
        %dma_start3A_353 = tpu.memref_slice %arg11[%dma_start3A_351, %dma_start3A_352] : memref<128x128xf32, #tpu.memory_space<vmem>> -> memref<32x128xf32, #tpu.memory_space<vmem>>
        %dma_start3A_354 = tpu.memref_slice %arg8[%add3A_346] : memref<2048xi32, #tpu.memory_space<vmem>> -> memref<32xi32, #tpu.memory_space<vmem>>
        %dma_start3A_355 = arith.constant 0 : i32
        %dma_start3A_356 = arith.constant 0 : i32
        %dma_start3A_357 = tpu.memref_slice %arg3[%dma_start3A_355, %dma_start3A_356] : memref<10000x128xf32, #tpu.memory_space<hbm>> -> memref<10000x128xf32, #tpu.memory_space<hbm>>
        tpu.enqueue_indirect_dma source(%dma_start3A_357 : memref<10000x128xf32, #tpu.memory_space<hbm>>) target(%dma_start3A_353 : memref<32x128xf32, #tpu.memory_space<vmem>>) offsets(%dma_start3A_354 : memref<32xi32, #tpu.memory_space<vmem>>) semaphore(%arg17 : memref<!tpu.dma_semaphore, #tpu.memory_space<semaphore_mem>>)
        %dma_start3A_358 = arith.constant 32 : i32
        %dma_start3A_359 = arith.constant 0 : i32
        %dma_start3A_360 = tpu.memref_slice %arg13[%dma_start3A_358, %dma_start3A_359] : memref<128x256xf32, #tpu.memory_space<vmem>> -> memref<32x256xf32, #tpu.memory_space<vmem>>
        %dma_start3A_361 = tpu.memref_slice %arg9[%add3A_350] : memref<2048xi32, #tpu.memory_space<vmem>> -> memref<32xi32, #tpu.memory_space<vmem>>
        %dma_start3A_362 = arith.constant 0 : i32
        %dma_start3A_363 = arith.constant 0 : i32
        %dma_start3A_364 = tpu.memref_slice %arg2[%dma_start3A_362, %dma_start3A_363] : memref<10000x256xf32, #tpu.memory_space<hbm>> -> memref<10000x256xf32, #tpu.memory_space<hbm>>
        tpu.enqueue_indirect_dma source(%dma_start3A_364 : memref<10000x256xf32, #tpu.memory_space<hbm>>) target(%dma_start3A_360 : memref<32x256xf32, #tpu.memory_space<vmem>>) offsets(%dma_start3A_361 : memref<32xi32, #tpu.memory_space<vmem>>) semaphore(%arg19 : memref<!tpu.dma_semaphore, #tpu.memory_space<semaphore_mem>>)
        %mul3A_365 = arith.constant 128 : i32
        %mul3A_366 = arith.muli %add3A_320, %mul3A_365 : i32
        %add3A_367 = arith.constant 64 : i32
        %add3A_368 = arith.addi %mul3A_366, %add3A_367 : i32
        %mul3A_369 = arith.constant 128 : i32
        %mul3A_370 = arith.muli %add3A_320, %mul3A_369 : i32
        %add3A_371 = arith.constant 64 : i32
        %add3A_372 = arith.addi %mul3A_370, %add3A_371 : i32
        %dma_start3A_373 = arith.constant 64 : i32
        %dma_start3A_374 = arith.constant 0 : i32
        %dma_start3A_375 = tpu.memref_slice %arg11[%dma_start3A_373, %dma_start3A_374] : memref<128x128xf32, #tpu.memory_space<vmem>> -> memref<32x128xf32, #tpu.memory_space<vmem>>
        %dma_start3A_376 = tpu.memref_slice %arg8[%add3A_368] : memref<2048xi32, #tpu.memory_space<vmem>> -> memref<32xi32, #tpu.memory_space<vmem>>
        %dma_start3A_377 = arith.constant 0 : i32
        %dma_start3A_378 = arith.constant 0 : i32
        %dma_start3A_379 = tpu.memref_slice %arg3[%dma_start3A_377, %dma_start3A_378] : memref<10000x128xf32, #tpu.memory_space<hbm>> -> memref<10000x128xf32, #tpu.memory_space<hbm>>
        tpu.enqueue_indirect_dma source(%dma_start3A_379 : memref<10000x128xf32, #tpu.memory_space<hbm>>) target(%dma_start3A_375 : memref<32x128xf32, #tpu.memory_space<vmem>>) offsets(%dma_start3A_376 : memref<32xi32, #tpu.memory_space<vmem>>) semaphore(%arg17 : memref<!tpu.dma_semaphore, #tpu.memory_space<semaphore_mem>>)
        %dma_start3A_380 = arith.constant 64 : i32
        %dma_start3A_381 = arith.constant 0 : i32
        %dma_start3A_382 = tpu.memref_slice %arg13[%dma_start3A_380, %dma_start3A_381] : memref<128x256xf32, #tpu.memory_space<vmem>> -> memref<32x256xf32, #tpu.memory_space<vmem>>
        %dma_start3A_383 = tpu.memref_slice %arg9[%add3A_372] : memref<2048xi32, #tpu.memory_space<vmem>> -> memref<32xi32, #tpu.memory_space<vmem>>
        %dma_start3A_384 = arith.constant 0 : i32
        %dma_start3A_385 = arith.constant 0 : i32
        %dma_start3A_386 = tpu.memref_slice %arg2[%dma_start3A_384, %dma_start3A_385] : memref<10000x256xf32, #tpu.memory_space<hbm>> -> memref<10000x256xf32, #tpu.memory_space<hbm>>
        tpu.enqueue_indirect_dma source(%dma_start3A_386 : memref<10000x256xf32, #tpu.memory_space<hbm>>) target(%dma_start3A_382 : memref<32x256xf32, #tpu.memory_space<vmem>>) offsets(%dma_start3A_383 : memref<32xi32, #tpu.memory_space<vmem>>) semaphore(%arg19 : memref<!tpu.dma_semaphore, #tpu.memory_space<semaphore_mem>>)
        %mul3A_387 = arith.constant 128 : i32
        %mul3A_388 = arith.muli %add3A_320, %mul3A_387 : i32
        %add3A_389 = arith.constant 96 : i32
        %add3A_390 = arith.addi %mul3A_388, %add3A_389 : i32
        %mul3A_391 = arith.constant 128 : i32
        %mul3A_392 = arith.muli %add3A_320, %mul3A_391 : i32
        %add3A_393 = arith.constant 96 : i32
        %add3A_394 = arith.addi %mul3A_392, %add3A_393 : i32
        %dma_start3A_395 = arith.constant 96 : i32
        %dma_start3A_396 = arith.constant 0 : i32
        %dma_start3A_397 = tpu.memref_slice %arg11[%dma_start3A_395, %dma_start3A_396] : memref<128x128xf32, #tpu.memory_space<vmem>> -> memref<32x128xf32, #tpu.memory_space<vmem>>
        %dma_start3A_398 = tpu.memref_slice %arg8[%add3A_390] : memref<2048xi32, #tpu.memory_space<vmem>> -> memref<32xi32, #tpu.memory_space<vmem>>
        %dma_start3A_399 = arith.constant 0 : i32
        %dma_start3A_400 = arith.constant 0 : i32
        %dma_start3A_401 = tpu.memref_slice %arg3[%dma_start3A_399, %dma_start3A_400] : memref<10000x128xf32, #tpu.memory_space<hbm>> -> memref<10000x128xf32, #tpu.memory_space<hbm>>
        tpu.enqueue_indirect_dma source(%dma_start3A_401 : memref<10000x128xf32, #tpu.memory_space<hbm>>) target(%dma_start3A_397 : memref<32x128xf32, #tpu.memory_space<vmem>>) offsets(%dma_start3A_398 : memref<32xi32, #tpu.memory_space<vmem>>) semaphore(%arg17 : memref<!tpu.dma_semaphore, #tpu.memory_space<semaphore_mem>>)
        %dma_start3A_402 = arith.constant 96 : i32
        %dma_start3A_403 = arith.constant 0 : i32
        %dma_start3A_404 = tpu.memref_slice %arg13[%dma_start3A_402, %dma_start3A_403] : memref<128x256xf32, #tpu.memory_space<vmem>> -> memref<32x256xf32, #tpu.memory_space<vmem>>
        %dma_start3A_405 = tpu.memref_slice %arg9[%add3A_394] : memref<2048xi32, #tpu.memory_space<vmem>> -> memref<32xi32, #tpu.memory_space<vmem>>
        %dma_start3A_406 = arith.constant 0 : i32
        %dma_start3A_407 = arith.constant 0 : i32
        %dma_start3A_408 = tpu.memref_slice %arg2[%dma_start3A_406, %dma_start3A_407] : memref<10000x256xf32, #tpu.memory_space<hbm>> -> memref<10000x256xf32, #tpu.memory_space<hbm>>
        tpu.enqueue_indirect_dma source(%dma_start3A_408 : memref<10000x256xf32, #tpu.memory_space<hbm>>) target(%dma_start3A_404 : memref<32x256xf32, #tpu.memory_space<vmem>>) offsets(%dma_start3A_405 : memref<32xi32, #tpu.memory_space<vmem>>) semaphore(%arg19 : memref<!tpu.dma_semaphore, #tpu.memory_space<semaphore_mem>>)
        %mul3A_409 = arith.constant 128 : i32
        %mul3A_410 = arith.muli %mul3A_318, %mul3A_409 : i32
        %mul3A_411 = arith.constant 128 : i32
        %mul3A_412 = arith.muli %mul3A_318, %mul3A_411 : i32
        %dma_wait3A_413 = tpu.memref_slice %arg8[%mul3A_410] : memref<2048xi32, #tpu.memory_space<vmem>> -> memref<128xi32, #tpu.memory_space<vmem>>
        %dma_wait3A_414 = arith.constant 0 : i32
        %dma_wait3A_415 = arith.constant 0 : i32
        %dma_wait3A_416 = tpu.memref_slice %arg3[%dma_wait3A_414, %dma_wait3A_415] : memref<10000x128xf32, #tpu.memory_space<hbm>> -> memref<10000x128xf32, #tpu.memory_space<hbm>>
        tpu.wait_indirect_dma semaphore(%arg16 : memref<!tpu.dma_semaphore, #tpu.memory_space<semaphore_mem>>) src(%dma_wait3A_416 : memref<10000x128xf32, #tpu.memory_space<hbm>>) dst(%arg10 : memref<128x128xf32, #tpu.memory_space<vmem>>)
        %dma_wait3A_417 = tpu.memref_slice %arg9[%mul3A_412] : memref<2048xi32, #tpu.memory_space<vmem>> -> memref<128xi32, #tpu.memory_space<vmem>>
        %dma_wait3A_418 = arith.constant 0 : i32
        %dma_wait3A_419 = arith.constant 0 : i32
        %dma_wait3A_420 = tpu.memref_slice %arg2[%dma_wait3A_418, %dma_wait3A_419] : memref<10000x256xf32, #tpu.memory_space<hbm>> -> memref<10000x256xf32, #tpu.memory_space<hbm>>
        tpu.wait_indirect_dma semaphore(%arg18 : memref<!tpu.dma_semaphore, #tpu.memory_space<semaphore_mem>>) src(%dma_wait3A_420 : memref<10000x256xf32, #tpu.memory_space<hbm>>) dst(%arg12 : memref<128x256xf32, #tpu.memory_space<vmem>>)
        %mul3A_421 = arith.constant 128 : i32
        %mul3A_422 = arith.muli %mul3A_318, %mul3A_421 : i32
        %scan3A_423 = arith.constant 0 : i32
        %scan3A_424 = arith.constant 0 : i32
        %scan3A_425 = arith.constant 8 : i32
        %scan3A_426 = arith.addi %scan3A_424, %scan3A_425 : i32
        %scan3A_427 = arith.constant 1 : i32
        %scan3A_428 = scf.for %scan3A_454 = %scan3A_424 to %scan3A_426 step %scan3A_427 iter_args(%scan3A_455 = %scan3A_423) -> (i32)  : i32 {
          %mul3A_456 = arith.constant 16 : i32
          %mul3A_457 = arith.muli %scan3A_454, %mul3A_456 : i32
          %add3A_458 = vector.broadcast %mul3A_457 : i32 to vector<16xi32>
          %add3A_459 = arith.addi %add3A_458, %iota3A : vector<16xi32>
          %scan3A_460 = arith.constant 0 : i32
          %scan3A_461 = arith.constant 16 : i32
          %scan3A_462 = arith.addi %scan3A_460, %scan3A_461 : i32
          %scan3A_463 = arith.constant 1 : i32
          %scan3A_464:5 = scf.for %scan3A_512 = %scan3A_460 to %scan3A_462 step %scan3A_463 iter_args(%scan3A_513 = %broadcast_in_dim3A_62, %scan3A_514 = %broadcast_in_dim3A_62, %scan3A_515 = %broadcast_in_dim3A_62, %scan3A_516 = %broadcast_in_dim3A_62, %scan3A_517 = %broadcast_in_dim3A_64) -> (vector<16xf32>, vector<16xf32>, vector<16xf32>, vector<16xf32>, vector<16xi32>)  : i32 {
            %gather3A = tpu.vector_load_idx %arg10[%add3A_459, %scan3A_517] : memref<128x128xf32, #tpu.memory_space<vmem>>[vector<16xi32>, vector<16xi32>], vector<16xf32>,
            %gather3A_518 = tpu.vector_load_idx %arg12[%add3A_459, %scan3A_517] : memref<128x256xf32, #tpu.memory_space<vmem>>[vector<16xi32>, vector<16xi32>], vector<16xf32>,
            %add3A_519 = arith.constant 128 : i32
            %add3A_520 = vector.broadcast %add3A_519 : i32 to vector<16xi32>
            %add3A_521 = arith.addi %scan3A_517, %add3A_520 : vector<16xi32>
            %gather3A_522 = tpu.vector_load_idx %arg12[%add3A_459, %add3A_521] : memref<128x256xf32, #tpu.memory_space<vmem>>[vector<16xi32>, vector<16xi32>], vector<16xf32>,
            %mul3A_523 = arith.mulf %gather3A, %gather3A_518 : vector<16xf32>
            %add3A_524 = arith.addf %scan3A_513, %mul3A_523 : vector<16xf32>
            %mul3A_525 = arith.mulf %gather3A, %gather3A_522 : vector<16xf32>
            %add3A_526 = arith.addf %scan3A_515, %mul3A_525 : vector<16xf32>
            %add3A_527 = arith.constant 1 : i32
            %add3A_528 = vector.broadcast %add3A_527 : i32 to vector<16xi32>
            %add3A_529 = arith.addi %scan3A_517, %add3A_528 : vector<16xi32>
            %gather3A_530 = tpu.vector_load_idx %arg10[%add3A_459, %add3A_529] : memref<128x128xf32, #tpu.memory_space<vmem>>[vector<16xi32>, vector<16xi32>], vector<16xf32>,
            %gather3A_531 = tpu.vector_load_idx %arg12[%add3A_459, %add3A_529] : memref<128x256xf32, #tpu.memory_space<vmem>>[vector<16xi32>, vector<16xi32>], vector<16xf32>,
            %add3A_532 = arith.constant 128 : i32
            %add3A_533 = vector.broadcast %add3A_532 : i32 to vector<16xi32>
            %add3A_534 = arith.addi %add3A_529, %add3A_533 : vector<16xi32>
            %gather3A_535 = tpu.vector_load_idx %arg12[%add3A_459, %add3A_534] : memref<128x256xf32, #tpu.memory_space<vmem>>[vector<16xi32>, vector<16xi32>], vector<16xf32>,
            %mul3A_536 = arith.mulf %gather3A_530, %gather3A_531 : vector<16xf32>
            %add3A_537 = arith.addf %scan3A_514, %mul3A_536 : vector<16xf32>
            %mul3A_538 = arith.mulf %gather3A_530, %gather3A_535 : vector<16xf32>
            %add3A_539 = arith.addf %scan3A_516, %mul3A_538 : vector<16xf32>
            %add3A_540 = arith.constant 2 : i32
            %add3A_541 = vector.broadcast %add3A_540 : i32 to vector<16xi32>
            %add3A_542 = arith.addi %scan3A_517, %add3A_541 : vector<16xi32>
            %gather3A_543 = tpu.vector_load_idx %arg10[%add3A_459, %add3A_542] : memref<128x128xf32, #tpu.memory_space<vmem>>[vector<16xi32>, vector<16xi32>], vector<16xf32>,
            %gather3A_544 = tpu.vector_load_idx %arg12[%add3A_459, %add3A_542] : memref<128x256xf32, #tpu.memory_space<vmem>>[vector<16xi32>, vector<16xi32>], vector<16xf32>,
            %add3A_545 = arith.constant 128 : i32
            %add3A_546 = vector.broadcast %add3A_545 : i32 to vector<16xi32>
            %add3A_547 = arith.addi %add3A_542, %add3A_546 : vector<16xi32>
            %gather3A_548 = tpu.vector_load_idx %arg12[%add3A_459, %add3A_547] : memref<128x256xf32, #tpu.memory_space<vmem>>[vector<16xi32>, vector<16xi32>], vector<16xf32>,
            %mul3A_549 = arith.mulf %gather3A_543, %gather3A_544 : vector<16xf32>
            %add3A_550 = arith.addf %add3A_524, %mul3A_549 : vector<16xf32>
            %mul3A_551 = arith.mulf %gather3A_543, %gather3A_548 : vector<16xf32>
            %add3A_552 = arith.addf %add3A_526, %mul3A_551 : vector<16xf32>
            %add3A_553 = arith.constant 3 : i32
            %add3A_554 = vector.broadcast %add3A_553 : i32 to vector<16xi32>
            %add3A_555 = arith.addi %scan3A_517, %add3A_554 : vector<16xi32>
            %gather3A_556 = tpu.vector_load_idx %arg10[%add3A_459, %add3A_555] : memref<128x128xf32, #tpu.memory_space<vmem>>[vector<16xi32>, vector<16xi32>], vector<16xf32>,
            %gather3A_557 = tpu.vector_load_idx %arg12[%add3A_459, %add3A_555] : memref<128x256xf32, #tpu.memory_space<vmem>>[vector<16xi32>, vector<16xi32>], vector<16xf32>,
            %add3A_558 = arith.constant 128 : i32
            %add3A_559 = vector.broadcast %add3A_558 : i32 to vector<16xi32>
            %add3A_560 = arith.addi %add3A_555, %add3A_559 : vector<16xi32>
            %gather3A_561 = tpu.vector_load_idx %arg12[%add3A_459, %add3A_560] : memref<128x256xf32, #tpu.memory_space<vmem>>[vector<16xi32>, vector<16xi32>], vector<16xf32>,
            %mul3A_562 = arith.mulf %gather3A_556, %gather3A_557 : vector<16xf32>
            %add3A_563 = arith.addf %add3A_537, %mul3A_562 : vector<16xf32>
            %mul3A_564 = arith.mulf %gather3A_556, %gather3A_561 : vector<16xf32>
            %add3A_565 = arith.addf %add3A_539, %mul3A_564 : vector<16xf32>
            %add3A_566 = arith.constant 4 : i32
            %add3A_567 = vector.broadcast %add3A_566 : i32 to vector<16xi32>
            %add3A_568 = arith.addi %scan3A_517, %add3A_567 : vector<16xi32>
            %gather3A_569 = tpu.vector_load_idx %arg10[%add3A_459, %add3A_568] : memref<128x128xf32, #tpu.memory_space<vmem>>[vector<16xi32>, vector<16xi32>], vector<16xf32>,
            %gather3A_570 = tpu.vector_load_idx %arg12[%add3A_459, %add3A_568] : memref<128x256xf32, #tpu.memory_space<vmem>>[vector<16xi32>, vector<16xi32>], vector<16xf32>,
            %add3A_571 = arith.constant 128 : i32
            %add3A_572 = vector.broadcast %add3A_571 : i32 to vector<16xi32>
            %add3A_573 = arith.addi %add3A_568, %add3A_572 : vector<16xi32>
            %gather3A_574 = tpu.vector_load_idx %arg12[%add3A_459, %add3A_573] : memref<128x256xf32, #tpu.memory_space<vmem>>[vector<16xi32>, vector<16xi32>], vector<16xf32>,
            %mul3A_575 = arith.mulf %gather3A_569, %gather3A_570 : vector<16xf32>
            %add3A_576 = arith.addf %add3A_550, %mul3A_575 : vector<16xf32>
            %mul3A_577 = arith.mulf %gather3A_569, %gather3A_574 : vector<16xf32>
            %add3A_578 = arith.addf %add3A_552, %mul3A_577 : vector<16xf32>
            %add3A_579 = arith.constant 5 : i32
            %add3A_580 = vector.broadcast %add3A_579 : i32 to vector<16xi32>
            %add3A_581 = arith.addi %scan3A_517, %add3A_580 : vector<16xi32>
            %gather3A_582 = tpu.vector_load_idx %arg10[%add3A_459, %add3A_581] : memref<128x128xf32, #tpu.memory_space<vmem>>[vector<16xi32>, vector<16xi32>], vector<16xf32>,
            %gather3A_583 = tpu.vector_load_idx %arg12[%add3A_459, %add3A_581] : memref<128x256xf32, #tpu.memory_space<vmem>>[vector<16xi32>, vector<16xi32>], vector<16xf32>,
            %add3A_584 = arith.constant 128 : i32
            %add3A_585 = vector.broadcast %add3A_584 : i32 to vector<16xi32>
            %add3A_586 = arith.addi %add3A_581, %add3A_585 : vector<16xi32>
            %gather3A_587 = tpu.vector_load_idx %arg12[%add3A_459, %add3A_586] : memref<128x256xf32, #tpu.memory_space<vmem>>[vector<16xi32>, vector<16xi32>], vector<16xf32>,
            %mul3A_588 = arith.mulf %gather3A_582, %gather3A_583 : vector<16xf32>
            %add3A_589 = arith.addf %add3A_563, %mul3A_588 : vector<16xf32>
            %mul3A_590 = arith.mulf %gather3A_582, %gather3A_587 : vector<16xf32>
            %add3A_591 = arith.addf %add3A_565, %mul3A_590 : vector<16xf32>
            %add3A_592 = arith.constant 6 : i32
            %add3A_593 = vector.broadcast %add3A_592 : i32 to vector<16xi32>
            %add3A_594 = arith.addi %scan3A_517, %add3A_593 : vector<16xi32>
            %gather3A_595 = tpu.vector_load_idx %arg10[%add3A_459, %add3A_594] : memref<128x128xf32, #tpu.memory_space<vmem>>[vector<16xi32>, vector<16xi32>], vector<16xf32>,
            %gather3A_596 = tpu.vector_load_idx %arg12[%add3A_459, %add3A_594] : memref<128x256xf32, #tpu.memory_space<vmem>>[vector<16xi32>, vector<16xi32>], vector<16xf32>,
            %add3A_597 = arith.constant 128 : i32
            %add3A_598 = vector.broadcast %add3A_597 : i32 to vector<16xi32>
            %add3A_599 = arith.addi %add3A_594, %add3A_598 : vector<16xi32>
            %gather3A_600 = tpu.vector_load_idx %arg12[%add3A_459, %add3A_599] : memref<128x256xf32, #tpu.memory_space<vmem>>[vector<16xi32>, vector<16xi32>], vector<16xf32>,
            %mul3A_601 = arith.mulf %gather3A_595, %gather3A_596 : vector<16xf32>
            %add3A_602 = arith.addf %add3A_576, %mul3A_601 : vector<16xf32>
            %mul3A_603 = arith.mulf %gather3A_595, %gather3A_600 : vector<16xf32>
            %add3A_604 = arith.addf %add3A_578, %mul3A_603 : vector<16xf32>
            %add3A_605 = arith.constant 7 : i32
            %add3A_606 = vector.broadcast %add3A_605 : i32 to vector<16xi32>
            %add3A_607 = arith.addi %scan3A_517, %add3A_606 : vector<16xi32>
            %gather3A_608 = tpu.vector_load_idx %arg10[%add3A_459, %add3A_607] : memref<128x128xf32, #tpu.memory_space<vmem>>[vector<16xi32>, vector<16xi32>], vector<16xf32>,
            %gather3A_609 = tpu.vector_load_idx %arg12[%add3A_459, %add3A_607] : memref<128x256xf32, #tpu.memory_space<vmem>>[vector<16xi32>, vector<16xi32>], vector<16xf32>,
            %add3A_610 = arith.constant 128 : i32
            %add3A_611 = vector.broadcast %add3A_610 : i32 to vector<16xi32>
            %add3A_612 = arith.addi %add3A_607, %add3A_611 : vector<16xi32>
            %gather3A_613 = tpu.vector_load_idx %arg12[%add3A_459, %add3A_612] : memref<128x256xf32, #tpu.memory_space<vmem>>[vector<16xi32>, vector<16xi32>], vector<16xf32>,
            %mul3A_614 = arith.mulf %gather3A_608, %gather3A_609 : vector<16xf32>
            %add3A_615 = arith.addf %add3A_589, %mul3A_614 : vector<16xf32>
            %mul3A_616 = arith.mulf %gather3A_608, %gather3A_613 : vector<16xf32>
            %add3A_617 = arith.addf %add3A_591, %mul3A_616 : vector<16xf32>
            %add3A_618 = arith.constant 8 : i32
            %add3A_619 = vector.broadcast %add3A_618 : i32 to vector<16xi32>
            %add3A_620 = arith.addi %scan3A_517, %add3A_619 : vector<16xi32>
            scf.yield %add3A_602, %add3A_615, %add3A_604, %add3A_617, %add3A_620 : vector<16xf32>, vector<16xf32>, vector<16xf32>, vector<16xf32>, vector<16xi32>
          }
          %scan3A_465 = arith.constant 16 : i32
          %add3A_466 = arith.addf %scan3A_464#0, %scan3A_464#1 : vector<16xf32>
          %add3A_467 = arith.addf %scan3A_464#2, %scan3A_464#3 : vector<16xf32>
          %mul3A_468 = arith.constant 16 : i32
          %mul3A_469 = arith.muli %scan3A_454, %mul3A_468 : i32
          %add3A_470 = arith.addi %mul3A_422, %mul3A_469 : i32
          %add3A_471 = vector.broadcast %add3A_470 : i32 to vector<16xi32>
          %add3A_472 = arith.addi %add3A_471, %iota3A : vector<16xi32>
          %mul3A_473 = arith.constant 5 : i32
          %mul3A_474 = vector.broadcast %mul3A_473 : i32 to vector<16xi32>
          %mul3A_475 = arith.muli %add3A_472, %mul3A_474 : vector<16xi32>
          %mul3A_476 = arith.mulf %add3A_466, %get3A_5 : vector<16xf32>
          %mul3A_477 = arith.mulf %add3A_467, %get3A_25 : vector<16xf32>
          %add3A_478 = arith.addf %mul3A_476, %mul3A_477 : vector<16xf32>
          %add3A_479 = arith.addf %add3A_478, %get3A_45 : vector<16xf32>
          %add3A_480 = arith.constant 0 : i32
          %add3A_481 = vector.broadcast %add3A_480 : i32 to vector<16xi32>
          %add3A_482 = arith.addi %mul3A_475, %add3A_481 : vector<16xi32>
          tpu.vector_store_idx %arg14[%add3A_482], %add3A_479 : memref<10240xf32, #tpu.memory_space<vmem>>[vector<16xi32>], vector<16xf32>,
          %mul3A_483 = arith.mulf %add3A_466, %get3A_9 : vector<16xf32>
          %mul3A_484 = arith.mulf %add3A_467, %get3A_29 : vector<16xf32>
          %add3A_485 = arith.addf %mul3A_483, %mul3A_484 : vector<16xf32>
          %add3A_486 = arith.addf %add3A_485, %get3A_49 : vector<16xf32>
          %add3A_487 = arith.constant 1 : i32
          %add3A_488 = vector.broadcast %add3A_487 : i32 to vector<16xi32>
          %add3A_489 = arith.addi %mul3A_475, %add3A_488 : vector<16xi32>
          tpu.vector_store_idx %arg14[%add3A_489], %add3A_486 : memref<10240xf32, #tpu.memory_space<vmem>>[vector<16xi32>], vector<16xf32>,
          %mul3A_490 = arith.mulf %add3A_466, %get3A_13 : vector<16xf32>
          %mul3A_491 = arith.mulf %add3A_467, %get3A_33 : vector<16xf32>
          %add3A_492 = arith.addf %mul3A_490, %mul3A_491 : vector<16xf32>
          %add3A_493 = arith.addf %add3A_492, %get3A_53 : vector<16xf32>
          %add3A_494 = arith.constant 2 : i32
          %add3A_495 = vector.broadcast %add3A_494 : i32 to vector<16xi32>
          %add3A_496 = arith.addi %mul3A_475, %add3A_495 : vector<16xi32>
          tpu.vector_store_idx %arg14[%add3A_496], %add3A_493 : memref<10240xf32, #tpu.memory_space<vmem>>[vector<16xi32>], vector<16xf32>,
          %mul3A_497 = arith.mulf %add3A_466, %get3A_17 : vector<16xf32>
          %mul3A_498 = arith.mulf %add3A_467, %get3A_37 : vector<16xf32>
          %add3A_499 = arith.addf %mul3A_497, %mul3A_498 : vector<16xf32>
          %add3A_500 = arith.addf %add3A_499, %get3A_57 : vector<16xf32>
          %add3A_501 = arith.constant 3 : i32
          %add3A_502 = vector.broadcast %add3A_501 : i32 to vector<16xi32>
          %add3A_503 = arith.addi %mul3A_475, %add3A_502 : vector<16xi32>
          tpu.vector_store_idx %arg14[%add3A_503], %add3A_500 : memref<10240xf32, #tpu.memory_space<vmem>>[vector<16xi32>], vector<16xf32>,
          %mul3A_504 = arith.mulf %add3A_466, %get3A_21 : vector<16xf32>
          %mul3A_505 = arith.mulf %add3A_467, %get3A_41 : vector<16xf32>
          %add3A_506 = arith.addf %mul3A_504, %mul3A_505 : vector<16xf32>
          %add3A_507 = arith.addf %add3A_506, %get3A_61 : vector<16xf32>
          %add3A_508 = arith.constant 4 : i32
          %add3A_509 = vector.broadcast %add3A_508 : i32 to vector<16xi32>
          %add3A_510 = arith.addi %mul3A_475, %add3A_509 : vector<16xi32>
          tpu.vector_store_idx %arg14[%add3A_510], %add3A_507 : memref<10240xf32, #tpu.memory_space<vmem>>[vector<16xi32>], vector<16xf32>,
          %scan3A_511 = arith.constant 0 : i32
          scf.yield %scan3A_511 : i32
        }
        %scan3A_429 = arith.constant 8 : i32
        %lt3A = arith.constant 7 : i32
        %lt3A_430 = arith.cmpi slt, %scan3A_315, %lt3A : i32
        %convert_element_type3A = arith.extui %lt3A_430 : i1 to i32
        %cond3A = arith.constant 0 : i32
        %cond3A_431 = arith.cmpi ne, %convert_element_type3A, %cond3A : i32
        scf.if %cond3A_431 {
          %add3A_454 = arith.constant 2 : i32
          %add3A_455 = arith.addi %mul3A_318, %add3A_454 : i32
          %mul3A_456 = arith.constant 128 : i32
          %mul3A_457 = arith.muli %add3A_455, %mul3A_456 : i32
          %add3A_458 = arith.constant 0 : i32
          %add3A_459 = arith.addi %mul3A_457, %add3A_458 : i32
          %mul3A_460 = arith.constant 128 : i32
          %mul3A_461 = arith.muli %add3A_455, %mul3A_460 : i32
          %add3A_462 = arith.constant 0 : i32
          %add3A_463 = arith.addi %mul3A_461, %add3A_462 : i32
          %dma_start3A_464 = arith.constant 0 : i32
          %dma_start3A_465 = arith.constant 0 : i32
          %dma_start3A_466 = tpu.memref_slice %arg10[%dma_start3A_464, %dma_start3A_465] : memref<128x128xf32, #tpu.memory_space<vmem>> -> memref<32x128xf32, #tpu.memory_space<vmem>>
          %dma_start3A_467 = tpu.memref_slice %arg8[%add3A_459] : memref<2048xi32, #tpu.memory_space<vmem>> -> memref<32xi32, #tpu.memory_space<vmem>>
          %dma_start3A_468 = arith.constant 0 : i32
          %dma_start3A_469 = arith.constant 0 : i32
          %dma_start3A_470 = tpu.memref_slice %arg3[%dma_start3A_468, %dma_start3A_469] : memref<10000x128xf32, #tpu.memory_space<hbm>> -> memref<10000x128xf32, #tpu.memory_space<hbm>>
          tpu.enqueue_indirect_dma source(%dma_start3A_470 : memref<10000x128xf32, #tpu.memory_space<hbm>>) target(%dma_start3A_466 : memref<32x128xf32, #tpu.memory_space<vmem>>) offsets(%dma_start3A_467 : memref<32xi32, #tpu.memory_space<vmem>>) semaphore(%arg16 : memref<!tpu.dma_semaphore, #tpu.memory_space<semaphore_mem>>)
          %dma_start3A_471 = arith.constant 0 : i32
          %dma_start3A_472 = arith.constant 0 : i32
          %dma_start3A_473 = tpu.memref_slice %arg12[%dma_start3A_471, %dma_start3A_472] : memref<128x256xf32, #tpu.memory_space<vmem>> -> memref<32x256xf32, #tpu.memory_space<vmem>>
          %dma_start3A_474 = tpu.memref_slice %arg9[%add3A_463] : memref<2048xi32, #tpu.memory_space<vmem>> -> memref<32xi32, #tpu.memory_space<vmem>>
          %dma_start3A_475 = arith.constant 0 : i32
          %dma_start3A_476 = arith.constant 0 : i32
          %dma_start3A_477 = tpu.memref_slice %arg2[%dma_start3A_475, %dma_start3A_476] : memref<10000x256xf32, #tpu.memory_space<hbm>> -> memref<10000x256xf32, #tpu.memory_space<hbm>>
          tpu.enqueue_indirect_dma source(%dma_start3A_477 : memref<10000x256xf32, #tpu.memory_space<hbm>>) target(%dma_start3A_473 : memref<32x256xf32, #tpu.memory_space<vmem>>) offsets(%dma_start3A_474 : memref<32xi32, #tpu.memory_space<vmem>>) semaphore(%arg18 : memref<!tpu.dma_semaphore, #tpu.memory_space<semaphore_mem>>)
          %mul3A_478 = arith.constant 128 : i32
          %mul3A_479 = arith.muli %add3A_455, %mul3A_478 : i32
          %add3A_480 = arith.constant 32 : i32
          %add3A_481 = arith.addi %mul3A_479, %add3A_480 : i32
          %mul3A_482 = arith.constant 128 : i32
          %mul3A_483 = arith.muli %add3A_455, %mul3A_482 : i32
          %add3A_484 = arith.constant 32 : i32
          %add3A_485 = arith.addi %mul3A_483, %add3A_484 : i32
          %dma_start3A_486 = arith.constant 32 : i32
          %dma_start3A_487 = arith.constant 0 : i32
          %dma_start3A_488 = tpu.memref_slice %arg10[%dma_start3A_486, %dma_start3A_487] : memref<128x128xf32, #tpu.memory_space<vmem>> -> memref<32x128xf32, #tpu.memory_space<vmem>>
          %dma_start3A_489 = tpu.memref_slice %arg8[%add3A_481] : memref<2048xi32, #tpu.memory_space<vmem>> -> memref<32xi32, #tpu.memory_space<vmem>>
          %dma_start3A_490 = arith.constant 0 : i32
          %dma_start3A_491 = arith.constant 0 : i32
          %dma_start3A_492 = tpu.memref_slice %arg3[%dma_start3A_490, %dma_start3A_491] : memref<10000x128xf32, #tpu.memory_space<hbm>> -> memref<10000x128xf32, #tpu.memory_space<hbm>>
          tpu.enqueue_indirect_dma source(%dma_start3A_492 : memref<10000x128xf32, #tpu.memory_space<hbm>>) target(%dma_start3A_488 : memref<32x128xf32, #tpu.memory_space<vmem>>) offsets(%dma_start3A_489 : memref<32xi32, #tpu.memory_space<vmem>>) semaphore(%arg16 : memref<!tpu.dma_semaphore, #tpu.memory_space<semaphore_mem>>)
          %dma_start3A_493 = arith.constant 32 : i32
          %dma_start3A_494 = arith.constant 0 : i32
          %dma_start3A_495 = tpu.memref_slice %arg12[%dma_start3A_493, %dma_start3A_494] : memref<128x256xf32, #tpu.memory_space<vmem>> -> memref<32x256xf32, #tpu.memory_space<vmem>>
          %dma_start3A_496 = tpu.memref_slice %arg9[%add3A_485] : memref<2048xi32, #tpu.memory_space<vmem>> -> memref<32xi32, #tpu.memory_space<vmem>>
          %dma_start3A_497 = arith.constant 0 : i32
          %dma_start3A_498 = arith.constant 0 : i32
          %dma_start3A_499 = tpu.memref_slice %arg2[%dma_start3A_497, %dma_start3A_498] : memref<10000x256xf32, #tpu.memory_space<hbm>> -> memref<10000x256xf32, #tpu.memory_space<hbm>>
          tpu.enqueue_indirect_dma source(%dma_start3A_499 : memref<10000x256xf32, #tpu.memory_space<hbm>>) target(%dma_start3A_495 : memref<32x256xf32, #tpu.memory_space<vmem>>) offsets(%dma_start3A_496 : memref<32xi32, #tpu.memory_space<vmem>>) semaphore(%arg18 : memref<!tpu.dma_semaphore, #tpu.memory_space<semaphore_mem>>)
          %mul3A_500 = arith.constant 128 : i32
          %mul3A_501 = arith.muli %add3A_455, %mul3A_500 : i32
          %add3A_502 = arith.constant 64 : i32
          %add3A_503 = arith.addi %mul3A_501, %add3A_502 : i32
          %mul3A_504 = arith.constant 128 : i32
          %mul3A_505 = arith.muli %add3A_455, %mul3A_504 : i32
          %add3A_506 = arith.constant 64 : i32
          %add3A_507 = arith.addi %mul3A_505, %add3A_506 : i32
          %dma_start3A_508 = arith.constant 64 : i32
          %dma_start3A_509 = arith.constant 0 : i32
          %dma_start3A_510 = tpu.memref_slice %arg10[%dma_start3A_508, %dma_start3A_509] : memref<128x128xf32, #tpu.memory_space<vmem>> -> memref<32x128xf32, #tpu.memory_space<vmem>>
          %dma_start3A_511 = tpu.memref_slice %arg8[%add3A_503] : memref<2048xi32, #tpu.memory_space<vmem>> -> memref<32xi32, #tpu.memory_space<vmem>>
          %dma_start3A_512 = arith.constant 0 : i32
          %dma_start3A_513 = arith.constant 0 : i32
          %dma_start3A_514 = tpu.memref_slice %arg3[%dma_start3A_512, %dma_start3A_513] : memref<10000x128xf32, #tpu.memory_space<hbm>> -> memref<10000x128xf32, #tpu.memory_space<hbm>>
          tpu.enqueue_indirect_dma source(%dma_start3A_514 : memref<10000x128xf32, #tpu.memory_space<hbm>>) target(%dma_start3A_510 : memref<32x128xf32, #tpu.memory_space<vmem>>) offsets(%dma_start3A_511 : memref<32xi32, #tpu.memory_space<vmem>>) semaphore(%arg16 : memref<!tpu.dma_semaphore, #tpu.memory_space<semaphore_mem>>)
          %dma_start3A_515 = arith.constant 64 : i32
          %dma_start3A_516 = arith.constant 0 : i32
          %dma_start3A_517 = tpu.memref_slice %arg12[%dma_start3A_515, %dma_start3A_516] : memref<128x256xf32, #tpu.memory_space<vmem>> -> memref<32x256xf32, #tpu.memory_space<vmem>>
          %dma_start3A_518 = tpu.memref_slice %arg9[%add3A_507] : memref<2048xi32, #tpu.memory_space<vmem>> -> memref<32xi32, #tpu.memory_space<vmem>>
          %dma_start3A_519 = arith.constant 0 : i32
          %dma_start3A_520 = arith.constant 0 : i32
          %dma_start3A_521 = tpu.memref_slice %arg2[%dma_start3A_519, %dma_start3A_520] : memref<10000x256xf32, #tpu.memory_space<hbm>> -> memref<10000x256xf32, #tpu.memory_space<hbm>>
          tpu.enqueue_indirect_dma source(%dma_start3A_521 : memref<10000x256xf32, #tpu.memory_space<hbm>>) target(%dma_start3A_517 : memref<32x256xf32, #tpu.memory_space<vmem>>) offsets(%dma_start3A_518 : memref<32xi32, #tpu.memory_space<vmem>>) semaphore(%arg18 : memref<!tpu.dma_semaphore, #tpu.memory_space<semaphore_mem>>)
          %mul3A_522 = arith.constant 128 : i32
          %mul3A_523 = arith.muli %add3A_455, %mul3A_522 : i32
          %add3A_524 = arith.constant 96 : i32
          %add3A_525 = arith.addi %mul3A_523, %add3A_524 : i32
          %mul3A_526 = arith.constant 128 : i32
          %mul3A_527 = arith.muli %add3A_455, %mul3A_526 : i32
          %add3A_528 = arith.constant 96 : i32
          %add3A_529 = arith.addi %mul3A_527, %add3A_528 : i32
          %dma_start3A_530 = arith.constant 96 : i32
          %dma_start3A_531 = arith.constant 0 : i32
          %dma_start3A_532 = tpu.memref_slice %arg10[%dma_start3A_530, %dma_start3A_531] : memref<128x128xf32, #tpu.memory_space<vmem>> -> memref<32x128xf32, #tpu.memory_space<vmem>>
          %dma_start3A_533 = tpu.memref_slice %arg8[%add3A_525] : memref<2048xi32, #tpu.memory_space<vmem>> -> memref<32xi32, #tpu.memory_space<vmem>>
          %dma_start3A_534 = arith.constant 0 : i32
          %dma_start3A_535 = arith.constant 0 : i32
          %dma_start3A_536 = tpu.memref_slice %arg3[%dma_start3A_534, %dma_start3A_535] : memref<10000x128xf32, #tpu.memory_space<hbm>> -> memref<10000x128xf32, #tpu.memory_space<hbm>>
          tpu.enqueue_indirect_dma source(%dma_start3A_536 : memref<10000x128xf32, #tpu.memory_space<hbm>>) target(%dma_start3A_532 : memref<32x128xf32, #tpu.memory_space<vmem>>) offsets(%dma_start3A_533 : memref<32xi32, #tpu.memory_space<vmem>>) semaphore(%arg16 : memref<!tpu.dma_semaphore, #tpu.memory_space<semaphore_mem>>)
          %dma_start3A_537 = arith.constant 96 : i32
          %dma_start3A_538 = arith.constant 0 : i32
          %dma_start3A_539 = tpu.memref_slice %arg12[%dma_start3A_537, %dma_start3A_538] : memref<128x256xf32, #tpu.memory_space<vmem>> -> memref<32x256xf32, #tpu.memory_space<vmem>>
          %dma_start3A_540 = tpu.memref_slice %arg9[%add3A_529] : memref<2048xi32, #tpu.memory_space<vmem>> -> memref<32xi32, #tpu.memory_space<vmem>>
          %dma_start3A_541 = arith.constant 0 : i32
          %dma_start3A_542 = arith.constant 0 : i32
          %dma_start3A_543 = tpu.memref_slice %arg2[%dma_start3A_541, %dma_start3A_542] : memref<10000x256xf32, #tpu.memory_space<hbm>> -> memref<10000x256xf32, #tpu.memory_space<hbm>>
          tpu.enqueue_indirect_dma source(%dma_start3A_543 : memref<10000x256xf32, #tpu.memory_space<hbm>>) target(%dma_start3A_539 : memref<32x256xf32, #tpu.memory_space<vmem>>) offsets(%dma_start3A_540 : memref<32xi32, #tpu.memory_space<vmem>>) semaphore(%arg18 : memref<!tpu.dma_semaphore, #tpu.memory_space<semaphore_mem>>)
        } else {
        }
        %mul3A_432 = arith.constant 128 : i32
        %mul3A_433 = arith.muli %add3A_320, %mul3A_432 : i32
        %mul3A_434 = arith.constant 128 : i32
        %mul3A_435 = arith.muli %add3A_320, %mul3A_434 : i32
        %dma_wait3A_436 = tpu.memref_slice %arg8[%mul3A_433] : memref<2048xi32, #tpu.memory_space<vmem>> -> memref<128xi32, #tpu.memory_space<vmem>>
        %dma_wait3A_437 = arith.constant 0 : i32
        %dma_wait3A_438 = arith.constant 0 : i32
        %dma_wait3A_439 = tpu.memref_slice %arg3[%dma_wait3A_437, %dma_wait3A_438] : memref<10000x128xf32, #tpu.memory_space<hbm>> -> memref<10000x128xf32, #tpu.memory_space<hbm>>
        tpu.wait_indirect_dma semaphore(%arg17 : memref<!tpu.dma_semaphore, #tpu.memory_space<semaphore_mem>>) src(%dma_wait3A_439 : memref<10000x128xf32, #tpu.memory_space<hbm>>) dst(%arg11 : memref<128x128xf32, #tpu.memory_space<vmem>>)
        %dma_wait3A_440 = tpu.memref_slice %arg9[%mul3A_435] : memref<2048xi32, #tpu.memory_space<vmem>> -> memref<128xi32, #tpu.memory_space<vmem>>
        %dma_wait3A_441 = arith.constant 0 : i32
        %dma_wait3A_442 = arith.constant 0 : i32
        %dma_wait3A_443 = tpu.memref_slice %arg2[%dma_wait3A_441, %dma_wait3A_442] : memref<10000x256xf32, #tpu.memory_space<hbm>> -> memref<10000x256xf32, #tpu.memory_space<hbm>>
        tpu.wait_indirect_dma semaphore(%arg19 : memref<!tpu.dma_semaphore, #tpu.memory_space<semaphore_mem>>) src(%dma_wait3A_443 : memref<10000x256xf32, #tpu.memory_space<hbm>>) dst(%arg13 : memref<128x256xf32, #tpu.memory_space<vmem>>)
        %mul3A_444 = arith.constant 128 : i32
        %mul3A_445 = arith.muli %add3A_320, %mul3A_444 : i32
        %scan3A_446 = arith.constant 0 : i32
        %scan3A_447 = arith.constant 0 : i32
        %scan3A_448 = arith.constant 8 : i32
        %scan3A_449 = arith.addi %scan3A_447, %scan3A_448 : i32
        %scan3A_450 = arith.constant 1 : i32
        %scan3A_451 = scf.for %scan3A_454 = %scan3A_447 to %scan3A_449 step %scan3A_450 iter_args(%scan3A_455 = %scan3A_446) -> (i32)  : i32 {
          %mul3A_456 = arith.constant 16 : i32
          %mul3A_457 = arith.muli %scan3A_454, %mul3A_456 : i32
          %add3A_458 = vector.broadcast %mul3A_457 : i32 to vector<16xi32>
          %add3A_459 = arith.addi %add3A_458, %iota3A : vector<16xi32>
          %scan3A_460 = arith.constant 0 : i32
          %scan3A_461 = arith.constant 16 : i32
          %scan3A_462 = arith.addi %scan3A_460, %scan3A_461 : i32
          %scan3A_463 = arith.constant 1 : i32
          %scan3A_464:5 = scf.for %scan3A_512 = %scan3A_460 to %scan3A_462 step %scan3A_463 iter_args(%scan3A_513 = %broadcast_in_dim3A_62, %scan3A_514 = %broadcast_in_dim3A_62, %scan3A_515 = %broadcast_in_dim3A_62, %scan3A_516 = %broadcast_in_dim3A_62, %scan3A_517 = %broadcast_in_dim3A_64) -> (vector<16xf32>, vector<16xf32>, vector<16xf32>, vector<16xf32>, vector<16xi32>)  : i32 {
            %gather3A = tpu.vector_load_idx %arg11[%add3A_459, %scan3A_517] : memref<128x128xf32, #tpu.memory_space<vmem>>[vector<16xi32>, vector<16xi32>], vector<16xf32>,
            %gather3A_518 = tpu.vector_load_idx %arg13[%add3A_459, %scan3A_517] : memref<128x256xf32, #tpu.memory_space<vmem>>[vector<16xi32>, vector<16xi32>], vector<16xf32>,
            %add3A_519 = arith.constant 128 : i32
            %add3A_520 = vector.broadcast %add3A_519 : i32 to vector<16xi32>
            %add3A_521 = arith.addi %scan3A_517, %add3A_520 : vector<16xi32>
            %gather3A_522 = tpu.vector_load_idx %arg13[%add3A_459, %add3A_521] : memref<128x256xf32, #tpu.memory_space<vmem>>[vector<16xi32>, vector<16xi32>], vector<16xf32>,
            %mul3A_523 = arith.mulf %gather3A, %gather3A_518 : vector<16xf32>
            %add3A_524 = arith.addf %scan3A_513, %mul3A_523 : vector<16xf32>
            %mul3A_525 = arith.mulf %gather3A, %gather3A_522 : vector<16xf32>
            %add3A_526 = arith.addf %scan3A_515, %mul3A_525 : vector<16xf32>
            %add3A_527 = arith.constant 1 : i32
            %add3A_528 = vector.broadcast %add3A_527 : i32 to vector<16xi32>
            %add3A_529 = arith.addi %scan3A_517, %add3A_528 : vector<16xi32>
            %gather3A_530 = tpu.vector_load_idx %arg11[%add3A_459, %add3A_529] : memref<128x128xf32, #tpu.memory_space<vmem>>[vector<16xi32>, vector<16xi32>], vector<16xf32>,
            %gather3A_531 = tpu.vector_load_idx %arg13[%add3A_459, %add3A_529] : memref<128x256xf32, #tpu.memory_space<vmem>>[vector<16xi32>, vector<16xi32>], vector<16xf32>,
            %add3A_532 = arith.constant 128 : i32
            %add3A_533 = vector.broadcast %add3A_532 : i32 to vector<16xi32>
            %add3A_534 = arith.addi %add3A_529, %add3A_533 : vector<16xi32>
            %gather3A_535 = tpu.vector_load_idx %arg13[%add3A_459, %add3A_534] : memref<128x256xf32, #tpu.memory_space<vmem>>[vector<16xi32>, vector<16xi32>], vector<16xf32>,
            %mul3A_536 = arith.mulf %gather3A_530, %gather3A_531 : vector<16xf32>
            %add3A_537 = arith.addf %scan3A_514, %mul3A_536 : vector<16xf32>
            %mul3A_538 = arith.mulf %gather3A_530, %gather3A_535 : vector<16xf32>
            %add3A_539 = arith.addf %scan3A_516, %mul3A_538 : vector<16xf32>
            %add3A_540 = arith.constant 2 : i32
            %add3A_541 = vector.broadcast %add3A_540 : i32 to vector<16xi32>
            %add3A_542 = arith.addi %scan3A_517, %add3A_541 : vector<16xi32>
            %gather3A_543 = tpu.vector_load_idx %arg11[%add3A_459, %add3A_542] : memref<128x128xf32, #tpu.memory_space<vmem>>[vector<16xi32>, vector<16xi32>], vector<16xf32>,
            %gather3A_544 = tpu.vector_load_idx %arg13[%add3A_459, %add3A_542] : memref<128x256xf32, #tpu.memory_space<vmem>>[vector<16xi32>, vector<16xi32>], vector<16xf32>,
            %add3A_545 = arith.constant 128 : i32
            %add3A_546 = vector.broadcast %add3A_545 : i32 to vector<16xi32>
            %add3A_547 = arith.addi %add3A_542, %add3A_546 : vector<16xi32>
            %gather3A_548 = tpu.vector_load_idx %arg13[%add3A_459, %add3A_547] : memref<128x256xf32, #tpu.memory_space<vmem>>[vector<16xi32>, vector<16xi32>], vector<16xf32>,
            %mul3A_549 = arith.mulf %gather3A_543, %gather3A_544 : vector<16xf32>
            %add3A_550 = arith.addf %add3A_524, %mul3A_549 : vector<16xf32>
            %mul3A_551 = arith.mulf %gather3A_543, %gather3A_548 : vector<16xf32>
            %add3A_552 = arith.addf %add3A_526, %mul3A_551 : vector<16xf32>
            %add3A_553 = arith.constant 3 : i32
            %add3A_554 = vector.broadcast %add3A_553 : i32 to vector<16xi32>
            %add3A_555 = arith.addi %scan3A_517, %add3A_554 : vector<16xi32>
            %gather3A_556 = tpu.vector_load_idx %arg11[%add3A_459, %add3A_555] : memref<128x128xf32, #tpu.memory_space<vmem>>[vector<16xi32>, vector<16xi32>], vector<16xf32>,
            %gather3A_557 = tpu.vector_load_idx %arg13[%add3A_459, %add3A_555] : memref<128x256xf32, #tpu.memory_space<vmem>>[vector<16xi32>, vector<16xi32>], vector<16xf32>,
            %add3A_558 = arith.constant 128 : i32
            %add3A_559 = vector.broadcast %add3A_558 : i32 to vector<16xi32>
            %add3A_560 = arith.addi %add3A_555, %add3A_559 : vector<16xi32>
            %gather3A_561 = tpu.vector_load_idx %arg13[%add3A_459, %add3A_560] : memref<128x256xf32, #tpu.memory_space<vmem>>[vector<16xi32>, vector<16xi32>], vector<16xf32>,
            %mul3A_562 = arith.mulf %gather3A_556, %gather3A_557 : vector<16xf32>
            %add3A_563 = arith.addf %add3A_537, %mul3A_562 : vector<16xf32>
            %mul3A_564 = arith.mulf %gather3A_556, %gather3A_561 : vector<16xf32>
            %add3A_565 = arith.addf %add3A_539, %mul3A_564 : vector<16xf32>
            %add3A_566 = arith.constant 4 : i32
            %add3A_567 = vector.broadcast %add3A_566 : i32 to vector<16xi32>
            %add3A_568 = arith.addi %scan3A_517, %add3A_567 : vector<16xi32>
            %gather3A_569 = tpu.vector_load_idx %arg11[%add3A_459, %add3A_568] : memref<128x128xf32, #tpu.memory_space<vmem>>[vector<16xi32>, vector<16xi32>], vector<16xf32>,
            %gather3A_570 = tpu.vector_load_idx %arg13[%add3A_459, %add3A_568] : memref<128x256xf32, #tpu.memory_space<vmem>>[vector<16xi32>, vector<16xi32>], vector<16xf32>,
            %add3A_571 = arith.constant 128 : i32
            %add3A_572 = vector.broadcast %add3A_571 : i32 to vector<16xi32>
            %add3A_573 = arith.addi %add3A_568, %add3A_572 : vector<16xi32>
            %gather3A_574 = tpu.vector_load_idx %arg13[%add3A_459, %add3A_573] : memref<128x256xf32, #tpu.memory_space<vmem>>[vector<16xi32>, vector<16xi32>], vector<16xf32>,
            %mul3A_575 = arith.mulf %gather3A_569, %gather3A_570 : vector<16xf32>
            %add3A_576 = arith.addf %add3A_550, %mul3A_575 : vector<16xf32>
            %mul3A_577 = arith.mulf %gather3A_569, %gather3A_574 : vector<16xf32>
            %add3A_578 = arith.addf %add3A_552, %mul3A_577 : vector<16xf32>
            %add3A_579 = arith.constant 5 : i32
            %add3A_580 = vector.broadcast %add3A_579 : i32 to vector<16xi32>
            %add3A_581 = arith.addi %scan3A_517, %add3A_580 : vector<16xi32>
            %gather3A_582 = tpu.vector_load_idx %arg11[%add3A_459, %add3A_581] : memref<128x128xf32, #tpu.memory_space<vmem>>[vector<16xi32>, vector<16xi32>], vector<16xf32>,
            %gather3A_583 = tpu.vector_load_idx %arg13[%add3A_459, %add3A_581] : memref<128x256xf32, #tpu.memory_space<vmem>>[vector<16xi32>, vector<16xi32>], vector<16xf32>,
            %add3A_584 = arith.constant 128 : i32
            %add3A_585 = vector.broadcast %add3A_584 : i32 to vector<16xi32>
            %add3A_586 = arith.addi %add3A_581, %add3A_585 : vector<16xi32>
            %gather3A_587 = tpu.vector_load_idx %arg13[%add3A_459, %add3A_586] : memref<128x256xf32, #tpu.memory_space<vmem>>[vector<16xi32>, vector<16xi32>], vector<16xf32>,
            %mul3A_588 = arith.mulf %gather3A_582, %gather3A_583 : vector<16xf32>
            %add3A_589 = arith.addf %add3A_563, %mul3A_588 : vector<16xf32>
            %mul3A_590 = arith.mulf %gather3A_582, %gather3A_587 : vector<16xf32>
            %add3A_591 = arith.addf %add3A_565, %mul3A_590 : vector<16xf32>
            %add3A_592 = arith.constant 6 : i32
            %add3A_593 = vector.broadcast %add3A_592 : i32 to vector<16xi32>
            %add3A_594 = arith.addi %scan3A_517, %add3A_593 : vector<16xi32>
            %gather3A_595 = tpu.vector_load_idx %arg11[%add3A_459, %add3A_594] : memref<128x128xf32, #tpu.memory_space<vmem>>[vector<16xi32>, vector<16xi32>], vector<16xf32>,
            %gather3A_596 = tpu.vector_load_idx %arg13[%add3A_459, %add3A_594] : memref<128x256xf32, #tpu.memory_space<vmem>>[vector<16xi32>, vector<16xi32>], vector<16xf32>,
            %add3A_597 = arith.constant 128 : i32
            %add3A_598 = vector.broadcast %add3A_597 : i32 to vector<16xi32>
            %add3A_599 = arith.addi %add3A_594, %add3A_598 : vector<16xi32>
            %gather3A_600 = tpu.vector_load_idx %arg13[%add3A_459, %add3A_599] : memref<128x256xf32, #tpu.memory_space<vmem>>[vector<16xi32>, vector<16xi32>], vector<16xf32>,
            %mul3A_601 = arith.mulf %gather3A_595, %gather3A_596 : vector<16xf32>
            %add3A_602 = arith.addf %add3A_576, %mul3A_601 : vector<16xf32>
            %mul3A_603 = arith.mulf %gather3A_595, %gather3A_600 : vector<16xf32>
            %add3A_604 = arith.addf %add3A_578, %mul3A_603 : vector<16xf32>
            %add3A_605 = arith.constant 7 : i32
            %add3A_606 = vector.broadcast %add3A_605 : i32 to vector<16xi32>
            %add3A_607 = arith.addi %scan3A_517, %add3A_606 : vector<16xi32>
            %gather3A_608 = tpu.vector_load_idx %arg11[%add3A_459, %add3A_607] : memref<128x128xf32, #tpu.memory_space<vmem>>[vector<16xi32>, vector<16xi32>], vector<16xf32>,
            %gather3A_609 = tpu.vector_load_idx %arg13[%add3A_459, %add3A_607] : memref<128x256xf32, #tpu.memory_space<vmem>>[vector<16xi32>, vector<16xi32>], vector<16xf32>,
            %add3A_610 = arith.constant 128 : i32
            %add3A_611 = vector.broadcast %add3A_610 : i32 to vector<16xi32>
            %add3A_612 = arith.addi %add3A_607, %add3A_611 : vector<16xi32>
            %gather3A_613 = tpu.vector_load_idx %arg13[%add3A_459, %add3A_612] : memref<128x256xf32, #tpu.memory_space<vmem>>[vector<16xi32>, vector<16xi32>], vector<16xf32>,
            %mul3A_614 = arith.mulf %gather3A_608, %gather3A_609 : vector<16xf32>
            %add3A_615 = arith.addf %add3A_589, %mul3A_614 : vector<16xf32>
            %mul3A_616 = arith.mulf %gather3A_608, %gather3A_613 : vector<16xf32>
            %add3A_617 = arith.addf %add3A_591, %mul3A_616 : vector<16xf32>
            %add3A_618 = arith.constant 8 : i32
            %add3A_619 = vector.broadcast %add3A_618 : i32 to vector<16xi32>
            %add3A_620 = arith.addi %scan3A_517, %add3A_619 : vector<16xi32>
            scf.yield %add3A_602, %add3A_615, %add3A_604, %add3A_617, %add3A_620 : vector<16xf32>, vector<16xf32>, vector<16xf32>, vector<16xf32>, vector<16xi32>
          }
          %scan3A_465 = arith.constant 16 : i32
          %add3A_466 = arith.addf %scan3A_464#0, %scan3A_464#1 : vector<16xf32>
          %add3A_467 = arith.addf %scan3A_464#2, %scan3A_464#3 : vector<16xf32>
          %mul3A_468 = arith.constant 16 : i32
          %mul3A_469 = arith.muli %scan3A_454, %mul3A_468 : i32
          %add3A_470 = arith.addi %mul3A_445, %mul3A_469 : i32
          %add3A_471 = vector.broadcast %add3A_470 : i32 to vector<16xi32>
          %add3A_472 = arith.addi %add3A_471, %iota3A : vector<16xi32>
          %mul3A_473 = arith.constant 5 : i32
          %mul3A_474 = vector.broadcast %mul3A_473 : i32 to vector<16xi32>
          %mul3A_475 = arith.muli %add3A_472, %mul3A_474 : vector<16xi32>
          %mul3A_476 = arith.mulf %add3A_466, %get3A_5 : vector<16xf32>
          %mul3A_477 = arith.mulf %add3A_467, %get3A_25 : vector<16xf32>
          %add3A_478 = arith.addf %mul3A_476, %mul3A_477 : vector<16xf32>
          %add3A_479 = arith.addf %add3A_478, %get3A_45 : vector<16xf32>
          %add3A_480 = arith.constant 0 : i32
          %add3A_481 = vector.broadcast %add3A_480 : i32 to vector<16xi32>
          %add3A_482 = arith.addi %mul3A_475, %add3A_481 : vector<16xi32>
          tpu.vector_store_idx %arg14[%add3A_482], %add3A_479 : memref<10240xf32, #tpu.memory_space<vmem>>[vector<16xi32>], vector<16xf32>,
          %mul3A_483 = arith.mulf %add3A_466, %get3A_9 : vector<16xf32>
          %mul3A_484 = arith.mulf %add3A_467, %get3A_29 : vector<16xf32>
          %add3A_485 = arith.addf %mul3A_483, %mul3A_484 : vector<16xf32>
          %add3A_486 = arith.addf %add3A_485, %get3A_49 : vector<16xf32>
          %add3A_487 = arith.constant 1 : i32
          %add3A_488 = vector.broadcast %add3A_487 : i32 to vector<16xi32>
          %add3A_489 = arith.addi %mul3A_475, %add3A_488 : vector<16xi32>
          tpu.vector_store_idx %arg14[%add3A_489], %add3A_486 : memref<10240xf32, #tpu.memory_space<vmem>>[vector<16xi32>], vector<16xf32>,
          %mul3A_490 = arith.mulf %add3A_466, %get3A_13 : vector<16xf32>
          %mul3A_491 = arith.mulf %add3A_467, %get3A_33 : vector<16xf32>
          %add3A_492 = arith.addf %mul3A_490, %mul3A_491 : vector<16xf32>
          %add3A_493 = arith.addf %add3A_492, %get3A_53 : vector<16xf32>
          %add3A_494 = arith.constant 2 : i32
          %add3A_495 = vector.broadcast %add3A_494 : i32 to vector<16xi32>
          %add3A_496 = arith.addi %mul3A_475, %add3A_495 : vector<16xi32>
          tpu.vector_store_idx %arg14[%add3A_496], %add3A_493 : memref<10240xf32, #tpu.memory_space<vmem>>[vector<16xi32>], vector<16xf32>,
          %mul3A_497 = arith.mulf %add3A_466, %get3A_17 : vector<16xf32>
          %mul3A_498 = arith.mulf %add3A_467, %get3A_37 : vector<16xf32>
          %add3A_499 = arith.addf %mul3A_497, %mul3A_498 : vector<16xf32>
          %add3A_500 = arith.addf %add3A_499, %get3A_57 : vector<16xf32>
          %add3A_501 = arith.constant 3 : i32
          %add3A_502 = vector.broadcast %add3A_501 : i32 to vector<16xi32>
          %add3A_503 = arith.addi %mul3A_475, %add3A_502 : vector<16xi32>
          tpu.vector_store_idx %arg14[%add3A_503], %add3A_500 : memref<10240xf32, #tpu.memory_space<vmem>>[vector<16xi32>], vector<16xf32>,
          %mul3A_504 = arith.mulf %add3A_466, %get3A_21 : vector<16xf32>
          %mul3A_505 = arith.mulf %add3A_467, %get3A_41 : vector<16xf32>
          %add3A_506 = arith.addf %mul3A_504, %mul3A_505 : vector<16xf32>
          %add3A_507 = arith.addf %add3A_506, %get3A_61 : vector<16xf32>
          %add3A_508 = arith.constant 4 : i32
          %add3A_509 = vector.broadcast %add3A_508 : i32 to vector<16xi32>
          %add3A_510 = arith.addi %mul3A_475, %add3A_509 : vector<16xi32>
          tpu.vector_store_idx %arg14[%add3A_510], %add3A_507 : memref<10240xf32, #tpu.memory_space<vmem>>[vector<16xi32>], vector<16xf32>,
          %scan3A_511 = arith.constant 0 : i32
          scf.yield %scan3A_511 : i32
        }
        %scan3A_452 = arith.constant 8 : i32
        %scan3A_453 = arith.constant 0 : i32
        scf.yield %scan3A_453 : i32
      }
      %scan3A_311 = arith.constant 8 : i32
      %mul3A_312 = arith.constant 5 : i32
      %mul3A_313 = arith.muli %add3A_240, %mul3A_312 : i32
      "tpu.region"() ({
        %run_scoped3A = tpu.sem_alloc : memref<!tpu.dma_semaphore, #tpu.memory_space<semaphore_mem>>
        %dma_start3A_315 = tpu.memref_slice %arg7[%mul3A_313] : memref<1600000xf32, #tpu.memory_space<hbm>> -> memref<10240xf32, #tpu.memory_space<hbm>>
        %dma_start3A_316 = tpu.memref_slice %arg7[%mul3A_313] : memref<1600000xf32, #tpu.memory_space<hbm>> -> memref<10240xf32, #tpu.memory_space<hbm>>
        tpu.enqueue_dma source(%arg14 : memref<10240xf32, #tpu.memory_space<vmem>>) target(%dma_start3A_316 : memref<10240xf32, #tpu.memory_space<hbm>>) target_semaphore(%run_scoped3A : memref<!tpu.dma_semaphore, #tpu.memory_space<semaphore_mem>>)
        %dma_wait3A_317 = tpu.memref_slice %arg7[%mul3A_313] : memref<1600000xf32, #tpu.memory_space<hbm>> -> memref<10240xf32, #tpu.memory_space<hbm>>
        %dma_wait3A_318 = tpu.memref_slice %arg7[%mul3A_313] : memref<1600000xf32, #tpu.memory_space<hbm>> -> memref<10240xf32, #tpu.memory_space<hbm>>
        tpu.wait_dma2 semaphore(%run_scoped3A : memref<!tpu.dma_semaphore, #tpu.memory_space<semaphore_mem>>) src(%arg14 : memref<10240xf32, #tpu.memory_space<vmem>>) dst(%dma_wait3A_318 : memref<10240xf32, #tpu.memory_space<hbm>>)
        tpu.yield
      }) : () -> ()
      %scan3A_314 = arith.constant 0 : i32
      scf.yield %scan3A_314 : i32
    }
    %scan3A_70 = arith.constant 4 : i32
    %add3A_71 = arith.constant 8192 : i32
    %add3A_72 = arith.addi %mul3A_2, %add3A_71 : i32
    "tpu.region"() ({
      %run_scoped3A = tpu.sem_alloc : memref<!tpu.dma_semaphore, #tpu.memory_space<semaphore_mem>>
      %dma_start3A_236 = arith.constant 0 : i32
      %dma_start3A_237 = tpu.memref_slice %arg8[%dma_start3A_236] : memref<2048xi32, #tpu.memory_space<vmem>> -> memref<1808xi32, #tpu.memory_space<vmem>>
      %dma_start3A_238 = tpu.memref_slice %arg4[%add3A_72] : memref<320000xi32, #tpu.memory_space<hbm>> -> memref<1808xi32, #tpu.memory_space<hbm>>
      %dma_start3A_239 = arith.constant 0 : i32
      %dma_start3A_240 = tpu.memref_slice %arg8[%dma_start3A_239] : memref<2048xi32, #tpu.memory_space<vmem>> -> memref<1808xi32, #tpu.memory_space<vmem>>
      %dma_start3A_241 = tpu.memref_slice %arg4[%add3A_72] : memref<320000xi32, #tpu.memory_space<hbm>> -> memref<1808xi32, #tpu.memory_space<hbm>>
      tpu.enqueue_dma source(%dma_start3A_241 : memref<1808xi32, #tpu.memory_space<hbm>>) target(%dma_start3A_240 : memref<1808xi32, #tpu.memory_space<vmem>>) target_semaphore(%run_scoped3A : memref<!tpu.dma_semaphore, #tpu.memory_space<semaphore_mem>>)
      %dma_wait3A_242 = arith.constant 0 : i32
      %dma_wait3A_243 = tpu.memref_slice %arg8[%dma_wait3A_242] : memref<2048xi32, #tpu.memory_space<vmem>> -> memref<1808xi32, #tpu.memory_space<vmem>>
      %dma_wait3A_244 = tpu.memref_slice %arg4[%add3A_72] : memref<320000xi32, #tpu.memory_space<hbm>> -> memref<1808xi32, #tpu.memory_space<hbm>>
      %dma_wait3A_245 = arith.constant 0 : i32
      %dma_wait3A_246 = tpu.memref_slice %arg8[%dma_wait3A_245] : memref<2048xi32, #tpu.memory_space<vmem>> -> memref<1808xi32, #tpu.memory_space<vmem>>
      %dma_wait3A_247 = tpu.memref_slice %arg4[%add3A_72] : memref<320000xi32, #tpu.memory_space<hbm>> -> memref<1808xi32, #tpu.memory_space<hbm>>
      tpu.wait_dma2 semaphore(%run_scoped3A : memref<!tpu.dma_semaphore, #tpu.memory_space<semaphore_mem>>) src(%dma_wait3A_247 : memref<1808xi32, #tpu.memory_space<hbm>>) dst(%dma_wait3A_246 : memref<1808xi32, #tpu.memory_space<vmem>>)
      tpu.yield
    }) : () -> ()
    "tpu.region"() ({
      %run_scoped3A = tpu.sem_alloc : memref<!tpu.dma_semaphore, #tpu.memory_space<semaphore_mem>>
      %dma_start3A_236 = arith.constant 0 : i32
      %dma_start3A_237 = tpu.memref_slice %arg9[%dma_start3A_236] : memref<2048xi32, #tpu.memory_space<vmem>> -> memref<1808xi32, #tpu.memory_space<vmem>>
      %dma_start3A_238 = tpu.memref_slice %arg5[%add3A_72] : memref<320000xi32, #tpu.memory_space<hbm>> -> memref<1808xi32, #tpu.memory_space<hbm>>
      %dma_start3A_239 = arith.constant 0 : i32
      %dma_start3A_240 = tpu.memref_slice %arg9[%dma_start3A_239] : memref<2048xi32, #tpu.memory_space<vmem>> -> memref<1808xi32, #tpu.memory_space<vmem>>
      %dma_start3A_241 = tpu.memref_slice %arg5[%add3A_72] : memref<320000xi32, #tpu.memory_space<hbm>> -> memref<1808xi32, #tpu.memory_space<hbm>>
      tpu.enqueue_dma source(%dma_start3A_241 : memref<1808xi32, #tpu.memory_space<hbm>>) target(%dma_start3A_240 : memref<1808xi32, #tpu.memory_space<vmem>>) target_semaphore(%run_scoped3A : memref<!tpu.dma_semaphore, #tpu.memory_space<semaphore_mem>>)
      %dma_wait3A_242 = arith.constant 0 : i32
      %dma_wait3A_243 = tpu.memref_slice %arg9[%dma_wait3A_242] : memref<2048xi32, #tpu.memory_space<vmem>> -> memref<1808xi32, #tpu.memory_space<vmem>>
      %dma_wait3A_244 = tpu.memref_slice %arg5[%add3A_72] : memref<320000xi32, #tpu.memory_space<hbm>> -> memref<1808xi32, #tpu.memory_space<hbm>>
      %dma_wait3A_245 = arith.constant 0 : i32
      %dma_wait3A_246 = tpu.memref_slice %arg9[%dma_wait3A_245] : memref<2048xi32, #tpu.memory_space<vmem>> -> memref<1808xi32, #tpu.memory_space<vmem>>
      %dma_wait3A_247 = tpu.memref_slice %arg5[%add3A_72] : memref<320000xi32, #tpu.memory_space<hbm>> -> memref<1808xi32, #tpu.memory_space<hbm>>
      tpu.wait_dma2 semaphore(%run_scoped3A : memref<!tpu.dma_semaphore, #tpu.memory_space<semaphore_mem>>) src(%dma_wait3A_247 : memref<1808xi32, #tpu.memory_space<hbm>>) dst(%dma_wait3A_246 : memref<1808xi32, #tpu.memory_space<vmem>>)
      tpu.yield
    }) : () -> ()
    %dma_start3A = arith.constant 0 : i32
    %dma_start3A_73 = arith.constant 0 : i32
    %dma_start3A_74 = tpu.memref_slice %arg10[%dma_start3A, %dma_start3A_73] : memref<128x128xf32, #tpu.memory_space<vmem>> -> memref<32x128xf32, #tpu.memory_space<vmem>>
    %dma_start3A_75 = arith.constant 0 : i32
    %dma_start3A_76 = tpu.memref_slice %arg8[%dma_start3A_75] : memref<2048xi32, #tpu.memory_space<vmem>> -> memref<32xi32, #tpu.memory_space<vmem>>
    %dma_start3A_77 = arith.constant 0 : i32
    %dma_start3A_78 = arith.constant 0 : i32
    %dma_start3A_79 = tpu.memref_slice %arg3[%dma_start3A_77, %dma_start3A_78] : memref<10000x128xf32, #tpu.memory_space<hbm>> -> memref<10000x128xf32, #tpu.memory_space<hbm>>
    tpu.enqueue_indirect_dma source(%dma_start3A_79 : memref<10000x128xf32, #tpu.memory_space<hbm>>) target(%dma_start3A_74 : memref<32x128xf32, #tpu.memory_space<vmem>>) offsets(%dma_start3A_76 : memref<32xi32, #tpu.memory_space<vmem>>) semaphore(%arg16 : memref<!tpu.dma_semaphore, #tpu.memory_space<semaphore_mem>>)
    %dma_start3A_80 = arith.constant 0 : i32
    %dma_start3A_81 = arith.constant 0 : i32
    %dma_start3A_82 = tpu.memref_slice %arg12[%dma_start3A_80, %dma_start3A_81] : memref<128x256xf32, #tpu.memory_space<vmem>> -> memref<32x256xf32, #tpu.memory_space<vmem>>
    %dma_start3A_83 = arith.constant 0 : i32
    %dma_start3A_84 = tpu.memref_slice %arg9[%dma_start3A_83] : memref<2048xi32, #tpu.memory_space<vmem>> -> memref<32xi32, #tpu.memory_space<vmem>>
    %dma_start3A_85 = arith.constant 0 : i32
    %dma_start3A_86 = arith.constant 0 : i32
    %dma_start3A_87 = tpu.memref_slice %arg2[%dma_start3A_85, %dma_start3A_86] : memref<10000x256xf32, #tpu.memory_space<hbm>> -> memref<10000x256xf32, #tpu.memory_space<hbm>>
    tpu.enqueue_indirect_dma source(%dma_start3A_87 : memref<10000x256xf32, #tpu.memory_space<hbm>>) target(%dma_start3A_82 : memref<32x256xf32, #tpu.memory_space<vmem>>) offsets(%dma_start3A_84 : memref<32xi32, #tpu.memory_space<vmem>>) semaphore(%arg18 : memref<!tpu.dma_semaphore, #tpu.memory_space<semaphore_mem>>)
    %dma_start3A_88 = arith.constant 32 : i32
    %dma_start3A_89 = arith.constant 0 : i32
    %dma_start3A_90 = tpu.memref_slice %arg10[%dma_start3A_88, %dma_start3A_89] : memref<128x128xf32, #tpu.memory_space<vmem>> -> memref<32x128xf32, #tpu.memory_space<vmem>>
    %dma_start3A_91 = arith.constant 32 : i32
    %dma_start3A_92 = tpu.memref_slice %arg8[%dma_start3A_91] : memref<2048xi32, #tpu.memory_space<vmem>> -> memref<32xi32, #tpu.memory_space<vmem>>
    %dma_start3A_93 = arith.constant 0 : i32
    %dma_start3A_94 = arith.constant 0 : i32
    %dma_start3A_95 = tpu.memref_slice %arg3[%dma_start3A_93, %dma_start3A_94] : memref<10000x128xf32, #tpu.memory_space<hbm>> -> memref<10000x128xf32, #tpu.memory_space<hbm>>
    tpu.enqueue_indirect_dma source(%dma_start3A_95 : memref<10000x128xf32, #tpu.memory_space<hbm>>) target(%dma_start3A_90 : memref<32x128xf32, #tpu.memory_space<vmem>>) offsets(%dma_start3A_92 : memref<32xi32, #tpu.memory_space<vmem>>) semaphore(%arg16 : memref<!tpu.dma_semaphore, #tpu.memory_space<semaphore_mem>>)
    %dma_start3A_96 = arith.constant 32 : i32
    %dma_start3A_97 = arith.constant 0 : i32
    %dma_start3A_98 = tpu.memref_slice %arg12[%dma_start3A_96, %dma_start3A_97] : memref<128x256xf32, #tpu.memory_space<vmem>> -> memref<32x256xf32, #tpu.memory_space<vmem>>
    %dma_start3A_99 = arith.constant 32 : i32
    %dma_start3A_100 = tpu.memref_slice %arg9[%dma_start3A_99] : memref<2048xi32, #tpu.memory_space<vmem>> -> memref<32xi32, #tpu.memory_space<vmem>>
    %dma_start3A_101 = arith.constant 0 : i32
    %dma_start3A_102 = arith.constant 0 : i32
    %dma_start3A_103 = tpu.memref_slice %arg2[%dma_start3A_101, %dma_start3A_102] : memref<10000x256xf32, #tpu.memory_space<hbm>> -> memref<10000x256xf32, #tpu.memory_space<hbm>>
    tpu.enqueue_indirect_dma source(%dma_start3A_103 : memref<10000x256xf32, #tpu.memory_space<hbm>>) target(%dma_start3A_98 : memref<32x256xf32, #tpu.memory_space<vmem>>) offsets(%dma_start3A_100 : memref<32xi32, #tpu.memory_space<vmem>>) semaphore(%arg18 : memref<!tpu.dma_semaphore, #tpu.memory_space<semaphore_mem>>)
    %dma_start3A_104 = arith.constant 64 : i32
    %dma_start3A_105 = arith.constant 0 : i32
    %dma_start3A_106 = tpu.memref_slice %arg10[%dma_start3A_104, %dma_start3A_105] : memref<128x128xf32, #tpu.memory_space<vmem>> -> memref<32x128xf32, #tpu.memory_space<vmem>>
    %dma_start3A_107 = arith.constant 64 : i32
    %dma_start3A_108 = tpu.memref_slice %arg8[%dma_start3A_107] : memref<2048xi32, #tpu.memory_space<vmem>> -> memref<32xi32, #tpu.memory_space<vmem>>
    %dma_start3A_109 = arith.constant 0 : i32
    %dma_start3A_110 = arith.constant 0 : i32
    %dma_start3A_111 = tpu.memref_slice %arg3[%dma_start3A_109, %dma_start3A_110] : memref<10000x128xf32, #tpu.memory_space<hbm>> -> memref<10000x128xf32, #tpu.memory_space<hbm>>
    tpu.enqueue_indirect_dma source(%dma_start3A_111 : memref<10000x128xf32, #tpu.memory_space<hbm>>) target(%dma_start3A_106 : memref<32x128xf32, #tpu.memory_space<vmem>>) offsets(%dma_start3A_108 : memref<32xi32, #tpu.memory_space<vmem>>) semaphore(%arg16 : memref<!tpu.dma_semaphore, #tpu.memory_space<semaphore_mem>>)
    %dma_start3A_112 = arith.constant 64 : i32
    %dma_start3A_113 = arith.constant 0 : i32
    %dma_start3A_114 = tpu.memref_slice %arg12[%dma_start3A_112, %dma_start3A_113] : memref<128x256xf32, #tpu.memory_space<vmem>> -> memref<32x256xf32, #tpu.memory_space<vmem>>
    %dma_start3A_115 = arith.constant 64 : i32
    %dma_start3A_116 = tpu.memref_slice %arg9[%dma_start3A_115] : memref<2048xi32, #tpu.memory_space<vmem>> -> memref<32xi32, #tpu.memory_space<vmem>>
    %dma_start3A_117 = arith.constant 0 : i32
    %dma_start3A_118 = arith.constant 0 : i32
    %dma_start3A_119 = tpu.memref_slice %arg2[%dma_start3A_117, %dma_start3A_118] : memref<10000x256xf32, #tpu.memory_space<hbm>> -> memref<10000x256xf32, #tpu.memory_space<hbm>>
    tpu.enqueue_indirect_dma source(%dma_start3A_119 : memref<10000x256xf32, #tpu.memory_space<hbm>>) target(%dma_start3A_114 : memref<32x256xf32, #tpu.memory_space<vmem>>) offsets(%dma_start3A_116 : memref<32xi32, #tpu.memory_space<vmem>>) semaphore(%arg18 : memref<!tpu.dma_semaphore, #tpu.memory_space<semaphore_mem>>)
    %dma_start3A_120 = arith.constant 96 : i32
    %dma_start3A_121 = arith.constant 0 : i32
    %dma_start3A_122 = tpu.memref_slice %arg10[%dma_start3A_120, %dma_start3A_121] : memref<128x128xf32, #tpu.memory_space<vmem>> -> memref<32x128xf32, #tpu.memory_space<vmem>>
    %dma_start3A_123 = arith.constant 96 : i32
    %dma_start3A_124 = tpu.memref_slice %arg8[%dma_start3A_123] : memref<2048xi32, #tpu.memory_space<vmem>> -> memref<32xi32, #tpu.memory_space<vmem>>
    %dma_start3A_125 = arith.constant 0 : i32
    %dma_start3A_126 = arith.constant 0 : i32
    %dma_start3A_127 = tpu.memref_slice %arg3[%dma_start3A_125, %dma_start3A_126] : memref<10000x128xf32, #tpu.memory_space<hbm>> -> memref<10000x128xf32, #tpu.memory_space<hbm>>
    tpu.enqueue_indirect_dma source(%dma_start3A_127 : memref<10000x128xf32, #tpu.memory_space<hbm>>) target(%dma_start3A_122 : memref<32x128xf32, #tpu.memory_space<vmem>>) offsets(%dma_start3A_124 : memref<32xi32, #tpu.memory_space<vmem>>) semaphore(%arg16 : memref<!tpu.dma_semaphore, #tpu.memory_space<semaphore_mem>>)
    %dma_start3A_128 = arith.constant 96 : i32
    %dma_start3A_129 = arith.constant 0 : i32
    %dma_start3A_130 = tpu.memref_slice %arg12[%dma_start3A_128, %dma_start3A_129] : memref<128x256xf32, #tpu.memory_space<vmem>> -> memref<32x256xf32, #tpu.memory_space<vmem>>
    %dma_start3A_131 = arith.constant 96 : i32
    %dma_start3A_132 = tpu.memref_slice %arg9[%dma_start3A_131] : memref<2048xi32, #tpu.memory_space<vmem>> -> memref<32xi32, #tpu.memory_space<vmem>>
    %dma_start3A_133 = arith.constant 0 : i32
    %dma_start3A_134 = arith.constant 0 : i32
    %dma_start3A_135 = tpu.memref_slice %arg2[%dma_start3A_133, %dma_start3A_134] : memref<10000x256xf32, #tpu.memory_space<hbm>> -> memref<10000x256xf32, #tpu.memory_space<hbm>>
    tpu.enqueue_indirect_dma source(%dma_start3A_135 : memref<10000x256xf32, #tpu.memory_space<hbm>>) target(%dma_start3A_130 : memref<32x256xf32, #tpu.memory_space<vmem>>) offsets(%dma_start3A_132 : memref<32xi32, #tpu.memory_space<vmem>>) semaphore(%arg18 : memref<!tpu.dma_semaphore, #tpu.memory_space<semaphore_mem>>)
    %scan3A_136 = arith.constant 0 : i32
    %scan3A_137 = arith.constant 0 : i32
    %scan3A_138 = arith.constant 7 : i32
    %scan3A_139 = arith.addi %scan3A_137, %scan3A_138 : i32
    %scan3A_140 = arith.constant 1 : i32
    %scan3A_141 = scf.for %scan3A_236 = %scan3A_137 to %scan3A_139 step %scan3A_140 iter_args(%scan3A_237 = %scan3A_136) -> (i32)  : i32 {
      %mul3A_238 = arith.constant 2 : i32
      %mul3A_239 = arith.muli %mul3A_238, %scan3A_236 : i32
      %add3A_240 = arith.constant 1 : i32
      %add3A_241 = arith.addi %mul3A_239, %add3A_240 : i32
      %mul3A_242 = arith.constant 128 : i32
      %mul3A_243 = arith.muli %add3A_241, %mul3A_242 : i32
      %add3A_244 = arith.constant 0 : i32
      %add3A_245 = arith.addi %mul3A_243, %add3A_244 : i32
      %mul3A_246 = arith.constant 128 : i32
      %mul3A_247 = arith.muli %add3A_241, %mul3A_246 : i32
      %add3A_248 = arith.constant 0 : i32
      %add3A_249 = arith.addi %mul3A_247, %add3A_248 : i32
      %dma_start3A_250 = arith.constant 0 : i32
      %dma_start3A_251 = arith.constant 0 : i32
      %dma_start3A_252 = tpu.memref_slice %arg11[%dma_start3A_250, %dma_start3A_251] : memref<128x128xf32, #tpu.memory_space<vmem>> -> memref<32x128xf32, #tpu.memory_space<vmem>>
      %dma_start3A_253 = tpu.memref_slice %arg8[%add3A_245] : memref<2048xi32, #tpu.memory_space<vmem>> -> memref<32xi32, #tpu.memory_space<vmem>>
      %dma_start3A_254 = arith.constant 0 : i32
      %dma_start3A_255 = arith.constant 0 : i32
      %dma_start3A_256 = tpu.memref_slice %arg3[%dma_start3A_254, %dma_start3A_255] : memref<10000x128xf32, #tpu.memory_space<hbm>> -> memref<10000x128xf32, #tpu.memory_space<hbm>>
      tpu.enqueue_indirect_dma source(%dma_start3A_256 : memref<10000x128xf32, #tpu.memory_space<hbm>>) target(%dma_start3A_252 : memref<32x128xf32, #tpu.memory_space<vmem>>) offsets(%dma_start3A_253 : memref<32xi32, #tpu.memory_space<vmem>>) semaphore(%arg17 : memref<!tpu.dma_semaphore, #tpu.memory_space<semaphore_mem>>)
      %dma_start3A_257 = arith.constant 0 : i32
      %dma_start3A_258 = arith.constant 0 : i32
      %dma_start3A_259 = tpu.memref_slice %arg13[%dma_start3A_257, %dma_start3A_258] : memref<128x256xf32, #tpu.memory_space<vmem>> -> memref<32x256xf32, #tpu.memory_space<vmem>>
      %dma_start3A_260 = tpu.memref_slice %arg9[%add3A_249] : memref<2048xi32, #tpu.memory_space<vmem>> -> memref<32xi32, #tpu.memory_space<vmem>>
      %dma_start3A_261 = arith.constant 0 : i32
      %dma_start3A_262 = arith.constant 0 : i32
      %dma_start3A_263 = tpu.memref_slice %arg2[%dma_start3A_261, %dma_start3A_262] : memref<10000x256xf32, #tpu.memory_space<hbm>> -> memref<10000x256xf32, #tpu.memory_space<hbm>>
      tpu.enqueue_indirect_dma source(%dma_start3A_263 : memref<10000x256xf32, #tpu.memory_space<hbm>>) target(%dma_start3A_259 : memref<32x256xf32, #tpu.memory_space<vmem>>) offsets(%dma_start3A_260 : memref<32xi32, #tpu.memory_space<vmem>>) semaphore(%arg19 : memref<!tpu.dma_semaphore, #tpu.memory_space<semaphore_mem>>)
      %mul3A_264 = arith.constant 128 : i32
      %mul3A_265 = arith.muli %add3A_241, %mul3A_264 : i32
      %add3A_266 = arith.constant 32 : i32
      %add3A_267 = arith.addi %mul3A_265, %add3A_266 : i32
      %mul3A_268 = arith.constant 128 : i32
      %mul3A_269 = arith.muli %add3A_241, %mul3A_268 : i32
      %add3A_270 = arith.constant 32 : i32
      %add3A_271 = arith.addi %mul3A_269, %add3A_270 : i32
      %dma_start3A_272 = arith.constant 32 : i32
      %dma_start3A_273 = arith.constant 0 : i32
      %dma_start3A_274 = tpu.memref_slice %arg11[%dma_start3A_272, %dma_start3A_273] : memref<128x128xf32, #tpu.memory_space<vmem>> -> memref<32x128xf32, #tpu.memory_space<vmem>>
      %dma_start3A_275 = tpu.memref_slice %arg8[%add3A_267] : memref<2048xi32, #tpu.memory_space<vmem>> -> memref<32xi32, #tpu.memory_space<vmem>>
      %dma_start3A_276 = arith.constant 0 : i32
      %dma_start3A_277 = arith.constant 0 : i32
      %dma_start3A_278 = tpu.memref_slice %arg3[%dma_start3A_276, %dma_start3A_277] : memref<10000x128xf32, #tpu.memory_space<hbm>> -> memref<10000x128xf32, #tpu.memory_space<hbm>>
      tpu.enqueue_indirect_dma source(%dma_start3A_278 : memref<10000x128xf32, #tpu.memory_space<hbm>>) target(%dma_start3A_274 : memref<32x128xf32, #tpu.memory_space<vmem>>) offsets(%dma_start3A_275 : memref<32xi32, #tpu.memory_space<vmem>>) semaphore(%arg17 : memref<!tpu.dma_semaphore, #tpu.memory_space<semaphore_mem>>)
      %dma_start3A_279 = arith.constant 32 : i32
      %dma_start3A_280 = arith.constant 0 : i32
      %dma_start3A_281 = tpu.memref_slice %arg13[%dma_start3A_279, %dma_start3A_280] : memref<128x256xf32, #tpu.memory_space<vmem>> -> memref<32x256xf32, #tpu.memory_space<vmem>>
      %dma_start3A_282 = tpu.memref_slice %arg9[%add3A_271] : memref<2048xi32, #tpu.memory_space<vmem>> -> memref<32xi32, #tpu.memory_space<vmem>>
      %dma_start3A_283 = arith.constant 0 : i32
      %dma_start3A_284 = arith.constant 0 : i32
      %dma_start3A_285 = tpu.memref_slice %arg2[%dma_start3A_283, %dma_start3A_284] : memref<10000x256xf32, #tpu.memory_space<hbm>> -> memref<10000x256xf32, #tpu.memory_space<hbm>>
      tpu.enqueue_indirect_dma source(%dma_start3A_285 : memref<10000x256xf32, #tpu.memory_space<hbm>>) target(%dma_start3A_281 : memref<32x256xf32, #tpu.memory_space<vmem>>) offsets(%dma_start3A_282 : memref<32xi32, #tpu.memory_space<vmem>>) semaphore(%arg19 : memref<!tpu.dma_semaphore, #tpu.memory_space<semaphore_mem>>)
      %mul3A_286 = arith.constant 128 : i32
      %mul3A_287 = arith.muli %add3A_241, %mul3A_286 : i32
      %add3A_288 = arith.constant 64 : i32
      %add3A_289 = arith.addi %mul3A_287, %add3A_288 : i32
      %mul3A_290 = arith.constant 128 : i32
      %mul3A_291 = arith.muli %add3A_241, %mul3A_290 : i32
      %add3A_292 = arith.constant 64 : i32
      %add3A_293 = arith.addi %mul3A_291, %add3A_292 : i32
      %dma_start3A_294 = arith.constant 64 : i32
      %dma_start3A_295 = arith.constant 0 : i32
      %dma_start3A_296 = tpu.memref_slice %arg11[%dma_start3A_294, %dma_start3A_295] : memref<128x128xf32, #tpu.memory_space<vmem>> -> memref<32x128xf32, #tpu.memory_space<vmem>>
      %dma_start3A_297 = tpu.memref_slice %arg8[%add3A_289] : memref<2048xi32, #tpu.memory_space<vmem>> -> memref<32xi32, #tpu.memory_space<vmem>>
      %dma_start3A_298 = arith.constant 0 : i32
      %dma_start3A_299 = arith.constant 0 : i32
      %dma_start3A_300 = tpu.memref_slice %arg3[%dma_start3A_298, %dma_start3A_299] : memref<10000x128xf32, #tpu.memory_space<hbm>> -> memref<10000x128xf32, #tpu.memory_space<hbm>>
      tpu.enqueue_indirect_dma source(%dma_start3A_300 : memref<10000x128xf32, #tpu.memory_space<hbm>>) target(%dma_start3A_296 : memref<32x128xf32, #tpu.memory_space<vmem>>) offsets(%dma_start3A_297 : memref<32xi32, #tpu.memory_space<vmem>>) semaphore(%arg17 : memref<!tpu.dma_semaphore, #tpu.memory_space<semaphore_mem>>)
      %dma_start3A_301 = arith.constant 64 : i32
      %dma_start3A_302 = arith.constant 0 : i32
      %dma_start3A_303 = tpu.memref_slice %arg13[%dma_start3A_301, %dma_start3A_302] : memref<128x256xf32, #tpu.memory_space<vmem>> -> memref<32x256xf32, #tpu.memory_space<vmem>>
      %dma_start3A_304 = tpu.memref_slice %arg9[%add3A_293] : memref<2048xi32, #tpu.memory_space<vmem>> -> memref<32xi32, #tpu.memory_space<vmem>>
      %dma_start3A_305 = arith.constant 0 : i32
      %dma_start3A_306 = arith.constant 0 : i32
      %dma_start3A_307 = tpu.memref_slice %arg2[%dma_start3A_305, %dma_start3A_306] : memref<10000x256xf32, #tpu.memory_space<hbm>> -> memref<10000x256xf32, #tpu.memory_space<hbm>>
      tpu.enqueue_indirect_dma source(%dma_start3A_307 : memref<10000x256xf32, #tpu.memory_space<hbm>>) target(%dma_start3A_303 : memref<32x256xf32, #tpu.memory_space<vmem>>) offsets(%dma_start3A_304 : memref<32xi32, #tpu.memory_space<vmem>>) semaphore(%arg19 : memref<!tpu.dma_semaphore, #tpu.memory_space<semaphore_mem>>)
      %mul3A_308 = arith.constant 128 : i32
      %mul3A_309 = arith.muli %add3A_241, %mul3A_308 : i32
      %add3A_310 = arith.constant 96 : i32
      %add3A_311 = arith.addi %mul3A_309, %add3A_310 : i32
      %mul3A_312 = arith.constant 128 : i32
      %mul3A_313 = arith.muli %add3A_241, %mul3A_312 : i32
      %add3A_314 = arith.constant 96 : i32
      %add3A_315 = arith.addi %mul3A_313, %add3A_314 : i32
      %dma_start3A_316 = arith.constant 96 : i32
      %dma_start3A_317 = arith.constant 0 : i32
      %dma_start3A_318 = tpu.memref_slice %arg11[%dma_start3A_316, %dma_start3A_317] : memref<128x128xf32, #tpu.memory_space<vmem>> -> memref<32x128xf32, #tpu.memory_space<vmem>>
      %dma_start3A_319 = tpu.memref_slice %arg8[%add3A_311] : memref<2048xi32, #tpu.memory_space<vmem>> -> memref<32xi32, #tpu.memory_space<vmem>>
      %dma_start3A_320 = arith.constant 0 : i32
      %dma_start3A_321 = arith.constant 0 : i32
      %dma_start3A_322 = tpu.memref_slice %arg3[%dma_start3A_320, %dma_start3A_321] : memref<10000x128xf32, #tpu.memory_space<hbm>> -> memref<10000x128xf32, #tpu.memory_space<hbm>>
      tpu.enqueue_indirect_dma source(%dma_start3A_322 : memref<10000x128xf32, #tpu.memory_space<hbm>>) target(%dma_start3A_318 : memref<32x128xf32, #tpu.memory_space<vmem>>) offsets(%dma_start3A_319 : memref<32xi32, #tpu.memory_space<vmem>>) semaphore(%arg17 : memref<!tpu.dma_semaphore, #tpu.memory_space<semaphore_mem>>)
      %dma_start3A_323 = arith.constant 96 : i32
      %dma_start3A_324 = arith.constant 0 : i32
      %dma_start3A_325 = tpu.memref_slice %arg13[%dma_start3A_323, %dma_start3A_324] : memref<128x256xf32, #tpu.memory_space<vmem>> -> memref<32x256xf32, #tpu.memory_space<vmem>>
      %dma_start3A_326 = tpu.memref_slice %arg9[%add3A_315] : memref<2048xi32, #tpu.memory_space<vmem>> -> memref<32xi32, #tpu.memory_space<vmem>>
      %dma_start3A_327 = arith.constant 0 : i32
      %dma_start3A_328 = arith.constant 0 : i32
      %dma_start3A_329 = tpu.memref_slice %arg2[%dma_start3A_327, %dma_start3A_328] : memref<10000x256xf32, #tpu.memory_space<hbm>> -> memref<10000x256xf32, #tpu.memory_space<hbm>>
      tpu.enqueue_indirect_dma source(%dma_start3A_329 : memref<10000x256xf32, #tpu.memory_space<hbm>>) target(%dma_start3A_325 : memref<32x256xf32, #tpu.memory_space<vmem>>) offsets(%dma_start3A_326 : memref<32xi32, #tpu.memory_space<vmem>>) semaphore(%arg19 : memref<!tpu.dma_semaphore, #tpu.memory_space<semaphore_mem>>)
      %mul3A_330 = arith.constant 128 : i32
      %mul3A_331 = arith.muli %mul3A_239, %mul3A_330 : i32
      %mul3A_332 = arith.constant 128 : i32
      %mul3A_333 = arith.muli %mul3A_239, %mul3A_332 : i32
      %dma_wait3A_334 = tpu.memref_slice %arg8[%mul3A_331] : memref<2048xi32, #tpu.memory_space<vmem>> -> memref<128xi32, #tpu.memory_space<vmem>>
      %dma_wait3A_335 = arith.constant 0 : i32
      %dma_wait3A_336 = arith.constant 0 : i32
      %dma_wait3A_337 = tpu.memref_slice %arg3[%dma_wait3A_335, %dma_wait3A_336] : memref<10000x128xf32, #tpu.memory_space<hbm>> -> memref<10000x128xf32, #tpu.memory_space<hbm>>
      tpu.wait_indirect_dma semaphore(%arg16 : memref<!tpu.dma_semaphore, #tpu.memory_space<semaphore_mem>>) src(%dma_wait3A_337 : memref<10000x128xf32, #tpu.memory_space<hbm>>) dst(%arg10 : memref<128x128xf32, #tpu.memory_space<vmem>>)
      %dma_wait3A_338 = tpu.memref_slice %arg9[%mul3A_333] : memref<2048xi32, #tpu.memory_space<vmem>> -> memref<128xi32, #tpu.memory_space<vmem>>
      %dma_wait3A_339 = arith.constant 0 : i32
      %dma_wait3A_340 = arith.constant 0 : i32
      %dma_wait3A_341 = tpu.memref_slice %arg2[%dma_wait3A_339, %dma_wait3A_340] : memref<10000x256xf32, #tpu.memory_space<hbm>> -> memref<10000x256xf32, #tpu.memory_space<hbm>>
      tpu.wait_indirect_dma semaphore(%arg18 : memref<!tpu.dma_semaphore, #tpu.memory_space<semaphore_mem>>) src(%dma_wait3A_341 : memref<10000x256xf32, #tpu.memory_space<hbm>>) dst(%arg12 : memref<128x256xf32, #tpu.memory_space<vmem>>)
      %mul3A_342 = arith.constant 128 : i32
      %mul3A_343 = arith.muli %mul3A_239, %mul3A_342 : i32
      %scan3A_344 = arith.constant 0 : i32
      %scan3A_345 = arith.constant 0 : i32
      %scan3A_346 = arith.constant 8 : i32
      %scan3A_347 = arith.addi %scan3A_345, %scan3A_346 : i32
      %scan3A_348 = arith.constant 1 : i32
      %scan3A_349 = scf.for %scan3A_375 = %scan3A_345 to %scan3A_347 step %scan3A_348 iter_args(%scan3A_376 = %scan3A_344) -> (i32)  : i32 {
        %mul3A_377 = arith.constant 16 : i32
        %mul3A_378 = arith.muli %scan3A_375, %mul3A_377 : i32
        %add3A_379 = vector.broadcast %mul3A_378 : i32 to vector<16xi32>
        %add3A_380 = arith.addi %add3A_379, %iota3A : vector<16xi32>
        %scan3A_381 = arith.constant 0 : i32
        %scan3A_382 = arith.constant 16 : i32
        %scan3A_383 = arith.addi %scan3A_381, %scan3A_382 : i32
        %scan3A_384 = arith.constant 1 : i32
        %scan3A_385:5 = scf.for %scan3A_433 = %scan3A_381 to %scan3A_383 step %scan3A_384 iter_args(%scan3A_434 = %broadcast_in_dim3A_62, %scan3A_435 = %broadcast_in_dim3A_62, %scan3A_436 = %broadcast_in_dim3A_62, %scan3A_437 = %broadcast_in_dim3A_62, %scan3A_438 = %broadcast_in_dim3A_64) -> (vector<16xf32>, vector<16xf32>, vector<16xf32>, vector<16xf32>, vector<16xi32>)  : i32 {
          %gather3A = tpu.vector_load_idx %arg10[%add3A_380, %scan3A_438] : memref<128x128xf32, #tpu.memory_space<vmem>>[vector<16xi32>, vector<16xi32>], vector<16xf32>,
          %gather3A_439 = tpu.vector_load_idx %arg12[%add3A_380, %scan3A_438] : memref<128x256xf32, #tpu.memory_space<vmem>>[vector<16xi32>, vector<16xi32>], vector<16xf32>,
          %add3A_440 = arith.constant 128 : i32
          %add3A_441 = vector.broadcast %add3A_440 : i32 to vector<16xi32>
          %add3A_442 = arith.addi %scan3A_438, %add3A_441 : vector<16xi32>
          %gather3A_443 = tpu.vector_load_idx %arg12[%add3A_380, %add3A_442] : memref<128x256xf32, #tpu.memory_space<vmem>>[vector<16xi32>, vector<16xi32>], vector<16xf32>,
          %mul3A_444 = arith.mulf %gather3A, %gather3A_439 : vector<16xf32>
          %add3A_445 = arith.addf %scan3A_434, %mul3A_444 : vector<16xf32>
          %mul3A_446 = arith.mulf %gather3A, %gather3A_443 : vector<16xf32>
          %add3A_447 = arith.addf %scan3A_436, %mul3A_446 : vector<16xf32>
          %add3A_448 = arith.constant 1 : i32
          %add3A_449 = vector.broadcast %add3A_448 : i32 to vector<16xi32>
          %add3A_450 = arith.addi %scan3A_438, %add3A_449 : vector<16xi32>
          %gather3A_451 = tpu.vector_load_idx %arg10[%add3A_380, %add3A_450] : memref<128x128xf32, #tpu.memory_space<vmem>>[vector<16xi32>, vector<16xi32>], vector<16xf32>,
          %gather3A_452 = tpu.vector_load_idx %arg12[%add3A_380, %add3A_450] : memref<128x256xf32, #tpu.memory_space<vmem>>[vector<16xi32>, vector<16xi32>], vector<16xf32>,
          %add3A_453 = arith.constant 128 : i32
          %add3A_454 = vector.broadcast %add3A_453 : i32 to vector<16xi32>
          %add3A_455 = arith.addi %add3A_450, %add3A_454 : vector<16xi32>
          %gather3A_456 = tpu.vector_load_idx %arg12[%add3A_380, %add3A_455] : memref<128x256xf32, #tpu.memory_space<vmem>>[vector<16xi32>, vector<16xi32>], vector<16xf32>,
          %mul3A_457 = arith.mulf %gather3A_451, %gather3A_452 : vector<16xf32>
          %add3A_458 = arith.addf %scan3A_435, %mul3A_457 : vector<16xf32>
          %mul3A_459 = arith.mulf %gather3A_451, %gather3A_456 : vector<16xf32>
          %add3A_460 = arith.addf %scan3A_437, %mul3A_459 : vector<16xf32>
          %add3A_461 = arith.constant 2 : i32
          %add3A_462 = vector.broadcast %add3A_461 : i32 to vector<16xi32>
          %add3A_463 = arith.addi %scan3A_438, %add3A_462 : vector<16xi32>
          %gather3A_464 = tpu.vector_load_idx %arg10[%add3A_380, %add3A_463] : memref<128x128xf32, #tpu.memory_space<vmem>>[vector<16xi32>, vector<16xi32>], vector<16xf32>,
          %gather3A_465 = tpu.vector_load_idx %arg12[%add3A_380, %add3A_463] : memref<128x256xf32, #tpu.memory_space<vmem>>[vector<16xi32>, vector<16xi32>], vector<16xf32>,
          %add3A_466 = arith.constant 128 : i32
          %add3A_467 = vector.broadcast %add3A_466 : i32 to vector<16xi32>
          %add3A_468 = arith.addi %add3A_463, %add3A_467 : vector<16xi32>
          %gather3A_469 = tpu.vector_load_idx %arg12[%add3A_380, %add3A_468] : memref<128x256xf32, #tpu.memory_space<vmem>>[vector<16xi32>, vector<16xi32>], vector<16xf32>,
          %mul3A_470 = arith.mulf %gather3A_464, %gather3A_465 : vector<16xf32>
          %add3A_471 = arith.addf %add3A_445, %mul3A_470 : vector<16xf32>
          %mul3A_472 = arith.mulf %gather3A_464, %gather3A_469 : vector<16xf32>
          %add3A_473 = arith.addf %add3A_447, %mul3A_472 : vector<16xf32>
          %add3A_474 = arith.constant 3 : i32
          %add3A_475 = vector.broadcast %add3A_474 : i32 to vector<16xi32>
          %add3A_476 = arith.addi %scan3A_438, %add3A_475 : vector<16xi32>
          %gather3A_477 = tpu.vector_load_idx %arg10[%add3A_380, %add3A_476] : memref<128x128xf32, #tpu.memory_space<vmem>>[vector<16xi32>, vector<16xi32>], vector<16xf32>,
          %gather3A_478 = tpu.vector_load_idx %arg12[%add3A_380, %add3A_476] : memref<128x256xf32, #tpu.memory_space<vmem>>[vector<16xi32>, vector<16xi32>], vector<16xf32>,
          %add3A_479 = arith.constant 128 : i32
          %add3A_480 = vector.broadcast %add3A_479 : i32 to vector<16xi32>
          %add3A_481 = arith.addi %add3A_476, %add3A_480 : vector<16xi32>
          %gather3A_482 = tpu.vector_load_idx %arg12[%add3A_380, %add3A_481] : memref<128x256xf32, #tpu.memory_space<vmem>>[vector<16xi32>, vector<16xi32>], vector<16xf32>,
          %mul3A_483 = arith.mulf %gather3A_477, %gather3A_478 : vector<16xf32>
          %add3A_484 = arith.addf %add3A_458, %mul3A_483 : vector<16xf32>
          %mul3A_485 = arith.mulf %gather3A_477, %gather3A_482 : vector<16xf32>
          %add3A_486 = arith.addf %add3A_460, %mul3A_485 : vector<16xf32>
          %add3A_487 = arith.constant 4 : i32
          %add3A_488 = vector.broadcast %add3A_487 : i32 to vector<16xi32>
          %add3A_489 = arith.addi %scan3A_438, %add3A_488 : vector<16xi32>
          %gather3A_490 = tpu.vector_load_idx %arg10[%add3A_380, %add3A_489] : memref<128x128xf32, #tpu.memory_space<vmem>>[vector<16xi32>, vector<16xi32>], vector<16xf32>,
          %gather3A_491 = tpu.vector_load_idx %arg12[%add3A_380, %add3A_489] : memref<128x256xf32, #tpu.memory_space<vmem>>[vector<16xi32>, vector<16xi32>], vector<16xf32>,
          %add3A_492 = arith.constant 128 : i32
          %add3A_493 = vector.broadcast %add3A_492 : i32 to vector<16xi32>
          %add3A_494 = arith.addi %add3A_489, %add3A_493 : vector<16xi32>
          %gather3A_495 = tpu.vector_load_idx %arg12[%add3A_380, %add3A_494] : memref<128x256xf32, #tpu.memory_space<vmem>>[vector<16xi32>, vector<16xi32>], vector<16xf32>,
          %mul3A_496 = arith.mulf %gather3A_490, %gather3A_491 : vector<16xf32>
          %add3A_497 = arith.addf %add3A_471, %mul3A_496 : vector<16xf32>
          %mul3A_498 = arith.mulf %gather3A_490, %gather3A_495 : vector<16xf32>
          %add3A_499 = arith.addf %add3A_473, %mul3A_498 : vector<16xf32>
          %add3A_500 = arith.constant 5 : i32
          %add3A_501 = vector.broadcast %add3A_500 : i32 to vector<16xi32>
          %add3A_502 = arith.addi %scan3A_438, %add3A_501 : vector<16xi32>
          %gather3A_503 = tpu.vector_load_idx %arg10[%add3A_380, %add3A_502] : memref<128x128xf32, #tpu.memory_space<vmem>>[vector<16xi32>, vector<16xi32>], vector<16xf32>,
          %gather3A_504 = tpu.vector_load_idx %arg12[%add3A_380, %add3A_502] : memref<128x256xf32, #tpu.memory_space<vmem>>[vector<16xi32>, vector<16xi32>], vector<16xf32>,
          %add3A_505 = arith.constant 128 : i32
          %add3A_506 = vector.broadcast %add3A_505 : i32 to vector<16xi32>
          %add3A_507 = arith.addi %add3A_502, %add3A_506 : vector<16xi32>
          %gather3A_508 = tpu.vector_load_idx %arg12[%add3A_380, %add3A_507] : memref<128x256xf32, #tpu.memory_space<vmem>>[vector<16xi32>, vector<16xi32>], vector<16xf32>,
          %mul3A_509 = arith.mulf %gather3A_503, %gather3A_504 : vector<16xf32>
          %add3A_510 = arith.addf %add3A_484, %mul3A_509 : vector<16xf32>
          %mul3A_511 = arith.mulf %gather3A_503, %gather3A_508 : vector<16xf32>
          %add3A_512 = arith.addf %add3A_486, %mul3A_511 : vector<16xf32>
          %add3A_513 = arith.constant 6 : i32
          %add3A_514 = vector.broadcast %add3A_513 : i32 to vector<16xi32>
          %add3A_515 = arith.addi %scan3A_438, %add3A_514 : vector<16xi32>
          %gather3A_516 = tpu.vector_load_idx %arg10[%add3A_380, %add3A_515] : memref<128x128xf32, #tpu.memory_space<vmem>>[vector<16xi32>, vector<16xi32>], vector<16xf32>,
          %gather3A_517 = tpu.vector_load_idx %arg12[%add3A_380, %add3A_515] : memref<128x256xf32, #tpu.memory_space<vmem>>[vector<16xi32>, vector<16xi32>], vector<16xf32>,
          %add3A_518 = arith.constant 128 : i32
          %add3A_519 = vector.broadcast %add3A_518 : i32 to vector<16xi32>
          %add3A_520 = arith.addi %add3A_515, %add3A_519 : vector<16xi32>
          %gather3A_521 = tpu.vector_load_idx %arg12[%add3A_380, %add3A_520] : memref<128x256xf32, #tpu.memory_space<vmem>>[vector<16xi32>, vector<16xi32>], vector<16xf32>,
          %mul3A_522 = arith.mulf %gather3A_516, %gather3A_517 : vector<16xf32>
          %add3A_523 = arith.addf %add3A_497, %mul3A_522 : vector<16xf32>
          %mul3A_524 = arith.mulf %gather3A_516, %gather3A_521 : vector<16xf32>
          %add3A_525 = arith.addf %add3A_499, %mul3A_524 : vector<16xf32>
          %add3A_526 = arith.constant 7 : i32
          %add3A_527 = vector.broadcast %add3A_526 : i32 to vector<16xi32>
          %add3A_528 = arith.addi %scan3A_438, %add3A_527 : vector<16xi32>
          %gather3A_529 = tpu.vector_load_idx %arg10[%add3A_380, %add3A_528] : memref<128x128xf32, #tpu.memory_space<vmem>>[vector<16xi32>, vector<16xi32>], vector<16xf32>,
          %gather3A_530 = tpu.vector_load_idx %arg12[%add3A_380, %add3A_528] : memref<128x256xf32, #tpu.memory_space<vmem>>[vector<16xi32>, vector<16xi32>], vector<16xf32>,
          %add3A_531 = arith.constant 128 : i32
          %add3A_532 = vector.broadcast %add3A_531 : i32 to vector<16xi32>
          %add3A_533 = arith.addi %add3A_528, %add3A_532 : vector<16xi32>
          %gather3A_534 = tpu.vector_load_idx %arg12[%add3A_380, %add3A_533] : memref<128x256xf32, #tpu.memory_space<vmem>>[vector<16xi32>, vector<16xi32>], vector<16xf32>,
          %mul3A_535 = arith.mulf %gather3A_529, %gather3A_530 : vector<16xf32>
          %add3A_536 = arith.addf %add3A_510, %mul3A_535 : vector<16xf32>
          %mul3A_537 = arith.mulf %gather3A_529, %gather3A_534 : vector<16xf32>
          %add3A_538 = arith.addf %add3A_512, %mul3A_537 : vector<16xf32>
          %add3A_539 = arith.constant 8 : i32
          %add3A_540 = vector.broadcast %add3A_539 : i32 to vector<16xi32>
          %add3A_541 = arith.addi %scan3A_438, %add3A_540 : vector<16xi32>
          scf.yield %add3A_523, %add3A_536, %add3A_525, %add3A_538, %add3A_541 : vector<16xf32>, vector<16xf32>, vector<16xf32>, vector<16xf32>, vector<16xi32>
        }
        %scan3A_386 = arith.constant 16 : i32
        %add3A_387 = arith.addf %scan3A_385#0, %scan3A_385#1 : vector<16xf32>
        %add3A_388 = arith.addf %scan3A_385#2, %scan3A_385#3 : vector<16xf32>
        %mul3A_389 = arith.constant 16 : i32
        %mul3A_390 = arith.muli %scan3A_375, %mul3A_389 : i32
        %add3A_391 = arith.addi %mul3A_343, %mul3A_390 : i32
        %add3A_392 = vector.broadcast %add3A_391 : i32 to vector<16xi32>
        %add3A_393 = arith.addi %add3A_392, %iota3A : vector<16xi32>
        %mul3A_394 = arith.constant 5 : i32
        %mul3A_395 = vector.broadcast %mul3A_394 : i32 to vector<16xi32>
        %mul3A_396 = arith.muli %add3A_393, %mul3A_395 : vector<16xi32>
        %mul3A_397 = arith.mulf %add3A_387, %get3A_5 : vector<16xf32>
        %mul3A_398 = arith.mulf %add3A_388, %get3A_25 : vector<16xf32>
        %add3A_399 = arith.addf %mul3A_397, %mul3A_398 : vector<16xf32>
        %add3A_400 = arith.addf %add3A_399, %get3A_45 : vector<16xf32>
        %add3A_401 = arith.constant 0 : i32
        %add3A_402 = vector.broadcast %add3A_401 : i32 to vector<16xi32>
        %add3A_403 = arith.addi %mul3A_396, %add3A_402 : vector<16xi32>
        tpu.vector_store_idx %arg14[%add3A_403], %add3A_400 : memref<10240xf32, #tpu.memory_space<vmem>>[vector<16xi32>], vector<16xf32>,
        %mul3A_404 = arith.mulf %add3A_387, %get3A_9 : vector<16xf32>
        %mul3A_405 = arith.mulf %add3A_388, %get3A_29 : vector<16xf32>
        %add3A_406 = arith.addf %mul3A_404, %mul3A_405 : vector<16xf32>
        %add3A_407 = arith.addf %add3A_406, %get3A_49 : vector<16xf32>
        %add3A_408 = arith.constant 1 : i32
        %add3A_409 = vector.broadcast %add3A_408 : i32 to vector<16xi32>
        %add3A_410 = arith.addi %mul3A_396, %add3A_409 : vector<16xi32>
        tpu.vector_store_idx %arg14[%add3A_410], %add3A_407 : memref<10240xf32, #tpu.memory_space<vmem>>[vector<16xi32>], vector<16xf32>,
        %mul3A_411 = arith.mulf %add3A_387, %get3A_13 : vector<16xf32>
        %mul3A_412 = arith.mulf %add3A_388, %get3A_33 : vector<16xf32>
        %add3A_413 = arith.addf %mul3A_411, %mul3A_412 : vector<16xf32>
        %add3A_414 = arith.addf %add3A_413, %get3A_53 : vector<16xf32>
        %add3A_415 = arith.constant 2 : i32
        %add3A_416 = vector.broadcast %add3A_415 : i32 to vector<16xi32>
        %add3A_417 = arith.addi %mul3A_396, %add3A_416 : vector<16xi32>
        tpu.vector_store_idx %arg14[%add3A_417], %add3A_414 : memref<10240xf32, #tpu.memory_space<vmem>>[vector<16xi32>], vector<16xf32>,
        %mul3A_418 = arith.mulf %add3A_387, %get3A_17 : vector<16xf32>
        %mul3A_419 = arith.mulf %add3A_388, %get3A_37 : vector<16xf32>
        %add3A_420 = arith.addf %mul3A_418, %mul3A_419 : vector<16xf32>
        %add3A_421 = arith.addf %add3A_420, %get3A_57 : vector<16xf32>
        %add3A_422 = arith.constant 3 : i32
        %add3A_423 = vector.broadcast %add3A_422 : i32 to vector<16xi32>
        %add3A_424 = arith.addi %mul3A_396, %add3A_423 : vector<16xi32>
        tpu.vector_store_idx %arg14[%add3A_424], %add3A_421 : memref<10240xf32, #tpu.memory_space<vmem>>[vector<16xi32>], vector<16xf32>,
        %mul3A_425 = arith.mulf %add3A_387, %get3A_21 : vector<16xf32>
        %mul3A_426 = arith.mulf %add3A_388, %get3A_41 : vector<16xf32>
        %add3A_427 = arith.addf %mul3A_425, %mul3A_426 : vector<16xf32>
        %add3A_428 = arith.addf %add3A_427, %get3A_61 : vector<16xf32>
        %add3A_429 = arith.constant 4 : i32
        %add3A_430 = vector.broadcast %add3A_429 : i32 to vector<16xi32>
        %add3A_431 = arith.addi %mul3A_396, %add3A_430 : vector<16xi32>
        tpu.vector_store_idx %arg14[%add3A_431], %add3A_428 : memref<10240xf32, #tpu.memory_space<vmem>>[vector<16xi32>], vector<16xf32>,
        %scan3A_432 = arith.constant 0 : i32
        scf.yield %scan3A_432 : i32
      }
      %scan3A_350 = arith.constant 8 : i32
      %lt3A = arith.constant 6 : i32
      %lt3A_351 = arith.cmpi slt, %scan3A_236, %lt3A : i32
      %convert_element_type3A = arith.extui %lt3A_351 : i1 to i32
      %cond3A = arith.constant 0 : i32
      %cond3A_352 = arith.cmpi ne, %convert_element_type3A, %cond3A : i32
      scf.if %cond3A_352 {
        %add3A_375 = arith.constant 2 : i32
        %add3A_376 = arith.addi %mul3A_239, %add3A_375 : i32
        %mul3A_377 = arith.constant 128 : i32
        %mul3A_378 = arith.muli %add3A_376, %mul3A_377 : i32
        %add3A_379 = arith.constant 0 : i32
        %add3A_380 = arith.addi %mul3A_378, %add3A_379 : i32
        %mul3A_381 = arith.constant 128 : i32
        %mul3A_382 = arith.muli %add3A_376, %mul3A_381 : i32
        %add3A_383 = arith.constant 0 : i32
        %add3A_384 = arith.addi %mul3A_382, %add3A_383 : i32
        %dma_start3A_385 = arith.constant 0 : i32
        %dma_start3A_386 = arith.constant 0 : i32
        %dma_start3A_387 = tpu.memref_slice %arg10[%dma_start3A_385, %dma_start3A_386] : memref<128x128xf32, #tpu.memory_space<vmem>> -> memref<32x128xf32, #tpu.memory_space<vmem>>
        %dma_start3A_388 = tpu.memref_slice %arg8[%add3A_380] : memref<2048xi32, #tpu.memory_space<vmem>> -> memref<32xi32, #tpu.memory_space<vmem>>
        %dma_start3A_389 = arith.constant 0 : i32
        %dma_start3A_390 = arith.constant 0 : i32
        %dma_start3A_391 = tpu.memref_slice %arg3[%dma_start3A_389, %dma_start3A_390] : memref<10000x128xf32, #tpu.memory_space<hbm>> -> memref<10000x128xf32, #tpu.memory_space<hbm>>
        tpu.enqueue_indirect_dma source(%dma_start3A_391 : memref<10000x128xf32, #tpu.memory_space<hbm>>) target(%dma_start3A_387 : memref<32x128xf32, #tpu.memory_space<vmem>>) offsets(%dma_start3A_388 : memref<32xi32, #tpu.memory_space<vmem>>) semaphore(%arg16 : memref<!tpu.dma_semaphore, #tpu.memory_space<semaphore_mem>>)
        %dma_start3A_392 = arith.constant 0 : i32
        %dma_start3A_393 = arith.constant 0 : i32
        %dma_start3A_394 = tpu.memref_slice %arg12[%dma_start3A_392, %dma_start3A_393] : memref<128x256xf32, #tpu.memory_space<vmem>> -> memref<32x256xf32, #tpu.memory_space<vmem>>
        %dma_start3A_395 = tpu.memref_slice %arg9[%add3A_384] : memref<2048xi32, #tpu.memory_space<vmem>> -> memref<32xi32, #tpu.memory_space<vmem>>
        %dma_start3A_396 = arith.constant 0 : i32
        %dma_start3A_397 = arith.constant 0 : i32
        %dma_start3A_398 = tpu.memref_slice %arg2[%dma_start3A_396, %dma_start3A_397] : memref<10000x256xf32, #tpu.memory_space<hbm>> -> memref<10000x256xf32, #tpu.memory_space<hbm>>
        tpu.enqueue_indirect_dma source(%dma_start3A_398 : memref<10000x256xf32, #tpu.memory_space<hbm>>) target(%dma_start3A_394 : memref<32x256xf32, #tpu.memory_space<vmem>>) offsets(%dma_start3A_395 : memref<32xi32, #tpu.memory_space<vmem>>) semaphore(%arg18 : memref<!tpu.dma_semaphore, #tpu.memory_space<semaphore_mem>>)
        %mul3A_399 = arith.constant 128 : i32
        %mul3A_400 = arith.muli %add3A_376, %mul3A_399 : i32
        %add3A_401 = arith.constant 32 : i32
        %add3A_402 = arith.addi %mul3A_400, %add3A_401 : i32
        %mul3A_403 = arith.constant 128 : i32
        %mul3A_404 = arith.muli %add3A_376, %mul3A_403 : i32
        %add3A_405 = arith.constant 32 : i32
        %add3A_406 = arith.addi %mul3A_404, %add3A_405 : i32
        %dma_start3A_407 = arith.constant 32 : i32
        %dma_start3A_408 = arith.constant 0 : i32
        %dma_start3A_409 = tpu.memref_slice %arg10[%dma_start3A_407, %dma_start3A_408] : memref<128x128xf32, #tpu.memory_space<vmem>> -> memref<32x128xf32, #tpu.memory_space<vmem>>
        %dma_start3A_410 = tpu.memref_slice %arg8[%add3A_402] : memref<2048xi32, #tpu.memory_space<vmem>> -> memref<32xi32, #tpu.memory_space<vmem>>
        %dma_start3A_411 = arith.constant 0 : i32
        %dma_start3A_412 = arith.constant 0 : i32
        %dma_start3A_413 = tpu.memref_slice %arg3[%dma_start3A_411, %dma_start3A_412] : memref<10000x128xf32, #tpu.memory_space<hbm>> -> memref<10000x128xf32, #tpu.memory_space<hbm>>
        tpu.enqueue_indirect_dma source(%dma_start3A_413 : memref<10000x128xf32, #tpu.memory_space<hbm>>) target(%dma_start3A_409 : memref<32x128xf32, #tpu.memory_space<vmem>>) offsets(%dma_start3A_410 : memref<32xi32, #tpu.memory_space<vmem>>) semaphore(%arg16 : memref<!tpu.dma_semaphore, #tpu.memory_space<semaphore_mem>>)
        %dma_start3A_414 = arith.constant 32 : i32
        %dma_start3A_415 = arith.constant 0 : i32
        %dma_start3A_416 = tpu.memref_slice %arg12[%dma_start3A_414, %dma_start3A_415] : memref<128x256xf32, #tpu.memory_space<vmem>> -> memref<32x256xf32, #tpu.memory_space<vmem>>
        %dma_start3A_417 = tpu.memref_slice %arg9[%add3A_406] : memref<2048xi32, #tpu.memory_space<vmem>> -> memref<32xi32, #tpu.memory_space<vmem>>
        %dma_start3A_418 = arith.constant 0 : i32
        %dma_start3A_419 = arith.constant 0 : i32
        %dma_start3A_420 = tpu.memref_slice %arg2[%dma_start3A_418, %dma_start3A_419] : memref<10000x256xf32, #tpu.memory_space<hbm>> -> memref<10000x256xf32, #tpu.memory_space<hbm>>
        tpu.enqueue_indirect_dma source(%dma_start3A_420 : memref<10000x256xf32, #tpu.memory_space<hbm>>) target(%dma_start3A_416 : memref<32x256xf32, #tpu.memory_space<vmem>>) offsets(%dma_start3A_417 : memref<32xi32, #tpu.memory_space<vmem>>) semaphore(%arg18 : memref<!tpu.dma_semaphore, #tpu.memory_space<semaphore_mem>>)
        %mul3A_421 = arith.constant 128 : i32
        %mul3A_422 = arith.muli %add3A_376, %mul3A_421 : i32
        %add3A_423 = arith.constant 64 : i32
        %add3A_424 = arith.addi %mul3A_422, %add3A_423 : i32
        %mul3A_425 = arith.constant 128 : i32
        %mul3A_426 = arith.muli %add3A_376, %mul3A_425 : i32
        %add3A_427 = arith.constant 64 : i32
        %add3A_428 = arith.addi %mul3A_426, %add3A_427 : i32
        %dma_start3A_429 = arith.constant 64 : i32
        %dma_start3A_430 = arith.constant 0 : i32
        %dma_start3A_431 = tpu.memref_slice %arg10[%dma_start3A_429, %dma_start3A_430] : memref<128x128xf32, #tpu.memory_space<vmem>> -> memref<32x128xf32, #tpu.memory_space<vmem>>
        %dma_start3A_432 = tpu.memref_slice %arg8[%add3A_424] : memref<2048xi32, #tpu.memory_space<vmem>> -> memref<32xi32, #tpu.memory_space<vmem>>
        %dma_start3A_433 = arith.constant 0 : i32
        %dma_start3A_434 = arith.constant 0 : i32
        %dma_start3A_435 = tpu.memref_slice %arg3[%dma_start3A_433, %dma_start3A_434] : memref<10000x128xf32, #tpu.memory_space<hbm>> -> memref<10000x128xf32, #tpu.memory_space<hbm>>
        tpu.enqueue_indirect_dma source(%dma_start3A_435 : memref<10000x128xf32, #tpu.memory_space<hbm>>) target(%dma_start3A_431 : memref<32x128xf32, #tpu.memory_space<vmem>>) offsets(%dma_start3A_432 : memref<32xi32, #tpu.memory_space<vmem>>) semaphore(%arg16 : memref<!tpu.dma_semaphore, #tpu.memory_space<semaphore_mem>>)
        %dma_start3A_436 = arith.constant 64 : i32
        %dma_start3A_437 = arith.constant 0 : i32
        %dma_start3A_438 = tpu.memref_slice %arg12[%dma_start3A_436, %dma_start3A_437] : memref<128x256xf32, #tpu.memory_space<vmem>> -> memref<32x256xf32, #tpu.memory_space<vmem>>
        %dma_start3A_439 = tpu.memref_slice %arg9[%add3A_428] : memref<2048xi32, #tpu.memory_space<vmem>> -> memref<32xi32, #tpu.memory_space<vmem>>
        %dma_start3A_440 = arith.constant 0 : i32
        %dma_start3A_441 = arith.constant 0 : i32
        %dma_start3A_442 = tpu.memref_slice %arg2[%dma_start3A_440, %dma_start3A_441] : memref<10000x256xf32, #tpu.memory_space<hbm>> -> memref<10000x256xf32, #tpu.memory_space<hbm>>
        tpu.enqueue_indirect_dma source(%dma_start3A_442 : memref<10000x256xf32, #tpu.memory_space<hbm>>) target(%dma_start3A_438 : memref<32x256xf32, #tpu.memory_space<vmem>>) offsets(%dma_start3A_439 : memref<32xi32, #tpu.memory_space<vmem>>) semaphore(%arg18 : memref<!tpu.dma_semaphore, #tpu.memory_space<semaphore_mem>>)
        %mul3A_443 = arith.constant 128 : i32
        %mul3A_444 = arith.muli %add3A_376, %mul3A_443 : i32
        %add3A_445 = arith.constant 96 : i32
        %add3A_446 = arith.addi %mul3A_444, %add3A_445 : i32
        %mul3A_447 = arith.constant 128 : i32
        %mul3A_448 = arith.muli %add3A_376, %mul3A_447 : i32
        %add3A_449 = arith.constant 96 : i32
        %add3A_450 = arith.addi %mul3A_448, %add3A_449 : i32
        %dma_start3A_451 = arith.constant 96 : i32
        %dma_start3A_452 = arith.constant 0 : i32
        %dma_start3A_453 = tpu.memref_slice %arg10[%dma_start3A_451, %dma_start3A_452] : memref<128x128xf32, #tpu.memory_space<vmem>> -> memref<32x128xf32, #tpu.memory_space<vmem>>
        %dma_start3A_454 = tpu.memref_slice %arg8[%add3A_446] : memref<2048xi32, #tpu.memory_space<vmem>> -> memref<32xi32, #tpu.memory_space<vmem>>
        %dma_start3A_455 = arith.constant 0 : i32
        %dma_start3A_456 = arith.constant 0 : i32
        %dma_start3A_457 = tpu.memref_slice %arg3[%dma_start3A_455, %dma_start3A_456] : memref<10000x128xf32, #tpu.memory_space<hbm>> -> memref<10000x128xf32, #tpu.memory_space<hbm>>
        tpu.enqueue_indirect_dma source(%dma_start3A_457 : memref<10000x128xf32, #tpu.memory_space<hbm>>) target(%dma_start3A_453 : memref<32x128xf32, #tpu.memory_space<vmem>>) offsets(%dma_start3A_454 : memref<32xi32, #tpu.memory_space<vmem>>) semaphore(%arg16 : memref<!tpu.dma_semaphore, #tpu.memory_space<semaphore_mem>>)
        %dma_start3A_458 = arith.constant 96 : i32
        %dma_start3A_459 = arith.constant 0 : i32
        %dma_start3A_460 = tpu.memref_slice %arg12[%dma_start3A_458, %dma_start3A_459] : memref<128x256xf32, #tpu.memory_space<vmem>> -> memref<32x256xf32, #tpu.memory_space<vmem>>
        %dma_start3A_461 = tpu.memref_slice %arg9[%add3A_450] : memref<2048xi32, #tpu.memory_space<vmem>> -> memref<32xi32, #tpu.memory_space<vmem>>
        %dma_start3A_462 = arith.constant 0 : i32
        %dma_start3A_463 = arith.constant 0 : i32
        %dma_start3A_464 = tpu.memref_slice %arg2[%dma_start3A_462, %dma_start3A_463] : memref<10000x256xf32, #tpu.memory_space<hbm>> -> memref<10000x256xf32, #tpu.memory_space<hbm>>
        tpu.enqueue_indirect_dma source(%dma_start3A_464 : memref<10000x256xf32, #tpu.memory_space<hbm>>) target(%dma_start3A_460 : memref<32x256xf32, #tpu.memory_space<vmem>>) offsets(%dma_start3A_461 : memref<32xi32, #tpu.memory_space<vmem>>) semaphore(%arg18 : memref<!tpu.dma_semaphore, #tpu.memory_space<semaphore_mem>>)
      } else {
      }
      %mul3A_353 = arith.constant 128 : i32
      %mul3A_354 = arith.muli %add3A_241, %mul3A_353 : i32
      %mul3A_355 = arith.constant 128 : i32
      %mul3A_356 = arith.muli %add3A_241, %mul3A_355 : i32
      %dma_wait3A_357 = tpu.memref_slice %arg8[%mul3A_354] : memref<2048xi32, #tpu.memory_space<vmem>> -> memref<128xi32, #tpu.memory_space<vmem>>
      %dma_wait3A_358 = arith.constant 0 : i32
      %dma_wait3A_359 = arith.constant 0 : i32
      %dma_wait3A_360 = tpu.memref_slice %arg3[%dma_wait3A_358, %dma_wait3A_359] : memref<10000x128xf32, #tpu.memory_space<hbm>> -> memref<10000x128xf32, #tpu.memory_space<hbm>>
      tpu.wait_indirect_dma semaphore(%arg17 : memref<!tpu.dma_semaphore, #tpu.memory_space<semaphore_mem>>) src(%dma_wait3A_360 : memref<10000x128xf32, #tpu.memory_space<hbm>>) dst(%arg11 : memref<128x128xf32, #tpu.memory_space<vmem>>)
      %dma_wait3A_361 = tpu.memref_slice %arg9[%mul3A_356] : memref<2048xi32, #tpu.memory_space<vmem>> -> memref<128xi32, #tpu.memory_space<vmem>>
      %dma_wait3A_362 = arith.constant 0 : i32
      %dma_wait3A_363 = arith.constant 0 : i32
      %dma_wait3A_364 = tpu.memref_slice %arg2[%dma_wait3A_362, %dma_wait3A_363] : memref<10000x256xf32, #tpu.memory_space<hbm>> -> memref<10000x256xf32, #tpu.memory_space<hbm>>
      tpu.wait_indirect_dma semaphore(%arg19 : memref<!tpu.dma_semaphore, #tpu.memory_space<semaphore_mem>>) src(%dma_wait3A_364 : memref<10000x256xf32, #tpu.memory_space<hbm>>) dst(%arg13 : memref<128x256xf32, #tpu.memory_space<vmem>>)
      %mul3A_365 = arith.constant 128 : i32
      %mul3A_366 = arith.muli %add3A_241, %mul3A_365 : i32
      %scan3A_367 = arith.constant 0 : i32
      %scan3A_368 = arith.constant 0 : i32
      %scan3A_369 = arith.constant 8 : i32
      %scan3A_370 = arith.addi %scan3A_368, %scan3A_369 : i32
      %scan3A_371 = arith.constant 1 : i32
      %scan3A_372 = scf.for %scan3A_375 = %scan3A_368 to %scan3A_370 step %scan3A_371 iter_args(%scan3A_376 = %scan3A_367) -> (i32)  : i32 {
        %mul3A_377 = arith.constant 16 : i32
        %mul3A_378 = arith.muli %scan3A_375, %mul3A_377 : i32
        %add3A_379 = vector.broadcast %mul3A_378 : i32 to vector<16xi32>
        %add3A_380 = arith.addi %add3A_379, %iota3A : vector<16xi32>
        %scan3A_381 = arith.constant 0 : i32
        %scan3A_382 = arith.constant 16 : i32
        %scan3A_383 = arith.addi %scan3A_381, %scan3A_382 : i32
        %scan3A_384 = arith.constant 1 : i32
        %scan3A_385:5 = scf.for %scan3A_433 = %scan3A_381 to %scan3A_383 step %scan3A_384 iter_args(%scan3A_434 = %broadcast_in_dim3A_62, %scan3A_435 = %broadcast_in_dim3A_62, %scan3A_436 = %broadcast_in_dim3A_62, %scan3A_437 = %broadcast_in_dim3A_62, %scan3A_438 = %broadcast_in_dim3A_64) -> (vector<16xf32>, vector<16xf32>, vector<16xf32>, vector<16xf32>, vector<16xi32>)  : i32 {
          %gather3A = tpu.vector_load_idx %arg11[%add3A_380, %scan3A_438] : memref<128x128xf32, #tpu.memory_space<vmem>>[vector<16xi32>, vector<16xi32>], vector<16xf32>,
          %gather3A_439 = tpu.vector_load_idx %arg13[%add3A_380, %scan3A_438] : memref<128x256xf32, #tpu.memory_space<vmem>>[vector<16xi32>, vector<16xi32>], vector<16xf32>,
          %add3A_440 = arith.constant 128 : i32
          %add3A_441 = vector.broadcast %add3A_440 : i32 to vector<16xi32>
          %add3A_442 = arith.addi %scan3A_438, %add3A_441 : vector<16xi32>
          %gather3A_443 = tpu.vector_load_idx %arg13[%add3A_380, %add3A_442] : memref<128x256xf32, #tpu.memory_space<vmem>>[vector<16xi32>, vector<16xi32>], vector<16xf32>,
          %mul3A_444 = arith.mulf %gather3A, %gather3A_439 : vector<16xf32>
          %add3A_445 = arith.addf %scan3A_434, %mul3A_444 : vector<16xf32>
          %mul3A_446 = arith.mulf %gather3A, %gather3A_443 : vector<16xf32>
          %add3A_447 = arith.addf %scan3A_436, %mul3A_446 : vector<16xf32>
          %add3A_448 = arith.constant 1 : i32
          %add3A_449 = vector.broadcast %add3A_448 : i32 to vector<16xi32>
          %add3A_450 = arith.addi %scan3A_438, %add3A_449 : vector<16xi32>
          %gather3A_451 = tpu.vector_load_idx %arg11[%add3A_380, %add3A_450] : memref<128x128xf32, #tpu.memory_space<vmem>>[vector<16xi32>, vector<16xi32>], vector<16xf32>,
          %gather3A_452 = tpu.vector_load_idx %arg13[%add3A_380, %add3A_450] : memref<128x256xf32, #tpu.memory_space<vmem>>[vector<16xi32>, vector<16xi32>], vector<16xf32>,
          %add3A_453 = arith.constant 128 : i32
          %add3A_454 = vector.broadcast %add3A_453 : i32 to vector<16xi32>
          %add3A_455 = arith.addi %add3A_450, %add3A_454 : vector<16xi32>
          %gather3A_456 = tpu.vector_load_idx %arg13[%add3A_380, %add3A_455] : memref<128x256xf32, #tpu.memory_space<vmem>>[vector<16xi32>, vector<16xi32>], vector<16xf32>,
          %mul3A_457 = arith.mulf %gather3A_451, %gather3A_452 : vector<16xf32>
          %add3A_458 = arith.addf %scan3A_435, %mul3A_457 : vector<16xf32>
          %mul3A_459 = arith.mulf %gather3A_451, %gather3A_456 : vector<16xf32>
          %add3A_460 = arith.addf %scan3A_437, %mul3A_459 : vector<16xf32>
          %add3A_461 = arith.constant 2 : i32
          %add3A_462 = vector.broadcast %add3A_461 : i32 to vector<16xi32>
          %add3A_463 = arith.addi %scan3A_438, %add3A_462 : vector<16xi32>
          %gather3A_464 = tpu.vector_load_idx %arg11[%add3A_380, %add3A_463] : memref<128x128xf32, #tpu.memory_space<vmem>>[vector<16xi32>, vector<16xi32>], vector<16xf32>,
          %gather3A_465 = tpu.vector_load_idx %arg13[%add3A_380, %add3A_463] : memref<128x256xf32, #tpu.memory_space<vmem>>[vector<16xi32>, vector<16xi32>], vector<16xf32>,
          %add3A_466 = arith.constant 128 : i32
          %add3A_467 = vector.broadcast %add3A_466 : i32 to vector<16xi32>
          %add3A_468 = arith.addi %add3A_463, %add3A_467 : vector<16xi32>
          %gather3A_469 = tpu.vector_load_idx %arg13[%add3A_380, %add3A_468] : memref<128x256xf32, #tpu.memory_space<vmem>>[vector<16xi32>, vector<16xi32>], vector<16xf32>,
          %mul3A_470 = arith.mulf %gather3A_464, %gather3A_465 : vector<16xf32>
          %add3A_471 = arith.addf %add3A_445, %mul3A_470 : vector<16xf32>
          %mul3A_472 = arith.mulf %gather3A_464, %gather3A_469 : vector<16xf32>
          %add3A_473 = arith.addf %add3A_447, %mul3A_472 : vector<16xf32>
          %add3A_474 = arith.constant 3 : i32
          %add3A_475 = vector.broadcast %add3A_474 : i32 to vector<16xi32>
          %add3A_476 = arith.addi %scan3A_438, %add3A_475 : vector<16xi32>
          %gather3A_477 = tpu.vector_load_idx %arg11[%add3A_380, %add3A_476] : memref<128x128xf32, #tpu.memory_space<vmem>>[vector<16xi32>, vector<16xi32>], vector<16xf32>,
          %gather3A_478 = tpu.vector_load_idx %arg13[%add3A_380, %add3A_476] : memref<128x256xf32, #tpu.memory_space<vmem>>[vector<16xi32>, vector<16xi32>], vector<16xf32>,
          %add3A_479 = arith.constant 128 : i32
          %add3A_480 = vector.broadcast %add3A_479 : i32 to vector<16xi32>
          %add3A_481 = arith.addi %add3A_476, %add3A_480 : vector<16xi32>
          %gather3A_482 = tpu.vector_load_idx %arg13[%add3A_380, %add3A_481] : memref<128x256xf32, #tpu.memory_space<vmem>>[vector<16xi32>, vector<16xi32>], vector<16xf32>,
          %mul3A_483 = arith.mulf %gather3A_477, %gather3A_478 : vector<16xf32>
          %add3A_484 = arith.addf %add3A_458, %mul3A_483 : vector<16xf32>
          %mul3A_485 = arith.mulf %gather3A_477, %gather3A_482 : vector<16xf32>
          %add3A_486 = arith.addf %add3A_460, %mul3A_485 : vector<16xf32>
          %add3A_487 = arith.constant 4 : i32
          %add3A_488 = vector.broadcast %add3A_487 : i32 to vector<16xi32>
          %add3A_489 = arith.addi %scan3A_438, %add3A_488 : vector<16xi32>
          %gather3A_490 = tpu.vector_load_idx %arg11[%add3A_380, %add3A_489] : memref<128x128xf32, #tpu.memory_space<vmem>>[vector<16xi32>, vector<16xi32>], vector<16xf32>,
          %gather3A_491 = tpu.vector_load_idx %arg13[%add3A_380, %add3A_489] : memref<128x256xf32, #tpu.memory_space<vmem>>[vector<16xi32>, vector<16xi32>], vector<16xf32>,
          %add3A_492 = arith.constant 128 : i32
          %add3A_493 = vector.broadcast %add3A_492 : i32 to vector<16xi32>
          %add3A_494 = arith.addi %add3A_489, %add3A_493 : vector<16xi32>
          %gather3A_495 = tpu.vector_load_idx %arg13[%add3A_380, %add3A_494] : memref<128x256xf32, #tpu.memory_space<vmem>>[vector<16xi32>, vector<16xi32>], vector<16xf32>,
          %mul3A_496 = arith.mulf %gather3A_490, %gather3A_491 : vector<16xf32>
          %add3A_497 = arith.addf %add3A_471, %mul3A_496 : vector<16xf32>
          %mul3A_498 = arith.mulf %gather3A_490, %gather3A_495 : vector<16xf32>
          %add3A_499 = arith.addf %add3A_473, %mul3A_498 : vector<16xf32>
          %add3A_500 = arith.constant 5 : i32
          %add3A_501 = vector.broadcast %add3A_500 : i32 to vector<16xi32>
          %add3A_502 = arith.addi %scan3A_438, %add3A_501 : vector<16xi32>
          %gather3A_503 = tpu.vector_load_idx %arg11[%add3A_380, %add3A_502] : memref<128x128xf32, #tpu.memory_space<vmem>>[vector<16xi32>, vector<16xi32>], vector<16xf32>,
          %gather3A_504 = tpu.vector_load_idx %arg13[%add3A_380, %add3A_502] : memref<128x256xf32, #tpu.memory_space<vmem>>[vector<16xi32>, vector<16xi32>], vector<16xf32>,
          %add3A_505 = arith.constant 128 : i32
          %add3A_506 = vector.broadcast %add3A_505 : i32 to vector<16xi32>
          %add3A_507 = arith.addi %add3A_502, %add3A_506 : vector<16xi32>
          %gather3A_508 = tpu.vector_load_idx %arg13[%add3A_380, %add3A_507] : memref<128x256xf32, #tpu.memory_space<vmem>>[vector<16xi32>, vector<16xi32>], vector<16xf32>,
          %mul3A_509 = arith.mulf %gather3A_503, %gather3A_504 : vector<16xf32>
          %add3A_510 = arith.addf %add3A_484, %mul3A_509 : vector<16xf32>
          %mul3A_511 = arith.mulf %gather3A_503, %gather3A_508 : vector<16xf32>
          %add3A_512 = arith.addf %add3A_486, %mul3A_511 : vector<16xf32>
          %add3A_513 = arith.constant 6 : i32
          %add3A_514 = vector.broadcast %add3A_513 : i32 to vector<16xi32>
          %add3A_515 = arith.addi %scan3A_438, %add3A_514 : vector<16xi32>
          %gather3A_516 = tpu.vector_load_idx %arg11[%add3A_380, %add3A_515] : memref<128x128xf32, #tpu.memory_space<vmem>>[vector<16xi32>, vector<16xi32>], vector<16xf32>,
          %gather3A_517 = tpu.vector_load_idx %arg13[%add3A_380, %add3A_515] : memref<128x256xf32, #tpu.memory_space<vmem>>[vector<16xi32>, vector<16xi32>], vector<16xf32>,
          %add3A_518 = arith.constant 128 : i32
          %add3A_519 = vector.broadcast %add3A_518 : i32 to vector<16xi32>
          %add3A_520 = arith.addi %add3A_515, %add3A_519 : vector<16xi32>
          %gather3A_521 = tpu.vector_load_idx %arg13[%add3A_380, %add3A_520] : memref<128x256xf32, #tpu.memory_space<vmem>>[vector<16xi32>, vector<16xi32>], vector<16xf32>,
          %mul3A_522 = arith.mulf %gather3A_516, %gather3A_517 : vector<16xf32>
          %add3A_523 = arith.addf %add3A_497, %mul3A_522 : vector<16xf32>
          %mul3A_524 = arith.mulf %gather3A_516, %gather3A_521 : vector<16xf32>
          %add3A_525 = arith.addf %add3A_499, %mul3A_524 : vector<16xf32>
          %add3A_526 = arith.constant 7 : i32
          %add3A_527 = vector.broadcast %add3A_526 : i32 to vector<16xi32>
          %add3A_528 = arith.addi %scan3A_438, %add3A_527 : vector<16xi32>
          %gather3A_529 = tpu.vector_load_idx %arg11[%add3A_380, %add3A_528] : memref<128x128xf32, #tpu.memory_space<vmem>>[vector<16xi32>, vector<16xi32>], vector<16xf32>,
          %gather3A_530 = tpu.vector_load_idx %arg13[%add3A_380, %add3A_528] : memref<128x256xf32, #tpu.memory_space<vmem>>[vector<16xi32>, vector<16xi32>], vector<16xf32>,
          %add3A_531 = arith.constant 128 : i32
          %add3A_532 = vector.broadcast %add3A_531 : i32 to vector<16xi32>
          %add3A_533 = arith.addi %add3A_528, %add3A_532 : vector<16xi32>
          %gather3A_534 = tpu.vector_load_idx %arg13[%add3A_380, %add3A_533] : memref<128x256xf32, #tpu.memory_space<vmem>>[vector<16xi32>, vector<16xi32>], vector<16xf32>,
          %mul3A_535 = arith.mulf %gather3A_529, %gather3A_530 : vector<16xf32>
          %add3A_536 = arith.addf %add3A_510, %mul3A_535 : vector<16xf32>
          %mul3A_537 = arith.mulf %gather3A_529, %gather3A_534 : vector<16xf32>
          %add3A_538 = arith.addf %add3A_512, %mul3A_537 : vector<16xf32>
          %add3A_539 = arith.constant 8 : i32
          %add3A_540 = vector.broadcast %add3A_539 : i32 to vector<16xi32>
          %add3A_541 = arith.addi %scan3A_438, %add3A_540 : vector<16xi32>
          scf.yield %add3A_523, %add3A_536, %add3A_525, %add3A_538, %add3A_541 : vector<16xf32>, vector<16xf32>, vector<16xf32>, vector<16xf32>, vector<16xi32>
        }
        %scan3A_386 = arith.constant 16 : i32
        %add3A_387 = arith.addf %scan3A_385#0, %scan3A_385#1 : vector<16xf32>
        %add3A_388 = arith.addf %scan3A_385#2, %scan3A_385#3 : vector<16xf32>
        %mul3A_389 = arith.constant 16 : i32
        %mul3A_390 = arith.muli %scan3A_375, %mul3A_389 : i32
        %add3A_391 = arith.addi %mul3A_366, %mul3A_390 : i32
        %add3A_392 = vector.broadcast %add3A_391 : i32 to vector<16xi32>
        %add3A_393 = arith.addi %add3A_392, %iota3A : vector<16xi32>
        %mul3A_394 = arith.constant 5 : i32
        %mul3A_395 = vector.broadcast %mul3A_394 : i32 to vector<16xi32>
        %mul3A_396 = arith.muli %add3A_393, %mul3A_395 : vector<16xi32>
        %mul3A_397 = arith.mulf %add3A_387, %get3A_5 : vector<16xf32>
        %mul3A_398 = arith.mulf %add3A_388, %get3A_25 : vector<16xf32>
        %add3A_399 = arith.addf %mul3A_397, %mul3A_398 : vector<16xf32>
        %add3A_400 = arith.addf %add3A_399, %get3A_45 : vector<16xf32>
        %add3A_401 = arith.constant 0 : i32
        %add3A_402 = vector.broadcast %add3A_401 : i32 to vector<16xi32>
        %add3A_403 = arith.addi %mul3A_396, %add3A_402 : vector<16xi32>
        tpu.vector_store_idx %arg14[%add3A_403], %add3A_400 : memref<10240xf32, #tpu.memory_space<vmem>>[vector<16xi32>], vector<16xf32>,
        %mul3A_404 = arith.mulf %add3A_387, %get3A_9 : vector<16xf32>
        %mul3A_405 = arith.mulf %add3A_388, %get3A_29 : vector<16xf32>
        %add3A_406 = arith.addf %mul3A_404, %mul3A_405 : vector<16xf32>
        %add3A_407 = arith.addf %add3A_406, %get3A_49 : vector<16xf32>
        %add3A_408 = arith.constant 1 : i32
        %add3A_409 = vector.broadcast %add3A_408 : i32 to vector<16xi32>
        %add3A_410 = arith.addi %mul3A_396, %add3A_409 : vector<16xi32>
        tpu.vector_store_idx %arg14[%add3A_410], %add3A_407 : memref<10240xf32, #tpu.memory_space<vmem>>[vector<16xi32>], vector<16xf32>,
        %mul3A_411 = arith.mulf %add3A_387, %get3A_13 : vector<16xf32>
        %mul3A_412 = arith.mulf %add3A_388, %get3A_33 : vector<16xf32>
        %add3A_413 = arith.addf %mul3A_411, %mul3A_412 : vector<16xf32>
        %add3A_414 = arith.addf %add3A_413, %get3A_53 : vector<16xf32>
        %add3A_415 = arith.constant 2 : i32
        %add3A_416 = vector.broadcast %add3A_415 : i32 to vector<16xi32>
        %add3A_417 = arith.addi %mul3A_396, %add3A_416 : vector<16xi32>
        tpu.vector_store_idx %arg14[%add3A_417], %add3A_414 : memref<10240xf32, #tpu.memory_space<vmem>>[vector<16xi32>], vector<16xf32>,
        %mul3A_418 = arith.mulf %add3A_387, %get3A_17 : vector<16xf32>
        %mul3A_419 = arith.mulf %add3A_388, %get3A_37 : vector<16xf32>
        %add3A_420 = arith.addf %mul3A_418, %mul3A_419 : vector<16xf32>
        %add3A_421 = arith.addf %add3A_420, %get3A_57 : vector<16xf32>
        %add3A_422 = arith.constant 3 : i32
        %add3A_423 = vector.broadcast %add3A_422 : i32 to vector<16xi32>
        %add3A_424 = arith.addi %mul3A_396, %add3A_423 : vector<16xi32>
        tpu.vector_store_idx %arg14[%add3A_424], %add3A_421 : memref<10240xf32, #tpu.memory_space<vmem>>[vector<16xi32>], vector<16xf32>,
        %mul3A_425 = arith.mulf %add3A_387, %get3A_21 : vector<16xf32>
        %mul3A_426 = arith.mulf %add3A_388, %get3A_41 : vector<16xf32>
        %add3A_427 = arith.addf %mul3A_425, %mul3A_426 : vector<16xf32>
        %add3A_428 = arith.addf %add3A_427, %get3A_61 : vector<16xf32>
        %add3A_429 = arith.constant 4 : i32
        %add3A_430 = vector.broadcast %add3A_429 : i32 to vector<16xi32>
        %add3A_431 = arith.addi %mul3A_396, %add3A_430 : vector<16xi32>
        tpu.vector_store_idx %arg14[%add3A_431], %add3A_428 : memref<10240xf32, #tpu.memory_space<vmem>>[vector<16xi32>], vector<16xf32>,
        %scan3A_432 = arith.constant 0 : i32
        scf.yield %scan3A_432 : i32
      }
      %scan3A_373 = arith.constant 8 : i32
      %scan3A_374 = arith.constant 0 : i32
      scf.yield %scan3A_374 : i32
    }
    %scan3A_142 = arith.constant 7 : i32
    %dma_start3A_143 = arith.constant 0 : i32
    %dma_start3A_144 = arith.constant 0 : i32
    %dma_start3A_145 = tpu.memref_slice %arg10[%dma_start3A_143, %dma_start3A_144] : memref<128x128xf32, #tpu.memory_space<vmem>> -> memref<16x128xf32, #tpu.memory_space<vmem>>
    %dma_start3A_146 = arith.constant 1792 : i32
    %dma_start3A_147 = tpu.memref_slice %arg8[%dma_start3A_146] : memref<2048xi32, #tpu.memory_space<vmem>> -> memref<16xi32, #tpu.memory_space<vmem>>
    %dma_start3A_148 = arith.constant 0 : i32
    %dma_start3A_149 = arith.constant 0 : i32
    %dma_start3A_150 = tpu.memref_slice %arg3[%dma_start3A_148, %dma_start3A_149] : memref<10000x128xf32, #tpu.memory_space<hbm>> -> memref<10000x128xf32, #tpu.memory_space<hbm>>
    tpu.enqueue_indirect_dma source(%dma_start3A_150 : memref<10000x128xf32, #tpu.memory_space<hbm>>) target(%dma_start3A_145 : memref<16x128xf32, #tpu.memory_space<vmem>>) offsets(%dma_start3A_147 : memref<16xi32, #tpu.memory_space<vmem>>) semaphore(%arg16 : memref<!tpu.dma_semaphore, #tpu.memory_space<semaphore_mem>>)
    %dma_start3A_151 = arith.constant 0 : i32
    %dma_start3A_152 = arith.constant 0 : i32
    %dma_start3A_153 = tpu.memref_slice %arg12[%dma_start3A_151, %dma_start3A_152] : memref<128x256xf32, #tpu.memory_space<vmem>> -> memref<16x256xf32, #tpu.memory_space<vmem>>
    %dma_start3A_154 = arith.constant 1792 : i32
    %dma_start3A_155 = tpu.memref_slice %arg9[%dma_start3A_154] : memref<2048xi32, #tpu.memory_space<vmem>> -> memref<16xi32, #tpu.memory_space<vmem>>
    %dma_start3A_156 = arith.constant 0 : i32
    %dma_start3A_157 = arith.constant 0 : i32
    %dma_start3A_158 = tpu.memref_slice %arg2[%dma_start3A_156, %dma_start3A_157] : memref<10000x256xf32, #tpu.memory_space<hbm>> -> memref<10000x256xf32, #tpu.memory_space<hbm>>
    tpu.enqueue_indirect_dma source(%dma_start3A_158 : memref<10000x256xf32, #tpu.memory_space<hbm>>) target(%dma_start3A_153 : memref<16x256xf32, #tpu.memory_space<vmem>>) offsets(%dma_start3A_155 : memref<16xi32, #tpu.memory_space<vmem>>) semaphore(%arg18 : memref<!tpu.dma_semaphore, #tpu.memory_space<semaphore_mem>>)
    %dma_wait3A = arith.constant 0 : i32
    %dma_wait3A_159 = arith.constant 0 : i32
    %dma_wait3A_160 = tpu.memref_slice %arg10[%dma_wait3A, %dma_wait3A_159] : memref<128x128xf32, #tpu.memory_space<vmem>> -> memref<16x128xf32, #tpu.memory_space<vmem>>
    %dma_wait3A_161 = arith.constant 1792 : i32
    %dma_wait3A_162 = tpu.memref_slice %arg8[%dma_wait3A_161] : memref<2048xi32, #tpu.memory_space<vmem>> -> memref<16xi32, #tpu.memory_space<vmem>>
    %dma_wait3A_163 = arith.constant 0 : i32
    %dma_wait3A_164 = arith.constant 0 : i32
    %dma_wait3A_165 = tpu.memref_slice %arg3[%dma_wait3A_163, %dma_wait3A_164] : memref<10000x128xf32, #tpu.memory_space<hbm>> -> memref<10000x128xf32, #tpu.memory_space<hbm>>
    tpu.wait_indirect_dma semaphore(%arg16 : memref<!tpu.dma_semaphore, #tpu.memory_space<semaphore_mem>>) src(%dma_wait3A_165 : memref<10000x128xf32, #tpu.memory_space<hbm>>) dst(%dma_wait3A_160 : memref<16x128xf32, #tpu.memory_space<vmem>>)
    %dma_wait3A_166 = arith.constant 0 : i32
    %dma_wait3A_167 = arith.constant 0 : i32
    %dma_wait3A_168 = tpu.memref_slice %arg12[%dma_wait3A_166, %dma_wait3A_167] : memref<128x256xf32, #tpu.memory_space<vmem>> -> memref<16x256xf32, #tpu.memory_space<vmem>>
    %dma_wait3A_169 = arith.constant 1792 : i32
    %dma_wait3A_170 = tpu.memref_slice %arg9[%dma_wait3A_169] : memref<2048xi32, #tpu.memory_space<vmem>> -> memref<16xi32, #tpu.memory_space<vmem>>
    %dma_wait3A_171 = arith.constant 0 : i32
    %dma_wait3A_172 = arith.constant 0 : i32
    %dma_wait3A_173 = tpu.memref_slice %arg2[%dma_wait3A_171, %dma_wait3A_172] : memref<10000x256xf32, #tpu.memory_space<hbm>> -> memref<10000x256xf32, #tpu.memory_space<hbm>>
    tpu.wait_indirect_dma semaphore(%arg18 : memref<!tpu.dma_semaphore, #tpu.memory_space<semaphore_mem>>) src(%dma_wait3A_173 : memref<10000x256xf32, #tpu.memory_space<hbm>>) dst(%dma_wait3A_168 : memref<16x256xf32, #tpu.memory_space<vmem>>)
    %scan3A_174 = arith.constant 0 : i32
    %scan3A_175 = arith.constant 0 : i32
    %mul3A_176 = arith.constant 16 : i32
    %mul3A_177 = arith.muli %scan3A_175, %mul3A_176 : i32
    %add3A_178 = vector.broadcast %mul3A_177 : i32 to vector<16xi32>
    %add3A_179 = arith.addi %add3A_178, %iota3A : vector<16xi32>
    %scan3A_180 = arith.constant 0 : i32
    %scan3A_181 = arith.constant 16 : i32
    %scan3A_182 = arith.addi %scan3A_180, %scan3A_181 : i32
    %scan3A_183 = arith.constant 1 : i32
    %scan3A_184:5 = scf.for %scan3A_236 = %scan3A_180 to %scan3A_182 step %scan3A_183 iter_args(%scan3A_237 = %broadcast_in_dim3A_62, %scan3A_238 = %broadcast_in_dim3A_62, %scan3A_239 = %broadcast_in_dim3A_62, %scan3A_240 = %broadcast_in_dim3A_62, %scan3A_241 = %broadcast_in_dim3A_64) -> (vector<16xf32>, vector<16xf32>, vector<16xf32>, vector<16xf32>, vector<16xi32>)  : i32 {
      %gather3A = tpu.vector_load_idx %arg10[%add3A_179, %scan3A_241] : memref<128x128xf32, #tpu.memory_space<vmem>>[vector<16xi32>, vector<16xi32>], vector<16xf32>,
      %gather3A_242 = tpu.vector_load_idx %arg12[%add3A_179, %scan3A_241] : memref<128x256xf32, #tpu.memory_space<vmem>>[vector<16xi32>, vector<16xi32>], vector<16xf32>,
      %add3A_243 = arith.constant 128 : i32
      %add3A_244 = vector.broadcast %add3A_243 : i32 to vector<16xi32>
      %add3A_245 = arith.addi %scan3A_241, %add3A_244 : vector<16xi32>
      %gather3A_246 = tpu.vector_load_idx %arg12[%add3A_179, %add3A_245] : memref<128x256xf32, #tpu.memory_space<vmem>>[vector<16xi32>, vector<16xi32>], vector<16xf32>,
      %mul3A_247 = arith.mulf %gather3A, %gather3A_242 : vector<16xf32>
      %add3A_248 = arith.addf %scan3A_237, %mul3A_247 : vector<16xf32>
      %mul3A_249 = arith.mulf %gather3A, %gather3A_246 : vector<16xf32>
      %add3A_250 = arith.addf %scan3A_239, %mul3A_249 : vector<16xf32>
      %add3A_251 = arith.constant 1 : i32
      %add3A_252 = vector.broadcast %add3A_251 : i32 to vector<16xi32>
      %add3A_253 = arith.addi %scan3A_241, %add3A_252 : vector<16xi32>
      %gather3A_254 = tpu.vector_load_idx %arg10[%add3A_179, %add3A_253] : memref<128x128xf32, #tpu.memory_space<vmem>>[vector<16xi32>, vector<16xi32>], vector<16xf32>,
      %gather3A_255 = tpu.vector_load_idx %arg12[%add3A_179, %add3A_253] : memref<128x256xf32, #tpu.memory_space<vmem>>[vector<16xi32>, vector<16xi32>], vector<16xf32>,
      %add3A_256 = arith.constant 128 : i32
      %add3A_257 = vector.broadcast %add3A_256 : i32 to vector<16xi32>
      %add3A_258 = arith.addi %add3A_253, %add3A_257 : vector<16xi32>
      %gather3A_259 = tpu.vector_load_idx %arg12[%add3A_179, %add3A_258] : memref<128x256xf32, #tpu.memory_space<vmem>>[vector<16xi32>, vector<16xi32>], vector<16xf32>,
      %mul3A_260 = arith.mulf %gather3A_254, %gather3A_255 : vector<16xf32>
      %add3A_261 = arith.addf %scan3A_238, %mul3A_260 : vector<16xf32>
      %mul3A_262 = arith.mulf %gather3A_254, %gather3A_259 : vector<16xf32>
      %add3A_263 = arith.addf %scan3A_240, %mul3A_262 : vector<16xf32>
      %add3A_264 = arith.constant 2 : i32
      %add3A_265 = vector.broadcast %add3A_264 : i32 to vector<16xi32>
      %add3A_266 = arith.addi %scan3A_241, %add3A_265 : vector<16xi32>
      %gather3A_267 = tpu.vector_load_idx %arg10[%add3A_179, %add3A_266] : memref<128x128xf32, #tpu.memory_space<vmem>>[vector<16xi32>, vector<16xi32>], vector<16xf32>,
      %gather3A_268 = tpu.vector_load_idx %arg12[%add3A_179, %add3A_266] : memref<128x256xf32, #tpu.memory_space<vmem>>[vector<16xi32>, vector<16xi32>], vector<16xf32>,
      %add3A_269 = arith.constant 128 : i32
      %add3A_270 = vector.broadcast %add3A_269 : i32 to vector<16xi32>
      %add3A_271 = arith.addi %add3A_266, %add3A_270 : vector<16xi32>
      %gather3A_272 = tpu.vector_load_idx %arg12[%add3A_179, %add3A_271] : memref<128x256xf32, #tpu.memory_space<vmem>>[vector<16xi32>, vector<16xi32>], vector<16xf32>,
      %mul3A_273 = arith.mulf %gather3A_267, %gather3A_268 : vector<16xf32>
      %add3A_274 = arith.addf %add3A_248, %mul3A_273 : vector<16xf32>
      %mul3A_275 = arith.mulf %gather3A_267, %gather3A_272 : vector<16xf32>
      %add3A_276 = arith.addf %add3A_250, %mul3A_275 : vector<16xf32>
      %add3A_277 = arith.constant 3 : i32
      %add3A_278 = vector.broadcast %add3A_277 : i32 to vector<16xi32>
      %add3A_279 = arith.addi %scan3A_241, %add3A_278 : vector<16xi32>
      %gather3A_280 = tpu.vector_load_idx %arg10[%add3A_179, %add3A_279] : memref<128x128xf32, #tpu.memory_space<vmem>>[vector<16xi32>, vector<16xi32>], vector<16xf32>,
      %gather3A_281 = tpu.vector_load_idx %arg12[%add3A_179, %add3A_279] : memref<128x256xf32, #tpu.memory_space<vmem>>[vector<16xi32>, vector<16xi32>], vector<16xf32>,
      %add3A_282 = arith.constant 128 : i32
      %add3A_283 = vector.broadcast %add3A_282 : i32 to vector<16xi32>
      %add3A_284 = arith.addi %add3A_279, %add3A_283 : vector<16xi32>
      %gather3A_285 = tpu.vector_load_idx %arg12[%add3A_179, %add3A_284] : memref<128x256xf32, #tpu.memory_space<vmem>>[vector<16xi32>, vector<16xi32>], vector<16xf32>,
      %mul3A_286 = arith.mulf %gather3A_280, %gather3A_281 : vector<16xf32>
      %add3A_287 = arith.addf %add3A_261, %mul3A_286 : vector<16xf32>
      %mul3A_288 = arith.mulf %gather3A_280, %gather3A_285 : vector<16xf32>
      %add3A_289 = arith.addf %add3A_263, %mul3A_288 : vector<16xf32>
      %add3A_290 = arith.constant 4 : i32
      %add3A_291 = vector.broadcast %add3A_290 : i32 to vector<16xi32>
      %add3A_292 = arith.addi %scan3A_241, %add3A_291 : vector<16xi32>
      %gather3A_293 = tpu.vector_load_idx %arg10[%add3A_179, %add3A_292] : memref<128x128xf32, #tpu.memory_space<vmem>>[vector<16xi32>, vector<16xi32>], vector<16xf32>,
      %gather3A_294 = tpu.vector_load_idx %arg12[%add3A_179, %add3A_292] : memref<128x256xf32, #tpu.memory_space<vmem>>[vector<16xi32>, vector<16xi32>], vector<16xf32>,
      %add3A_295 = arith.constant 128 : i32
      %add3A_296 = vector.broadcast %add3A_295 : i32 to vector<16xi32>
      %add3A_297 = arith.addi %add3A_292, %add3A_296 : vector<16xi32>
      %gather3A_298 = tpu.vector_load_idx %arg12[%add3A_179, %add3A_297] : memref<128x256xf32, #tpu.memory_space<vmem>>[vector<16xi32>, vector<16xi32>], vector<16xf32>,
      %mul3A_299 = arith.mulf %gather3A_293, %gather3A_294 : vector<16xf32>
      %add3A_300 = arith.addf %add3A_274, %mul3A_299 : vector<16xf32>
      %mul3A_301 = arith.mulf %gather3A_293, %gather3A_298 : vector<16xf32>
      %add3A_302 = arith.addf %add3A_276, %mul3A_301 : vector<16xf32>
      %add3A_303 = arith.constant 5 : i32
      %add3A_304 = vector.broadcast %add3A_303 : i32 to vector<16xi32>
      %add3A_305 = arith.addi %scan3A_241, %add3A_304 : vector<16xi32>
      %gather3A_306 = tpu.vector_load_idx %arg10[%add3A_179, %add3A_305] : memref<128x128xf32, #tpu.memory_space<vmem>>[vector<16xi32>, vector<16xi32>], vector<16xf32>,
      %gather3A_307 = tpu.vector_load_idx %arg12[%add3A_179, %add3A_305] : memref<128x256xf32, #tpu.memory_space<vmem>>[vector<16xi32>, vector<16xi32>], vector<16xf32>,
      %add3A_308 = arith.constant 128 : i32
      %add3A_309 = vector.broadcast %add3A_308 : i32 to vector<16xi32>
      %add3A_310 = arith.addi %add3A_305, %add3A_309 : vector<16xi32>
      %gather3A_311 = tpu.vector_load_idx %arg12[%add3A_179, %add3A_310] : memref<128x256xf32, #tpu.memory_space<vmem>>[vector<16xi32>, vector<16xi32>], vector<16xf32>,
      %mul3A_312 = arith.mulf %gather3A_306, %gather3A_307 : vector<16xf32>
      %add3A_313 = arith.addf %add3A_287, %mul3A_312 : vector<16xf32>
      %mul3A_314 = arith.mulf %gather3A_306, %gather3A_311 : vector<16xf32>
      %add3A_315 = arith.addf %add3A_289, %mul3A_314 : vector<16xf32>
      %add3A_316 = arith.constant 6 : i32
      %add3A_317 = vector.broadcast %add3A_316 : i32 to vector<16xi32>
      %add3A_318 = arith.addi %scan3A_241, %add3A_317 : vector<16xi32>
      %gather3A_319 = tpu.vector_load_idx %arg10[%add3A_179, %add3A_318] : memref<128x128xf32, #tpu.memory_space<vmem>>[vector<16xi32>, vector<16xi32>], vector<16xf32>,
      %gather3A_320 = tpu.vector_load_idx %arg12[%add3A_179, %add3A_318] : memref<128x256xf32, #tpu.memory_space<vmem>>[vector<16xi32>, vector<16xi32>], vector<16xf32>,
      %add3A_321 = arith.constant 128 : i32
      %add3A_322 = vector.broadcast %add3A_321 : i32 to vector<16xi32>
      %add3A_323 = arith.addi %add3A_318, %add3A_322 : vector<16xi32>
      %gather3A_324 = tpu.vector_load_idx %arg12[%add3A_179, %add3A_323] : memref<128x256xf32, #tpu.memory_space<vmem>>[vector<16xi32>, vector<16xi32>], vector<16xf32>,
      %mul3A_325 = arith.mulf %gather3A_319, %gather3A_320 : vector<16xf32>
      %add3A_326 = arith.addf %add3A_300, %mul3A_325 : vector<16xf32>
      %mul3A_327 = arith.mulf %gather3A_319, %gather3A_324 : vector<16xf32>
      %add3A_328 = arith.addf %add3A_302, %mul3A_327 : vector<16xf32>
      %add3A_329 = arith.constant 7 : i32
      %add3A_330 = vector.broadcast %add3A_329 : i32 to vector<16xi32>
      %add3A_331 = arith.addi %scan3A_241, %add3A_330 : vector<16xi32>
      %gather3A_332 = tpu.vector_load_idx %arg10[%add3A_179, %add3A_331] : memref<128x128xf32, #tpu.memory_space<vmem>>[vector<16xi32>, vector<16xi32>], vector<16xf32>,
      %gather3A_333 = tpu.vector_load_idx %arg12[%add3A_179, %add3A_331] : memref<128x256xf32, #tpu.memory_space<vmem>>[vector<16xi32>, vector<16xi32>], vector<16xf32>,
      %add3A_334 = arith.constant 128 : i32
      %add3A_335 = vector.broadcast %add3A_334 : i32 to vector<16xi32>
      %add3A_336 = arith.addi %add3A_331, %add3A_335 : vector<16xi32>
      %gather3A_337 = tpu.vector_load_idx %arg12[%add3A_179, %add3A_336] : memref<128x256xf32, #tpu.memory_space<vmem>>[vector<16xi32>, vector<16xi32>], vector<16xf32>,
      %mul3A_338 = arith.mulf %gather3A_332, %gather3A_333 : vector<16xf32>
      %add3A_339 = arith.addf %add3A_313, %mul3A_338 : vector<16xf32>
      %mul3A_340 = arith.mulf %gather3A_332, %gather3A_337 : vector<16xf32>
      %add3A_341 = arith.addf %add3A_315, %mul3A_340 : vector<16xf32>
      %add3A_342 = arith.constant 8 : i32
      %add3A_343 = vector.broadcast %add3A_342 : i32 to vector<16xi32>
      %add3A_344 = arith.addi %scan3A_241, %add3A_343 : vector<16xi32>
      scf.yield %add3A_326, %add3A_339, %add3A_328, %add3A_341, %add3A_344 : vector<16xf32>, vector<16xf32>, vector<16xf32>, vector<16xf32>, vector<16xi32>
    }
    %scan3A_185 = arith.constant 16 : i32
    %add3A_186 = arith.addf %scan3A_184#0, %scan3A_184#1 : vector<16xf32>
    %add3A_187 = arith.addf %scan3A_184#2, %scan3A_184#3 : vector<16xf32>
    %mul3A_188 = arith.constant 16 : i32
    %mul3A_189 = arith.muli %scan3A_175, %mul3A_188 : i32
    %add3A_190 = arith.constant 1792 : i32
    %add3A_191 = arith.addi %add3A_190, %mul3A_189 : i32
    %add3A_192 = vector.broadcast %add3A_191 : i32 to vector<16xi32>
    %add3A_193 = arith.addi %add3A_192, %iota3A : vector<16xi32>
    %mul3A_194 = arith.constant 5 : i32
    %mul3A_195 = vector.broadcast %mul3A_194 : i32 to vector<16xi32>
    %mul3A_196 = arith.muli %add3A_193, %mul3A_195 : vector<16xi32>
    %mul3A_197 = arith.mulf %add3A_186, %get3A_5 : vector<16xf32>
    %mul3A_198 = arith.mulf %add3A_187, %get3A_25 : vector<16xf32>
    %add3A_199 = arith.addf %mul3A_197, %mul3A_198 : vector<16xf32>
    %add3A_200 = arith.addf %add3A_199, %get3A_45 : vector<16xf32>
    %add3A_201 = arith.constant 0 : i32
    %add3A_202 = vector.broadcast %add3A_201 : i32 to vector<16xi32>
    %add3A_203 = arith.addi %mul3A_196, %add3A_202 : vector<16xi32>
    tpu.vector_store_idx %arg14[%add3A_203], %add3A_200 : memref<10240xf32, #tpu.memory_space<vmem>>[vector<16xi32>], vector<16xf32>,
    %mul3A_204 = arith.mulf %add3A_186, %get3A_9 : vector<16xf32>
    %mul3A_205 = arith.mulf %add3A_187, %get3A_29 : vector<16xf32>
    %add3A_206 = arith.addf %mul3A_204, %mul3A_205 : vector<16xf32>
    %add3A_207 = arith.addf %add3A_206, %get3A_49 : vector<16xf32>
    %add3A_208 = arith.constant 1 : i32
    %add3A_209 = vector.broadcast %add3A_208 : i32 to vector<16xi32>
    %add3A_210 = arith.addi %mul3A_196, %add3A_209 : vector<16xi32>
    tpu.vector_store_idx %arg14[%add3A_210], %add3A_207 : memref<10240xf32, #tpu.memory_space<vmem>>[vector<16xi32>], vector<16xf32>,
    %mul3A_211 = arith.mulf %add3A_186, %get3A_13 : vector<16xf32>
    %mul3A_212 = arith.mulf %add3A_187, %get3A_33 : vector<16xf32>
    %add3A_213 = arith.addf %mul3A_211, %mul3A_212 : vector<16xf32>
    %add3A_214 = arith.addf %add3A_213, %get3A_53 : vector<16xf32>
    %add3A_215 = arith.constant 2 : i32
    %add3A_216 = vector.broadcast %add3A_215 : i32 to vector<16xi32>
    %add3A_217 = arith.addi %mul3A_196, %add3A_216 : vector<16xi32>
    tpu.vector_store_idx %arg14[%add3A_217], %add3A_214 : memref<10240xf32, #tpu.memory_space<vmem>>[vector<16xi32>], vector<16xf32>,
    %mul3A_218 = arith.mulf %add3A_186, %get3A_17 : vector<16xf32>
    %mul3A_219 = arith.mulf %add3A_187, %get3A_37 : vector<16xf32>
    %add3A_220 = arith.addf %mul3A_218, %mul3A_219 : vector<16xf32>
    %add3A_221 = arith.addf %add3A_220, %get3A_57 : vector<16xf32>
    %add3A_222 = arith.constant 3 : i32
    %add3A_223 = vector.broadcast %add3A_222 : i32 to vector<16xi32>
    %add3A_224 = arith.addi %mul3A_196, %add3A_223 : vector<16xi32>
    tpu.vector_store_idx %arg14[%add3A_224], %add3A_221 : memref<10240xf32, #tpu.memory_space<vmem>>[vector<16xi32>], vector<16xf32>,
    %mul3A_225 = arith.mulf %add3A_186, %get3A_21 : vector<16xf32>
    %mul3A_226 = arith.mulf %add3A_187, %get3A_41 : vector<16xf32>
    %add3A_227 = arith.addf %mul3A_225, %mul3A_226 : vector<16xf32>
    %add3A_228 = arith.addf %add3A_227, %get3A_61 : vector<16xf32>
    %add3A_229 = arith.constant 4 : i32
    %add3A_230 = vector.broadcast %add3A_229 : i32 to vector<16xi32>
    %add3A_231 = arith.addi %mul3A_196, %add3A_230 : vector<16xi32>
    tpu.vector_store_idx %arg14[%add3A_231], %add3A_228 : memref<10240xf32, #tpu.memory_space<vmem>>[vector<16xi32>], vector<16xf32>,
    %scan3A_232 = arith.constant 0 : i32
    %scan3A_233 = arith.constant 1 : i32
    %mul3A_234 = arith.constant 5 : i32
    %mul3A_235 = arith.muli %add3A_72, %mul3A_234 : i32
    "tpu.region"() ({
      %run_scoped3A = tpu.sem_alloc : memref<!tpu.dma_semaphore, #tpu.memory_space<semaphore_mem>>
      %dma_start3A_236 = arith.constant 0 : i32
      %dma_start3A_237 = tpu.memref_slice %arg14[%dma_start3A_236] : memref<10240xf32, #tpu.memory_space<vmem>> -> memref<9040xf32, #tpu.memory_space<vmem>>
      %dma_start3A_238 = tpu.memref_slice %arg7[%mul3A_235] : memref<1600000xf32, #tpu.memory_space<hbm>> -> memref<9040xf32, #tpu.memory_space<hbm>>
      %dma_start3A_239 = tpu.memref_slice %arg7[%mul3A_235] : memref<1600000xf32, #tpu.memory_space<hbm>> -> memref<9040xf32, #tpu.memory_space<hbm>>
      %dma_start3A_240 = arith.constant 0 : i32
      %dma_start3A_241 = tpu.memref_slice %arg14[%dma_start3A_240] : memref<10240xf32, #tpu.memory_space<vmem>> -> memref<9040xf32, #tpu.memory_space<vmem>>
      tpu.enqueue_dma source(%dma_start3A_241 : memref<9040xf32, #tpu.memory_space<vmem>>) target(%dma_start3A_239 : memref<9040xf32, #tpu.memory_space<hbm>>) target_semaphore(%run_scoped3A : memref<!tpu.dma_semaphore, #tpu.memory_space<semaphore_mem>>)
      %dma_wait3A_242 = arith.constant 0 : i32
      %dma_wait3A_243 = tpu.memref_slice %arg14[%dma_wait3A_242] : memref<10240xf32, #tpu.memory_space<vmem>> -> memref<9040xf32, #tpu.memory_space<vmem>>
      %dma_wait3A_244 = tpu.memref_slice %arg7[%mul3A_235] : memref<1600000xf32, #tpu.memory_space<hbm>> -> memref<9040xf32, #tpu.memory_space<hbm>>
      %dma_wait3A_245 = tpu.memref_slice %arg7[%mul3A_235] : memref<1600000xf32, #tpu.memory_space<hbm>> -> memref<9040xf32, #tpu.memory_space<hbm>>
      %dma_wait3A_246 = arith.constant 0 : i32
      %dma_wait3A_247 = tpu.memref_slice %arg14[%dma_wait3A_246] : memref<10240xf32, #tpu.memory_space<vmem>> -> memref<9040xf32, #tpu.memory_space<vmem>>
      tpu.wait_dma2 semaphore(%run_scoped3A : memref<!tpu.dma_semaphore, #tpu.memory_space<semaphore_mem>>) src(%dma_wait3A_247 : memref<9040xf32, #tpu.memory_space<vmem>>) dst(%dma_wait3A_245 : memref<9040xf32, #tpu.memory_space<hbm>>)
      tpu.yield
    }) : () -> ()
    return
  }
}

module attributes {stable_mosaic.version = 14 : i64} {
  func.func @_fu_body(%arg0: i32, %arg1: memref<1000x128xf32, #tpu.memory_space<vmem>>, %arg2: memref<128x256xf32, #tpu.memory_space<vmem>>, %arg3: memref<8x256xf32, #tpu.memory_space<vmem>>, %arg4: memref<1000x256xf32, #tpu.memory_space<vmem>>) attributes {dimension_semantics = [#tpu.dimension_semantics<arbitrary>], iteration_bounds = array<i64: 10>, scalar_prefetch = 0 : i64, scratch_operands = 0 : i64, tpu.core_type = #tpu.core_type<tc>, window_params = [{transform_indices = @transform_0, window_bounds = array<i64: 1000, 128>}, {pipeline_mode = #tpu.pipeline_mode<synchronous>, transform_indices = @transform_1, window_bounds = array<i64: 128, 256>}, {pipeline_mode = #tpu.pipeline_mode<synchronous>, transform_indices = @transform_2, window_bounds = array<i64: 8, 256>}, {transform_indices = @transform_3, window_bounds = array<i64: 1000, 256>}]} {
    %get3A = arith.constant 0 : index
    %get3A_0 = arith.constant 0 : index
    %get3A_1 = vector.load %arg1[%get3A, %get3A_0] : memref<1000x128xf32, #tpu.memory_space<vmem>>, vector<1000x128xf32>
    %get3A_2 = arith.constant 0 : index
    %get3A_3 = arith.constant 0 : index
    %get3A_4 = vector.load %arg2[%get3A_2, %get3A_3] : memref<128x256xf32, #tpu.memory_space<vmem>>, vector<128x256xf32>
    %dot_general3A = arith.constant dense<0.000000e+00> : vector<1000x256xf32>
    %dot_general3A_5 = tpu.matmul %get3A_1, %get3A_4, %dot_general3A {dimension_numbers = #tpu.dot_dimension_numbers<[1], [0], [0], [1], [0, 0, 1, 1], [], []>, precision = #tpu.contract_precision<fp32>, transpose_lhs_hint = false} : vector<1000x128xf32>, vector<128x256xf32>, vector<1000x256xf32> -> vector<1000x256xf32>
    %get3A_6 = arith.constant 0 : index
    %get3A_7 = arith.constant 0 : index
    %get3A_8 = vector.load %arg3[%get3A_6, %get3A_7] : memref<8x256xf32, #tpu.memory_space<vmem>>, vector<1x256xf32>
    %add3A = vector.broadcast %get3A_8 : vector<1x256xf32> to vector<1000x256xf32>
    %add3A_9 = arith.addf %dot_general3A_5, %add3A : vector<1000x256xf32>
    %swap3A = arith.constant 0 : index
    %swap3A_10 = arith.constant 0 : index
    %swap3A_11 = vector.load %arg4[%swap3A, %swap3A_10] : memref<1000x256xf32, #tpu.memory_space<vmem>>, vector<1000x256xf32>
    tpu.vector_store %arg4[%swap3A, %swap3A_10], %add3A_9 {strides = array<i32>} : memref<1000x256xf32, #tpu.memory_space<vmem>>, vector<1000x256xf32>,
    return
  }
  func.func @transform_0(%arg0: i32) -> (i32, i32) {
    %c0_i32 = arith.constant 0 : i32
    %c0_i32_0 = arith.constant 0 : i32
    return %arg0, %c0_i32 : i32, i32
  }
  func.func @transform_1(%arg0: i32) -> (i32, i32) {
    %c0_i32 = arith.constant 0 : i32
    %c0_i32_0 = arith.constant 0 : i32
    %c0_i32_1 = arith.constant 0 : i32
    return %c0_i32, %c0_i32_0 : i32, i32
  }
  func.func @transform_2(%arg0: i32) -> (i32, i32) {
    %c0_i32 = arith.constant 0 : i32
    %c0_i32_0 = arith.constant 0 : i32
    %c0_i32_1 = arith.constant 0 : i32
    return %c0_i32, %c0_i32_0 : i32, i32
  }
  func.func @transform_3(%arg0: i32) -> (i32, i32) {
    %c0_i32 = arith.constant 0 : i32
    %c0_i32_0 = arith.constant 0 : i32
    return %arg0, %c0_i32 : i32, i32
  }
}

</mosaic_0001>

<sc_bundles>
// kernel: kernel.4.cloned.1.call-start
scs
__scs_entry_jumppad:
0x0: {  	(pc) =	sbr.rel $0x88, $3  }
0x1: {  	(tag) =	ssettag $0x0;
	lr =	simm.s32 $0x1  }
0x2: {  	[smem:$0x3F9A] =	sst lr;
	_ =	strace $0xD0000000  }
0x3: {  	_ = 	snop  }
0x4: {  	_ = 	snop  }
0x5: {  	_ = 	snop  }
0x6: {  	_ = 	snop  }
0x7: {  	_ = 	snop  }
__scs_overlays_trampoline_lowered:
0x8: {  	[smem:$0x3FA9] =	sst s0  }
0x9: {  	[smem:$0x3FAA] =	sst s1  }
0xa: {  	[smem:$0x3FAB] =	sst s2  }
0xb: {  	[smem:$0x3FAC] =	sst s3  }
0xc: {  	[smem:$0x3FAD] =	sst s4  }
0xd: {  	[smem:$0x3FAE] =	sst s5  }
0xe: {  	[smem:$0x3FAF] =	sst s6  }
0xf: {  	[smem:$0x3FB0] =	sst s7  }
0x10: {  	[smem:$0x3FB1] =	sst s8  }
0x11: {  	[smem:$0x3FB2] =	sst s9;
	s0 =	simm.s32 @!p0 $0x0  }
0x12: {  	s1 =	sld [smem:$0x3F98];
	s0 =	simm.s32 @p0 $0x1  }
0x13: {  	[smem:$0x3FB3] =	sst s0;
	s0 =	simm.s32 @!p1 $0x0  }
0x14: {  	s2 =	sld [smem:$0x3F97];
	s0 =	simm.s32 @p1 $0x1  }
0x15: {  	[smem:$0x3FB4] =	sst s0;
	s0 =	simm.s32 @!p2 $0x0  }
0x16: {  	s3 =	sld [smem:$0x3FDB];
	s0 =	simm.s32 @p2 $0x1  }
0x17: {  	s4 =	simm.s32 $0x1BF5;
	[smem:$0x3FB6] =	sst s0  }
0x18: {  	s0 =	sld [smem:$0x3F99];
	_ =	swait.ge [sflag:s4], $0x0  }
0x19: {  	s7 =	sld [smem:$0x3F9A]  }
0x1a: {  	s8 =	sadd.s32 $0xFFFFE003, lr  }
0x1b: {  	s9 =	sadd.s32 $0xFFFFFEF7, lr;
	s5 =	simm.s32 $0xFFFFFFFF;
	p2 =	slt.u32 s8, $0xFFFFF086  }
0x1c: {  	p1 =	slt.u32 s9, $0xF7A;
	s5 =	simm.s32 @!p2 $0x0  }
0x1d: {  	s5 =	simm.s32 @p1 $0x1;
	p0 =	seq.s32 s7, s2  }
0x1e: {  	s7 =	smul.u32 @!p0 $0xF7A, s2;
	p2 =	seq.s32 @!p0 s5, $0x0  }
0x1f: {  	s9 =	smul.u32 $0xF7A, s1;
	s8 =	simm.s32 @!p0 $0x1BF5;
	p2 =	por !p2, p0  }
0x20: {  	[sflag:s8] =	ssyncset.s32 @!p0 $0xFFFFF086;
	s6 =	sadd.s32 @!p0 s3, s7;
	s7 =	simm.s32 @!p0 $0x108  }
0x21: {  	s3 =	sadd.s32 s3, s9;
	s6 =	sadd.s32 @!p0 $0x88, s6;
	s7 =	simm.s32 @p2 $0x1082  }
0x22: {  	[simem:s7], [sflag:s8] =	dma.local @!p0 [hbm:s6], $0xF7A  }
0x23: {  	s9 =	sor.u32 $0xD0000000, s2;
	s6 =	simm.s32 $0x108;
	_ =	swait.ge @!p0 [sflag:s8], $0x0  }
0x24: {  	s3 =	sadd.s32 $0x88, s3;
	s6 =	simm.s32 @!p1 $0x1082;
	[sflag:s4] =	ssyncset.s32 $0xFFFFF086  }
0x25: {  	[simem:s6], [sflag:s4] =	dma.local [hbm:s3], $0xF7A  }
0x26: {  	[smem:$0x3F9A] =	sst s1;
	(tag) =	ssettag s2;
	_ =	strace s9  }
0x27: {  	s1 =	sld [smem:$0x3FAA]  }
0x28: {  	s2 =	sld [smem:$0x3FAB]  }
0x29: {  	s4 =	sld [smem:$0x3FAD]  }
0x2a: {  	p0 =	seq.s32 s5, $0x0;
	s5 =	sld [smem:$0x3FAE]  }
0x2b: {  	s6 =	sld [smem:$0x3FAF]  }
0x2c: {  	s7 =	sld [smem:$0x3FB0]  }
0x2d: {  	s3 =	simm.s32 $0x108;
	s8 =	sld [smem:$0x3FB1]  }
0x2e: {  	s3 =	simm.s32 @!p0 $0x1082;
	s9 =	sld [smem:$0x3FB2]  }
0x2f: {  	lr =	sadd.s32 s0, s3;
	s0 =	sld [smem:$0x3FA9]  }
0x30: {  	s3 =	sld [smem:$0x3FAC]  }
0x31: {  	[smem:$0x3FB5] =	sst s10  }
0x32: {  	s10 =	sld [smem:$0x3FB3];
	_ =	sdelay $0x3  }
0x33: {  	p0 =	seq.s32 s10, $0x1;
	s10 =	sld [smem:$0x3FB5];
	_ =	sdelay $0x3  }
0x34: {  	[smem:$0x3FB5] =	sst s10  }
0x35: {  	s10 =	sld [smem:$0x3FB4];
	_ =	sdelay $0x3  }
0x36: {  	p1 =	seq.s32 s10, $0x1;
	s10 =	sld [smem:$0x3FB5];
	_ =	sdelay $0x3  }
0x37: {  	[smem:$0x3FB5] =	sst s10  }
0x38: {  	s10 =	sld [smem:$0x3FB6]  }
0x39: {  	_ = 	snop;
	(pc) =	sbr.ind lr, $3  }
0x3a: {  	_ = 	snop  }
0x3b: {  	_ = 	snop  }
0x3c: {  	p2 =	seq.s32 s10, $0x1;
	s10 =	sld [smem:$0x3FB5]  }
0x3d: {  	_ =	shalt  }
0x3e: {  	_ =	shalt  }
0x3f: {  	_ =	shalt  }
0x40: {  	_ =	shalt  }
0x41: {  	_ =	shalt  }
0x42: {  	_ =	shalt  }
0x43: {  	_ =	shalt  }
0x44: {  	_ =	shalt  }
0x45: {  	_ =	shalt  }
0x46: {  	_ =	shalt  }
0x47: {  	_ =	shalt  }
0x48: {  	_ =	shalt  }
0x49: {  	_ =	shalt  }
0x4a: {  	_ =	shalt  }
0x4b: {  	_ =	shalt  }
0x4c: {  	_ =	shalt  }
0x4d: {  	_ =	shalt  }
0x4e: {  	_ =	shalt  }
0x4f: {  	_ =	shalt  }
0x50: {  	_ =	shalt  }
0x51: {  	_ =	shalt  }
0x52: {  	_ =	shalt  }
0x53: {  	_ =	shalt  }
0x54: {  	_ =	shalt  }
0x55: {  	_ =	shalt  }
0x56: {  	_ =	shalt  }
0x57: {  	_ =	shalt  }
0x58: {  	_ =	shalt  }
0x59: {  	_ =	shalt  }
0x5a: {  	_ =	shalt  }
0x5b: {  	_ =	shalt  }
0x5c: {  	_ =	shalt  }
0x5d: {  	_ =	shalt  }
0x5e: {  	_ =	shalt  }
0x5f: {  	_ =	shalt  }
0x60: {  	_ =	shalt  }
0x61: {  	_ =	shalt  }
0x62: {  	_ =	shalt  }
0x63: {  	_ =	shalt  }
0x64: {  	_ =	shalt  }
0x65: {  	_ =	shalt  }
0x66: {  	_ =	shalt  }
0x67: {  	_ =	shalt  }
0x68: {  	_ =	shalt  }
0x69: {  	_ =	shalt  }
0x6a: {  	_ =	shalt  }
0x6b: {  	_ =	shalt  }
0x6c: {  	_ =	shalt  }
0x6d: {  	_ =	shalt  }
0x6e: {  	_ =	shalt  }
0x6f: {  	_ =	shalt  }
0x70: {  	_ =	shalt  }
0x71: {  	_ =	shalt  }
0x72: {  	_ =	shalt  }
0x73: {  	_ =	shalt  }
0x74: {  	_ =	shalt  }
0x75: {  	_ =	shalt  }
0x76: {  	_ =	shalt  }
0x77: {  	_ =	shalt  }
0x78: {  	_ =	shalt  }
0x79: {  	_ =	shalt  }
0x7a: {  	_ =	shalt  }
0x7b: {  	_ =	shalt  }
0x7c: {  	_ =	shalt  }
0x7d: {  	_ =	shalt  }
0x7e: {  	_ =	shalt  }
0x7f: {  	_ =	shalt  }
0x80: {  	_ =	shalt  }
0x81: {  	_ =	shalt  }
0x82: {  	_ =	shalt  }
0x83: {  	_ =	shalt  }
0x84: {  	_ =	shalt  }
0x85: {  	_ =	shalt  }
0x86: {  	_ =	shalt  }
0x87: {  	_ =	shalt  }
.Lfunc_end0:
.L_simem_size_0:
called_computation_lowered:
.L_overlay_start_0:
0x88: {  	s2 =	sld [smem:$0x3FD9]  }
0x89: {  	s3 =	sld [smem:$0x3FFE];
	_ =	sdelay $0x1  }
0x8a: {  	s1 =	srdreg.scid  }
0x8b: {  	s0 =	sand.u32 $0x1, s1  }
0x8c: {  	s17 =	sshll.u32 s0, $0xA;
	s2 =	sadd.s32 s3, s2  }
0x8d: {  	s2 =	sadd.s32 s2, s17  }
0x8e: {  	[smem:$0x3FC1] =	sst s2  }
0x8f: {  	_ = 	snop  }
0x90: {  	s2 =	sld [smem:$0x3FC8]  }
0x91: {  	s18 =	sld [smem:$0x3FD0];
	(tm) =	ssettm $0x1  }
0x92: {  	s4 =	sld [smem:$0x3FFB];
	_ =	sdelay $0x3  }
0x93: {  	_ =	strace s4  }
0x94: {  	s4 =	sld [smem:$0x3FFC];
	_ =	sdelay $0x3  }
0x95: {  	_ =	strace s4  }
0x96: {  	s4 =	sld [smem:$0x3FFD];
	_ =	sdelay $0x3  }
0x97: {  	_ =	strace s4  }
0x98: {  	_ =	strace $0x8FFFFFFF  }
0x99: {  	s19 =	sld [smem:$0x3FDB];
	_ =	sdelay $0x1  }
0x9a: {  	s5 =	simm.s32 $_scs_section_size  }
0x9b: {  	s6 =	simm.s32 $_size__tile_overlayer_lowered;
	s7 =	simm.s32 $_tile_overlayer_lowered  }
0x9c: {  	s22 =	simm.s32 $0x1BFF;
	s21 =	sshll.u32 s7, $0x1;
	s4 =	sadd.s32 s5, s19  }
0x9d: {  	s8 =	simm.s32 $0x0;
	s20 =	sshll.u32 s6, $0x1;
	s6 =	sadd.s32 s21, s4  }
0x9e: {  	[timem:s8], [sflag:s22] =	dma.local [hbm:s6], s20  }
0x9f: {  	_ =	swait.ge [sflag:s22], s20  }
0xa0: {  	s5 =	ssub.s32 $0x0, s20;
	[sflag:s22] =	ssyncset.done $0x0  }
0xa1: {  	[sflag:s22] =	ssyncadd.s32 s5;
	_ =	sdelay $0x1  }
0xa2: {  	s23 =	simm.s32 $0x1B8B  }
0xa3: {  	_ =	swait.ge [sflag:s23], $0x1  }
0xa4: {  	[sflag:s23] =	ssyncset.done $0x0  }
0xa5: {  	s25 =	simm.s32 $0x1B8E;
	s24 =	sld [smem:$0x3FFE];
	[sflag:s23] =	ssyncadd.s32 $0xFFFFFFFF  }
0xa6: {  	s26 =	simm.s32 $execute0_lowered;
	[smem:$0x3FD2] =	sst s25  }
0xa7: {  	s6 =	sshll.u32 s26, $0x1;
	_ =	strace $0x80000046;
	[dreg:$0x1] =	wrdreg $0xFFFFFFFF  }
0xa8: {  	s28 =	simm.s32 $_size_execute0_lowered;
	s4 =	sadd.s32 s4, s6;
	[dreg:$0x0] =	wrdreg $0x0  }
0xa9: {  	s6 =	sshll.u32 s28, $0x1;
	[dreg:$0x2] =	wrdreg s4  }
0xaa: {  	[dreg:$0x3] =	wrdreg s6  }
0xab: {  	[dreg:$0x4] =	wrdreg $0xC0  }
0xac: {  	_ =	task [dreg:s8], $0x5FFFF  }
0xad: {  	[dreg:$0x1] =	wrdreg $0xFFFFFFFF  }
0xae: {  	[dreg:$0x0] =	wrdreg $0x60  }
0xaf: {  	[dreg:$0x2] =	wrdreg s18  }
0xb0: {  	[dreg:$0x3] =	wrdreg s2  }
0xb1: {  	[dreg:$0x4] =	wrdreg s24  }
0xb2: {  	[dreg:$0x5] =	wrdreg $0x9  }
0xb3: {  	_ =	task.clear_ibuf [dreg:s8], $0x6FFFF;
	_ =	strace $0x90000046  }
0xb4: {  	s29 =	simm.s32 $0x9;
	_ =	strace $0x80000048  }
0xb5: {  	_ =	swait.ge [sflag:s29], $0x1  }
0xb6: {  	[sflag:s29] =	ssyncadd.s32 $0xFFFFFFFF  }
0xb7: {  	_ =	strace $0x90000048  }
0xb8: {  	_ =	sfence  }
0xb9: {  	s30 =	sld [smem:$0x0];
	_ =	sdelay $0x2  }
0xba: {  	s31 =	sshll.u32 s1, $0xD;
	s1 =	sshrl.u32 s1, $0x2  }
0xbb: {  	s3 =	sand.u32 $0x4000, s31;
	s1 =	sadd.s32 s1, s30  }
0xbc: {  	s0 =	sor.u32 s3, s0;
	s1 =	sshll.u32 s1, $0x11  }
0xbd: {  	s0 =	sor.u32 s1, s0  }
0xbe: {  	s0 =	sadd.s32 $0x8F2B, s0  }
0xbf: {  	[sflag:s0] =	ssyncadd.remote.s32 $0x1  }
0xc0: {  	_ =	sfence.sel $0xFFFF  }
0xc1: {  	[dreg:$0x0] =	wrdreg $0xFFFFFFFF;
	(pc) =	sbr.abs _section_cstart, $3  }
0xc2: {  	[dreg:$0x1] =	wrdreg $0xFFFFFFFF  }
0xc3: {  	_ =	task.clear_ibuf [dreg:s8], $0x2FFFF;
	_ =	strace $0x9FFFFFFF  }
0xc4: {  	(tm) =	ssettm $0x7FFFFFFF  }
0xc5: {  	_ =	shalt  }
tec
execute0_lowered:
.L_overlay_start_1:
0x0: {  	(tag) =	ssettag $0x1  }
0x1: {  	s1 =	rddreg [dreg:$0x0];
	s0 =	srdreg.scid;
	v12 =	vlaneseq.u32;
	v63 =	vimm.s32 $0xB80;
	vm1 =	vcmask $0x300  }
0x2: {  	s2 =	stileid.u32;
	s3 =	rddreg [dreg:$0x1];
	v3 =	vimm.s32 $0xF80;
	vm2 =	vcmask $0x704;
	v1 =	vshrl.u32 v12, $0x3  }
0x3: {  	s5 =	rddreg [dreg:$0x2];
	s4 =	simm.s32 $0x0;
	s15 =	simm.s32 $0x5;
	v10 =	vand.u32 $0x7, v12;
	v0 =	vor.u32 $0x8, v12;
	v3 =	vsel vm1, $0x400, v3  }
0x4: {  	s17 =	simm.s32 $0x20;
	s18 =	simm.s32 $0x1000;
	s19 =	simm.s32 $0x9000;
	v11 =	vmul.u32 $0x8, v1;
	v62 =	vmul.u32 $0x80, v10;
	v1 =	vsel vm1, $0x0, v63  }
0x5: {  	s29 =	simm.s32 $0x5000;
	s28 =	simm.s32 $0x16800;
	s30 =	simm.s32 $0x8000;
	vm1 =	vcmask $0xB08;
	v3 =	vsel vm2, $0x480, v3;
	v1 =	vsel vm2, $0x80, v1  }
0x6: {  	s31 =	simm.s32 $0x17000;
	s14 =	simm.s32 $0x18800;
	[smem:$0x7FF] =	sst s4;
	vm2 =	vcmask $0xF0C;
	v3 =	vsel vm1, $0x500, v3;
	v1 =	vsel vm1, $0x100, v1  }
0x7: {  	s10 =	simm.s32 $0x1;
	s11 =	simm.s32 $0x3;
	_ =	strace $0x80000047;
	[tilespmem:$0x1FF90] =	vst v0;
	vm1 =	vcmask $0x1310;
	v3 =	vsel vm2, $0x580, v3;
	v0 =	vor.u32 $0x400, v62  }
0x8: {  	s12 =	simm.s32 $0x19000;
	s13 =	simm.s32 $0x2;
	s0 =	sand.u32 $0x1, s0;
	v1 =	vsel vm2, $0x180, v1;
	vm2 =	vcmask $0x1714;
	v3 =	vsel vm1, $0x600, v3  }
0x9: {  	s2 =	sshll.u32 s2, $0x1;
	s7 =	sadd.s32 $0xA800, s5;
	s9 =	sadd.s32 $0x14600, s5;
	v1 =	vsel vm1, $0x200, v1;
	vm1 =	vcmask $0x1B18;
	v3 =	vsel vm2, $0x680, v3  }
0xa: {  	s8 =	sadd.s32 $0xA00, s5;
	s22 =	sadd.s32 $0x14800, s5;
	[dreg:$0x7] =	wrdreg s9;
	v1 =	vsel vm2, $0x280, v1;
	vm2 =	vcmask $0x1F1C;
	v3 =	vsel vm1, $0x700, v3  }
0xb: {  	s2 =	sor.u32 s0, s2;
	s0 =	ssub.s32 $0x2, s0;
	[dreg:$0x5] =	wrdreg s7;
	v1 =	vsel vm1, $0x300, v1;
	vm1 =	vcmask $0x2320;
	v3 =	vsel vm2, $0x780, v3  }
0xc: {  	[dreg:$0x6] =	wrdreg s8;
	s2 =	smul.u32 $0x2710, s2;
	s23 =	sshrl.u32 s0, $0x1;
	v1 =	vsel vm2, $0x380, v1;
	vm2 =	vcmask $0x2724;
	v3 =	vsel vm1, $0xC00, v3  }
0xd: {  	s16 =	simm.s32 $0x4;
	[dreg:$0x8] =	wrdreg s22;
	s0 =	ssub.s32 s0, s23;
	v1 =	vsel vm1, $0x800, v1;
	vm1 =	vcmask $0x2B28;
	v3 =	vsel vm2, $0xC80, v3  }
0xe: {  	s23 =	simm.s32 $0x7000;
	[dreg:$0x4] =	wrdreg s2;
	s2 =	sadd.s32 $0x2000, s2;
	v1 =	vsel vm2, $0x880, v1;
	vm2 =	vcmask $0x2F2C;
	v3 =	vsel vm1, $0xD00, v3  }
0xf: {  	[tilespmem:$0x1FFC0] =	vst v10;
	s0 =	smax.u32 s0, $0x1;
	s6 =	smul.u32 $0x5, s2;
	s2 =	sshrl.u32 s2, $0x3;
	v1 =	vsel vm1, $0x900, v1;
	vm1 =	vcmask $0x3330;
	v3 =	vsel vm2, $0xD80, v3  }
0x10: {  	[tilespmem:$0x1FFA0] =	vst v62;
	[dreg:$0xc] =	wrdreg s0;
	s0 =	simm.s32 $0x18000;
	s25 =	sadd.s32 s7, s2;
	v1 =	vsel vm2, $0x980, v1;
	vm2 =	vcmask $0x3734;
	v3 =	vsel vm1, $0xE00, v3  }
0x11: {  	[tilespmem:$0x1FFD0] =	vst v11;
	s2 =	sadd.s32 s8, s2;
	s8 =	simm.s32 $0x11000;
	[dreg:$0x9] =	wrdreg s25;
	v1 =	vsel vm1, $0xA00, v1;
	vm1 =	vcmask $0x3B38;
	v3 =	vsel vm2, $0xE80, v3  }
0x12: {  	[tilespmem:$0x1FFB0] =	vst v0;
	s24 =	sshrl.u32 s6, $0x3;
	[dreg:$0xa] =	wrdreg s2;
	s25 =	simm.s32 $0x15800;
	v1 =	vsel vm2, $0xA80, v1;
	v60 =	vsel vm1, $0xF00, v3  }
0x13: {  	s2 =	simm.s32 $0x17800;
	s6 =	simm.s32 $0x0;
	s26 =	sadd.s32 s22, s24;
	v59 =	vsel vm1, $0xB00, v1;
	[tilespmem:$0x1FFF0] =	vst v60  }
0x14: {  	vm0 =	vmmov $0xffff;
	s24 =	simm.s32 $0x15000;
	[dreg:$0xb] =	wrdreg s26;
	s26 =	simm.s32 $0x16000;
	[tilespmem:$0x1FFE0] =	vst v59  }
.LBB2_1:
0x15: {  	[dreg:$0xd] =	wrdreg s6  }
0x16: {  	s5 =	rddreg [dreg:$0x7];
	s22 =	simm.s32 $0x1B800  }
0x17: {  	[tilespmem:s22], [sflag:$0x5] =	stream.linear.gather [hbm4b:s5+s4], $0x800, $0x38;
	[tilespmem:$0x1C000] =	vst v63  }
0x18: {  	_ =	swait.ge [sflag:s15], $0x800  }
0x19: {  	[sflag:s15] =	ssyncset.done $0x0  }
0x1a: {  	[sflag:s15] =	ssyncadd.s32 $0xFFFFF800  }
0x1b: {  	v18 =	vld [tilespmem:$0x1B800]  }
0x1c: {  	v17 =	vld [tilespmem:$0x1B880]  }
0x1d: {  	v16 =	vld [tilespmem:$0x1B900]  }
0x1e: {  	v0 =	vld [tilespmem:$0x1B980]  }
0x1f: {  	v60 =	vld [tilespmem:$0x1BA00]  }
0x20: {  	v22 =	vld [tilespmem:$0x1BA80]  }
0x21: {  	v20 =	vld [tilespmem:$0x1BB00]  }
0x22: {  	v61 =	vld [tilespmem:$0x1BE00]  }
0x23: {  	v62 =	vld [tilespmem:$0x1BE80]  }
0x24: {  	v63 =	vld [tilespmem:$0x1BF00]  }
0x25: {  	v19 =	vld [tilespmem:$0x1BB80];
	[tilespmem:$0x1FF40] =	vst v0  }
0x26: {  	v15 =	vld [tilespmem:$0x1BC00];
	[tilespmem:$0x1FF50] =	vst v60  }
0x27: {  	v13 =	vld [tilespmem:$0x1BC80];
	[tilespmem:$0x1FF60] =	vst v61  }
0x28: {  	v21 =	vld [tilespmem:$0x1BD00];
	[tilespmem:$0x1FF70] =	vst v62  }
0x29: {  	s5 =	simm.s32 $0x0;
	v14 =	vld [tilespmem:$0x1BD80];
	[tilespmem:$0x1FF80] =	vst v63  }
.LBB2_2:
0x2a: {  	s6 =	sshll.u32 s5, $0xB;
	s7 =	rddreg [dreg:$0x4]  }
0x2b: {  	s6 =	sadd.s32 s7, s6  }
0x2c: {  	s9 =	rddreg [dreg:$0x5];
	s7 =	sshrl.u32 s6, $0x3  }
0x2d: {  	[dreg:$0xe] =	wrdreg s6;
	s6 =	simm.s32 $0x0;
	s9 =	sadd.s32 s9, s7  }
0x2e: {  	[tilespmem:s6], [sflag:$0x5] =	stream.linear.gather [hbm4b:s9+s6], $0x800, $0x38;
	[tilespmem:$0x1C000] =	vst v63  }
0x2f: {  	_ =	swait.ge [sflag:s15], $0x800  }
0x30: {  	[sflag:s15] =	ssyncset.done $0x0;
	s20 =	rddreg [dreg:$0x6]  }
0x31: {  	s21 =	simm.s32 $0x800;
	[sflag:s15] =	ssyncadd.s32 $0xFFFFF800;
	s7 =	sadd.s32 s20, s7  }
0x32: {  	[tilespmem:s21], [sflag:$0x5] =	stream.linear.gather [hbm4b:s7+s6], $0x800, $0x38;
	[tilespmem:$0x1C000] =	vst v63  }
0x33: {  	_ =	swait.ge [sflag:s15], $0x800  }
0x34: {  	[sflag:s15] =	ssyncset.done $0x0  }
0x35: {  	[sflag:s15] =	ssyncadd.s32 $0xFFFFF800  }
0x36: {  	[tilespmem:s18], [sflag:$0x1] =	stream.indirect.gather [hbm4b:s3+s17], $0x80, s6, s17, $0xb8;
	[tilespmem:$0x1C000] =	vst v63  }
0x37: {  	v1 =	vld [tilespmem:$0x800];
	_ =	sdelay $0x4  }
0x38: {  	v0 =	vld [tilespmem:$0x1FF90];
	v3 =	vshll.u32 v1, $0x1  }
0x39: {  	v1 =	vand.u32 $0x7, v1;
	v3 =	vand.u32 $0xFFFFFFF0, v3  }
0x3a: {  	v1 =	vor.u32 v1, v3  }
0x3b: {  	v3 =	vperm.xlane v1, v10;
	_ =	sdelay $0x1  }
0x3c: {  	v1 =	vperm.xlane v1, v0;
	v3 =	vadd.s32 v11, v3;
	_ =	sdelay $0x1  }
0x3d: {  	v1 =	vadd.s32 v11, v1;
	_ =	sdelay $0x2  }
0x3e: {  	[tilespmem:s19], [sflag:$0x3] =	stream.indirect_vreg.gather [hbm4b:s1+s6], $0x80, v3, vm0, $0xb8;
	[tilespmem:$0x1C000] =	vst v63  }
0x3f: {  	s22 =	simm.s32 $0x9800  }
0x40: {  	[tilespmem:s22], [sflag:$0x3] =	stream.indirect_vreg.gather [hbm4b:s1+s6], $0x80, v1, vm0, $0xb8;
	[tilespmem:$0x1C000] =	vst v63  }
0x41: {  	v1 =	vld [tilespmem:$0x810];
	_ =	sdelay $0x4  }
0x42: {  	v57 =	vshll.u32 v1, $0x1  }
0x43: {  	v1 =	vand.u32 $0x7, v1;
	v3 =	vand.u32 $0xFFFFFFF0, v57  }
0x44: {  	v1 =	vor.u32 v1, v3  }
0x45: {  	v3 =	vperm.xlane v1, v10;
	_ =	sdelay $0x1  }
0x46: {  	v1 =	vperm.xlane v1, v0;
	v3 =	vadd.s32 v11, v3;
	_ =	sdelay $0x1  }
0x47: {  	v1 =	vadd.s32 v11, v1;
	_ =	sdelay $0x1  }
0x48: {  	s9 =	simm.s32 $0xA000  }
0x49: {  	[tilespmem:s9], [sflag:$0x3] =	stream.indirect_vreg.gather [hbm4b:s1+s6], $0x80, v3, vm0, $0xb8;
	[tilespmem:$0x1C000] =	vst v63  }
0x4a: {  	s15 =	simm.s32 $0xA800  }
0x4b: {  	[tilespmem:s15], [sflag:$0x3] =	stream.indirect_vreg.gather [hbm4b:s1+s6], $0x80, v1, vm0, $0xb8;
	[tilespmem:$0x1C000] =	vst v63  }
0x4c: {  	s20 =	simm.s32 $0x2000  }
0x4d: {  	[tilespmem:s20], [sflag:$0x1] =	stream.indirect.gather [hbm4b:s3+s17], $0x80, s17, s17, $0xb8;
	[tilespmem:$0x1C000] =	vst v63  }
0x4e: {  	v1 =	vld [tilespmem:$0x820];
	_ =	sdelay $0x4  }
0x4f: {  	v58 =	vshll.u32 v1, $0x1  }
0x50: {  	v1 =	vand.u32 $0x7, v1;
	v3 =	vand.u32 $0xFFFFFFF0, v58  }
0x51: {  	v1 =	vor.u32 v1, v3  }
0x52: {  	v3 =	vperm.xlane v1, v10;
	_ =	sdelay $0x1  }
0x53: {  	v1 =	vperm.xlane v1, v0;
	v3 =	vadd.s32 v11, v3;
	_ =	sdelay $0x1  }
0x54: {  	v1 =	vadd.s32 v11, v1;
	_ =	sdelay $0x1  }
0x55: {  	s21 =	simm.s32 $0xB000  }
0x56: {  	[tilespmem:s21], [sflag:$0x3] =	stream.indirect_vreg.gather [hbm4b:s1+s6], $0x80, v3, vm0, $0xb8;
	[tilespmem:$0x1C000] =	vst v63  }
0x57: {  	s22 =	simm.s32 $0xB800  }
0x58: {  	[tilespmem:s22], [sflag:$0x3] =	stream.indirect_vreg.gather [hbm4b:s1+s6], $0x80, v1, vm0, $0xb8;
	[tilespmem:$0x1C000] =	vst v63  }
0x59: {  	v1 =	vld [tilespmem:$0x830];
	_ =	sdelay $0x4  }
0x5a: {  	v59 =	vshll.u32 v1, $0x1  }
0x5b: {  	v1 =	vand.u32 $0x7, v1;
	v3 =	vand.u32 $0xFFFFFFF0, v59  }
0x5c: {  	v1 =	vor.u32 v1, v3  }
0x5d: {  	v3 =	vperm.xlane v1, v10;
	_ =	sdelay $0x1  }
0x5e: {  	v1 =	vperm.xlane v1, v0;
	v3 =	vadd.s32 v11, v3;
	_ =	sdelay $0x1  }
0x5f: {  	v1 =	vadd.s32 v11, v1;
	_ =	sdelay $0x1  }
0x60: {  	s9 =	simm.s32 $0xC000  }
0x61: {  	[tilespmem:s9], [sflag:$0x3] =	stream.indirect_vreg.gather [hbm4b:s1+s6], $0x80, v3, vm0, $0xb8;
	[tilespmem:$0x1C000] =	vst v63  }
0x62: {  	s15 =	simm.s32 $0xC800  }
0x63: {  	[tilespmem:s15], [sflag:$0x3] =	stream.indirect_vreg.gather [hbm4b:s1+s6], $0x80, v1, vm0, $0xb8;
	[tilespmem:$0x1C000] =	vst v63  }
0x64: {  	s20 =	simm.s32 $0x40;
	s21 =	simm.s32 $0x3000  }
0x65: {  	[tilespmem:s21], [sflag:$0x1] =	stream.indirect.gather [hbm4b:s3+s17], $0x80, s20, s17, $0xb8;
	[tilespmem:$0x1C000] =	vst v63  }
0x66: {  	v1 =	vld [tilespmem:$0x840];
	_ =	sdelay $0x4  }
0x67: {  	v60 =	vshll.u32 v1, $0x1  }
0x68: {  	v1 =	vand.u32 $0x7, v1;
	v3 =	vand.u32 $0xFFFFFFF0, v60  }
0x69: {  	v1 =	vor.u32 v1, v3  }
0x6a: {  	v3 =	vperm.xlane v1, v10;
	_ =	sdelay $0x1  }
0x6b: {  	v1 =	vperm.xlane v1, v0;
	v3 =	vadd.s32 v11, v3;
	_ =	sdelay $0x1  }
0x6c: {  	v1 =	vadd.s32 v11, v1;
	_ =	sdelay $0x1  }
0x6d: {  	s22 =	simm.s32 $0xD000  }
0x6e: {  	[tilespmem:s22], [sflag:$0x3] =	stream.indirect_vreg.gather [hbm4b:s1+s6], $0x80, v3, vm0, $0xb8;
	[tilespmem:$0x1C000] =	vst v63  }
0x6f: {  	s9 =	simm.s32 $0xD800  }
0x70: {  	[tilespmem:s9], [sflag:$0x3] =	stream.indirect_vreg.gather [hbm4b:s1+s6], $0x80, v1, vm0, $0xb8;
	[tilespmem:$0x1C000] =	vst v63  }
0x71: {  	v1 =	vld [tilespmem:$0x850];
	_ =	sdelay $0x4  }
0x72: {  	v61 =	vshll.u32 v1, $0x1  }
0x73: {  	v1 =	vand.u32 $0x7, v1;
	v3 =	vand.u32 $0xFFFFFFF0, v61  }
0x74: {  	v1 =	vor.u32 v1, v3  }
0x75: {  	v3 =	vperm.xlane v1, v10;
	_ =	sdelay $0x1  }
0x76: {  	v1 =	vperm.xlane v1, v0;
	v3 =	vadd.s32 v11, v3;
	_ =	sdelay $0x1  }
0x77: {  	v1 =	vadd.s32 v11, v1;
	_ =	sdelay $0x1  }
0x78: {  	s15 =	simm.s32 $0xE000  }
0x79: {  	[tilespmem:s15], [sflag:$0x3] =	stream.indirect_vreg.gather [hbm4b:s1+s6], $0x80, v3, vm0, $0xb8;
	[tilespmem:$0x1C000] =	vst v63  }
0x7a: {  	s20 =	simm.s32 $0xE800  }
0x7b: {  	[tilespmem:s20], [sflag:$0x3] =	stream.indirect_vreg.gather [hbm4b:s1+s6], $0x80, v1, vm0, $0xb8;
	[tilespmem:$0x1C000] =	vst v63  }
0x7c: {  	s21 =	simm.s32 $0x60;
	s22 =	simm.s32 $0x4000  }
0x7d: {  	[tilespmem:s22], [sflag:$0x1] =	stream.indirect.gather [hbm4b:s3+s17], $0x80, s21, s17, $0xb8;
	[tilespmem:$0x1C000] =	vst v63  }
0x7e: {  	v1 =	vld [tilespmem:$0x860];
	_ =	sdelay $0x4  }
0x7f: {  	v62 =	vshll.u32 v1, $0x1  }
0x80: {  	v1 =	vand.u32 $0x7, v1;
	v3 =	vand.u32 $0xFFFFFFF0, v62  }
0x81: {  	v1 =	vor.u32 v1, v3  }
0x82: {  	v3 =	vperm.xlane v1, v10;
	_ =	sdelay $0x1  }
0x83: {  	v1 =	vperm.xlane v1, v0;
	v3 =	vadd.s32 v11, v3;
	_ =	sdelay $0x1  }
0x84: {  	v1 =	vadd.s32 v11, v1;
	_ =	sdelay $0x1  }
0x85: {  	s15 =	simm.s32 $0xF000  }
0x86: {  	[tilespmem:s15], [sflag:$0x3] =	stream.indirect_vreg.gather [hbm4b:s1+s6], $0x80, v3, vm0, $0xb8;
	[tilespmem:$0x1C000] =	vst v63  }
0x87: {  	s20 =	simm.s32 $0xF800  }
0x88: {  	[tilespmem:s20], [sflag:$0x3] =	stream.indirect_vreg.gather [hbm4b:s1+s6], $0x80, v1, vm0, $0xb8;
	[tilespmem:$0x1C000] =	vst v63  }
0x89: {  	v1 =	vld [tilespmem:$0x870];
	_ =	sdelay $0x4  }
0x8a: {  	v63 =	vshll.u32 v1, $0x1  }
0x8b: {  	v1 =	vand.u32 $0x7, v1;
	v3 =	vand.u32 $0xFFFFFFF0, v63  }
0x8c: {  	v1 =	vor.u32 v1, v3  }
0x8d: {  	v3 =	vperm.xlane v1, v10;
	_ =	sdelay $0x1  }
0x8e: {  	v1 =	vperm.xlane v1, v0;
	v3 =	vadd.s32 v11, v3;
	_ =	sdelay $0x1  }
0x8f: {  	v1 =	vadd.s32 v11, v1;
	_ =	sdelay $0x1  }
0x90: {  	s21 =	simm.s32 $0x10000  }
0x91: {  	[tilespmem:s21], [sflag:$0x3] =	stream.indirect_vreg.gather [hbm4b:s1+s6], $0x80, v3, vm0, $0xb8;
	[tilespmem:$0x1C000] =	vst v63  }
0x92: {  	s7 =	simm.s32 $0x0;
	s22 =	simm.s32 $0x10800  }
0x93: {  	[tilespmem:s22], [sflag:$0x3] =	stream.indirect_vreg.gather [hbm4b:s1+s6], $0x80, v1, vm0, $0xb8;
	[tilespmem:$0x1C000] =	vst v63  }
.LBB2_3:
0x94: {  	s15 =	sshll.u32 s7, $0x8  }
0x95: {  	s9 =	sor.u32 $0x80, s15  }
0x96: {  	[tilespmem:s29], [sflag:$0x2] =	stream.indirect.gather [hbm4b:s3+s17], $0x80, s9, s17, $0xb8;
	[tilespmem:$0x1C000] =	vst v63  }
0x97: {  	v1 =	vld [tilespmem:s15+$0x880];
	_ =	sdelay $0x4  }
0x98: {  	v0 =	vld [tilespmem:$0x1FF90];
	v3 =	vshll.u32 v1, $0x1  }
0x99: {  	v1 =	vand.u32 $0x7, v1;
	v3 =	vand.u32 $0xFFFFFFF0, v3  }
0x9a: {  	v1 =	vor.u32 v1, v3  }
0x9b: {  	v3 =	vperm.xlane v1, v10;
	_ =	sdelay $0x1  }
0x9c: {  	v1 =	vperm.xlane v1, v0;
	v3 =	vadd.s32 v11, v3;
	_ =	sdelay $0x1  }
0x9d: {  	v1 =	vadd.s32 v11, v1;
	_ =	sdelay $0x2  }
0x9e: {  	[tilespmem:s8], [sflag:$0x4] =	stream.indirect_vreg.gather [hbm4b:s1+s6], $0x80, v3, vm0, $0xb8;
	[tilespmem:$0x1C000] =	vst v63  }
0x9f: {  	s20 =	simm.s32 $0x11800  }
0xa0: {  	[tilespmem:s20], [sflag:$0x4] =	stream.indirect_vreg.gather [hbm4b:s1+s6], $0x80, v1, vm0, $0xb8;
	[tilespmem:$0x1C000] =	vst v63  }
0xa1: {  	v1 =	vld [tilespmem:s15+$0x890];
	_ =	sdelay $0x4  }
0xa2: {  	v57 =	vshll.u32 v1, $0x1  }
0xa3: {  	v1 =	vand.u32 $0x7, v1;
	v3 =	vand.u32 $0xFFFFFFF0, v57  }
0xa4: {  	v1 =	vor.u32 v1, v3  }
0xa5: {  	v3 =	vperm.xlane v1, v10;
	_ =	sdelay $0x1  }
0xa6: {  	v1 =	vperm.xlane v1, v0;
	v3 =	vadd.s32 v11, v3;
	_ =	sdelay $0x1  }
0xa7: {  	v1 =	vadd.s32 v11, v1;
	_ =	sdelay $0x1  }
0xa8: {  	s22 =	simm.s32 $0x12000  }
0xa9: {  	[tilespmem:s22], [sflag:$0x4] =	stream.indirect_vreg.gather [hbm4b:s1+s6], $0x80, v3, vm0, $0xb8;
	[tilespmem:$0x1C000] =	vst v63  }
0xaa: {  	s21 =	simm.s32 $0x12800  }
0xab: {  	[tilespmem:s21], [sflag:$0x4] =	stream.indirect_vreg.gather [hbm4b:s1+s6], $0x80, v1, vm0, $0xb8;
	[tilespmem:$0x1C000] =	vst v63  }
0xac: {  	s22 =	sor.u32 $0xA0, s15;
	s21 =	simm.s32 $0x6000  }
0xad: {  	[tilespmem:s21], [sflag:$0x2] =	stream.indirect.gather [hbm4b:s3+s17], $0x80, s22, s17, $0xb8;
	[tilespmem:$0x1C000] =	vst v63  }
0xae: {  	v1 =	vld [tilespmem:s15+$0x8A0];
	_ =	sdelay $0x4  }
0xaf: {  	v58 =	vshll.u32 v1, $0x1  }
0xb0: {  	v1 =	vand.u32 $0x7, v1;
	v3 =	vand.u32 $0xFFFFFFF0, v58  }
0xb1: {  	v1 =	vor.u32 v1, v3  }
0xb2: {  	v3 =	vperm.xlane v1, v10;
	_ =	sdelay $0x1  }
0xb3: {  	v1 =	vperm.xlane v1, v0;
	v3 =	vadd.s32 v11, v3;
	_ =	sdelay $0x1  }
0xb4: {  	v1 =	vadd.s32 v11, v1;
	_ =	sdelay $0x1  }
0xb5: {  	s21 =	simm.s32 $0x13000  }
0xb6: {  	[tilespmem:s21], [sflag:$0x4] =	stream.indirect_vreg.gather [hbm4b:s1+s6], $0x80, v3, vm0, $0xb8;
	[tilespmem:$0x1C000] =	vst v63  }
0xb7: {  	s22 =	simm.s32 $0x13800  }
0xb8: {  	[tilespmem:s22], [sflag:$0x4] =	stream.indirect_vreg.gather [hbm4b:s1+s6], $0x80, v1, vm0, $0xb8;
	[tilespmem:$0x1C000] =	vst v63  }
0xb9: {  	v1 =	vld [tilespmem:s15+$0x8B0];
	_ =	sdelay $0x4  }
0xba: {  	v59 =	vshll.u32 v1, $0x1  }
0xbb: {  	v1 =	vand.u32 $0x7, v1;
	v3 =	vand.u32 $0xFFFFFFF0, v59  }
0xbc: {  	v1 =	vor.u32 v1, v3  }
0xbd: {  	v3 =	vperm.xlane v1, v10;
	_ =	sdelay $0x1  }
0xbe: {  	v1 =	vperm.xlane v1, v0;
	v3 =	vadd.s32 v11, v3;
	_ =	sdelay $0x1  }
0xbf: {  	v1 =	vadd.s32 v11, v1;
	_ =	sdelay $0x1  }
0xc0: {  	s21 =	simm.s32 $0x14000  }
0xc1: {  	[tilespmem:s21], [sflag:$0x4] =	stream.indirect_vreg.gather [hbm4b:s1+s6], $0x80, v3, vm0, $0xb8;
	[tilespmem:$0x1C000] =	vst v63  }
0xc2: {  	s22 =	simm.s32 $0x14800  }
0xc3: {  	[tilespmem:s22], [sflag:$0x4] =	stream.indirect_vreg.gather [hbm4b:s1+s6], $0x80, v1, vm0, $0xb8;
	[tilespmem:$0x1C000] =	vst v63  }
0xc4: {  	s21 =	sor.u32 $0xC0, s15  }
0xc5: {  	[tilespmem:s23], [sflag:$0x2] =	stream.indirect.gather [hbm4b:s3+s17], $0x80, s21, s17, $0xb8;
	[tilespmem:$0x1C000] =	vst v63  }
0xc6: {  	v1 =	vld [tilespmem:s15+$0x8C0];
	_ =	sdelay $0x4  }
0xc7: {  	v60 =	vshll.u32 v1, $0x1  }
0xc8: {  	v1 =	vand.u32 $0x7, v1;
	v3 =	vand.u32 $0xFFFFFFF0, v60  }
0xc9: {  	v1 =	vor.u32 v1, v3  }
0xca: {  	v3 =	vperm.xlane v1, v10;
	_ =	sdelay $0x1  }
0xcb: {  	v1 =	vperm.xlane v1, v0;
	v3 =	vadd.s32 v11, v3;
	_ =	sdelay $0x1  }
0xcc: {  	v1 =	vadd.s32 v11, v1;
	_ =	sdelay $0x2  }
0xcd: {  	[tilespmem:s24], [sflag:$0x4] =	stream.indirect_vreg.gather [hbm4b:s1+s6], $0x80, v3, vm0, $0xb8;
	[tilespmem:$0x1C000] =	vst v63  }
0xce: {  	_ = 	snop  }
0xcf: {  	[tilespmem:s25], [sflag:$0x4] =	stream.indirect_vreg.gather [hbm4b:s1+s6], $0x80, v1, vm0, $0xb8;
	[tilespmem:$0x1C000] =	vst v63  }
0xd0: {  	v1 =	vld [tilespmem:s15+$0x8D0];
	_ =	sdelay $0x4  }
0xd1: {  	v61 =	vshll.u32 v1, $0x1  }
0xd2: {  	v1 =	vand.u32 $0x7, v1;
	v3 =	vand.u32 $0xFFFFFFF0, v61  }
0xd3: {  	v1 =	vor.u32 v1, v3  }
0xd4: {  	v3 =	vperm.xlane v1, v10;
	_ =	sdelay $0x1  }
0xd5: {  	v1 =	vperm.xlane v1, v0;
	v3 =	vadd.s32 v11, v3;
	_ =	sdelay $0x1  }
0xd6: {  	v1 =	vadd.s32 v11, v1;
	_ =	sdelay $0x2  }
0xd7: {  	[tilespmem:s26], [sflag:$0x4] =	stream.indirect_vreg.gather [hbm4b:s1+s6], $0x80, v3, vm0, $0xb8;
	[tilespmem:$0x1C000] =	vst v63  }
0xd8: {  	_ = 	snop  }
0xd9: {  	[tilespmem:s28], [sflag:$0x4] =	stream.indirect_vreg.gather [hbm4b:s1+s6], $0x80, v1, vm0, $0xb8;
	[tilespmem:$0x1C000] =	vst v63  }
0xda: {  	s22 =	sor.u32 $0xE0, s15  }
0xdb: {  	[tilespmem:s30], [sflag:$0x2] =	stream.indirect.gather [hbm4b:s3+s17], $0x80, s22, s17, $0xb8;
	[tilespmem:$0x1C000] =	vst v63  }
0xdc: {  	v1 =	vld [tilespmem:s15+$0x8E0];
	_ =	sdelay $0x4  }
0xdd: {  	v62 =	vshll.u32 v1, $0x1  }
0xde: {  	v1 =	vand.u32 $0x7, v1;
	v3 =	vand.u32 $0xFFFFFFF0, v62  }
0xdf: {  	v1 =	vor.u32 v1, v3  }
0xe0: {  	v3 =	vperm.xlane v1, v10;
	_ =	sdelay $0x1  }
0xe1: {  	v1 =	vperm.xlane v1, v0;
	v3 =	vadd.s32 v11, v3;
	_ =	sdelay $0x1  }
0xe2: {  	v1 =	vadd.s32 v11, v1;
	_ =	sdelay $0x2  }
0xe3: {  	[tilespmem:s31], [sflag:$0x4] =	stream.indirect_vreg.gather [hbm4b:s1+s6], $0x80, v3, vm0, $0xb8;
	[tilespmem:$0x1C000] =	vst v63  }
0xe4: {  	_ = 	snop  }
0xe5: {  	[tilespmem:s2], [sflag:$0x4] =	stream.indirect_vreg.gather [hbm4b:s1+s6], $0x80, v1, vm0, $0xb8;
	[tilespmem:$0x1C000] =	vst v63  }
0xe6: {  	v1 =	vld [tilespmem:s15+$0x8F0];
	_ =	sdelay $0x4  }
0xe7: {  	v63 =	vshll.u32 v1, $0x1  }
0xe8: {  	v1 =	vand.u32 $0x7, v1;
	v3 =	vand.u32 $0xFFFFFFF0, v63  }
0xe9: {  	v1 =	vor.u32 v1, v3  }
0xea: {  	v3 =	vperm.xlane v1, v10;
	_ =	sdelay $0x1  }
0xeb: {  	v1 =	vperm.xlane v1, v0;
	v3 =	vadd.s32 v11, v3;
	_ =	sdelay $0x1  }
0xec: {  	v1 =	vadd.s32 v11, v1;
	_ =	sdelay $0x2  }
0xed: {  	[tilespmem:s0], [sflag:$0x4] =	stream.indirect_vreg.gather [hbm4b:s1+s6], $0x80, v3, vm0, $0xb8;
	[tilespmem:$0x1C000] =	vst v63  }
0xee: {  	_ = 	snop  }
0xef: {  	[tilespmem:s14], [sflag:$0x4] =	stream.indirect_vreg.gather [hbm4b:s1+s6], $0x80, v1, vm0, $0xb8;
	[tilespmem:$0x1C000] =	vst v63  }
0xf0: {  	_ =	swait.ge [sflag:s10], $0x4000  }
0xf1: {  	[sflag:s10] =	ssyncset.done $0x0  }
0xf2: {  	[sflag:s10] =	ssyncadd.s32 $0xFFFFC000  }
0xf3: {  	_ =	swait.ge [sflag:s11], $0x8000  }
0xf4: {  	[sflag:s11] =	ssyncset.done $0x0  }
0xf5: {  	s21 =	simm.s32 $0x0;
	[sflag:s11] =	ssyncadd.s32 $0xFFFF8000  }
.LBB2_4:
0xf6: {  	v0 =	vld [tilespmem:$0x1FFA0]  }
0xf7: {  	s20 =	sshll.u32 s21, $0x4  }
0xf8: {  	v1 =	vor.u32 s20, v12  }
0xf9: {  	v3 =	vshll.u32 v1, $0x8  }
0xfa: {  	v27 =	vshll.u32 v1, $0x7;
	v1 =	vand.u32 $0x7800, v3  }
0xfb: {  	v28 =	vimm.s32 $0x0;
	v23 =	vor.u32 v0, v1;
	v0 =	vld [tilespmem:$0x1FFB0]  }
0xfc: {  	v24 =	vimm.f32 $0.0e+00;
	v35 =	vand.u32 $0x78, v28  }
0xfd: {  	v33 =	vadd.s32 $0x86, v28;
	v36 =	vadd.s32 $0x87, v28;
	v3 =	vand.u32 $0xFFFFFF80, v28  }
0xfe: {  	v46 =	vadd.s32 $0x84, v28;
	v6 =	vor.u32 $0x7, v35;
	v3 =	vadd.s32 v27, v3  }
0xff: {  	v52 =	vadd.s32 $0x85, v28;
	v32 =	vor.u32 $0x4, v35;
	v26 =	vor.u32 v6, v3  }
0x100: {  	v30 =	vor.u32 v32, v3;
	v29 =	vor.u32 v0, v1;
	v1 =	vor.u32 $0x6, v35  }
0x101: {  	v38 =	vshll.u32 v28, $0x3;
	v34 =	vor.u32 $0x5, v35;
	v7 =	vor.u32 v1, v3  }
0x102: {  	v61 =	vadd.s32 $0x82, v28;
	v40 =	vor.u32 $0x2, v35;
	v31 =	vor.u32 v34, v3  }
0x103: {  	v60 =	vor.u32 $0x3, v35;
	v49 =	vand.u32 $0xFFFFFC00, v38;
	v37 =	vor.u32 v40, v3  }
0x104: {  	v50 =	vadd.s32 $0x83, v28;
	v39 =	vor.u32 v60, v3;
	v48 =	vadd.s32 v23, v49;
	v26 =	vld.idx.msk [tilespmem:v26+s18+$0x0], $0xffff  }
0x105: {  	v54 =	vadd.s32 $0x81, v28;
	v47 =	vor.u32 $0x1, v35;
	v30 =	vld.idx.msk [tilespmem:v30+s18+$0x0], $0xffff;
	v62 =	vor.u32 v1, v48  }
0x106: {  	v41 =	vand.u32 $0x7E, v33;
	v43 =	vand.u32 $0x7C, v46;
	v25 =	vld.idx.msk [tilespmem:v7+s18+$0x0], $0xffff;
	v7 =	vor.u32 v35, v3  }
0x107: {  	v42 =	vand.u32 $0x7D, v52;
	v45 =	vshll.u32 v33, $0x3;
	v31 =	vld.idx.msk [tilespmem:v31+s18+$0x0], $0xffff;
	v3 =	vor.u32 v47, v3  }
0x108: {  	v44 =	vshll.u32 v36, $0x3;
	v53 =	vand.u32 $0x7A, v61;
	v57 =	vor.u32 v6, v48;
	v37 =	vld.idx.msk [tilespmem:v37+s18+$0x0], $0xffff  }
0x109: {  	v51 =	vand.u32 $0x7B, v50;
	v55 =	vshll.u32 v46, $0x3;
	v56 =	vor.u32 v32, v48;
	v38 =	vld.idx.msk [tilespmem:v39+s18+$0x0], $0xffff  }
0x10a: {  	v52 =	vshll.u32 v52, $0x3;
	v33 =	vimm.f32 $0.0e+00;
	v58 =	vor.u32 v34, v48;
	v46 =	vld.idx.msk [tilespmem:v62+s19+$0x0], $0xffff  }
0x10b: {  	v59 =	vor.u32 v40, v48;
	v6 =	vand.u32 $0x79, v54;
	v34 =	vimm.f32 $0.0e+00;
	v39 =	vld.idx.msk [tilespmem:v7+s18+$0x0], $0xffff  }
0x10c: {  	s22 =	simm.s32 $0xF;
	v32 =	vimm.f32 $0.0e+00;
	v1 =	vshll.u32 v61, $0x3;
	v40 =	vld.idx.msk [tilespmem:v3+s18+$0x0], $0xffff;
	v7 =	vor.u32 v60, v48  }
.LBB2_5:
0x10d: {  	p0 =	sne.s32 s22, $0x1;
	v3 =	vor.u32 v35, v48;
	v49 =	vadd.s32 v29, v49;
	v54 =	vshll.u32 v54, $0x3;
	v57 =	vld.idx.msk [tilespmem:v57+s19+$0x0], $0xffff  }
0x10e: {  	v50 =	vshll.u32 v50, $0x3;
	v35 =	vor.u32 v35, v49;
	v49 =	vand.u32 $0xFFFFFC00, v54;
	v54 =	vld.idx.msk [tilespmem:v56+s19+$0x0], $0xffff  }
0x10f: {  	v47 =	vor.u32 v47, v48;
	v1 =	vand.u32 $0xFFFFFC00, v1;
	v48 =	vadd.s32 v23, v49;
	v49 =	vld.idx.msk [tilespmem:v58+s19+$0x0], $0xffff  }
0x110: {  	v1 =	vadd.s32 v23, v1;
	v50 =	vand.u32 $0xFFFFFC00, v50;
	v6 =	vor.u32 v6, v48;
	v48 =	vld.idx.msk [tilespmem:v59+s19+$0x0], $0xffff  }
0x111: {  	v1 =	vor.u32 v53, v1;
	v50 =	vadd.s32 v23, v50;
	v53 =	vand.u32 $0xFFFFFC00, v55;
	v7 =	vld.idx.msk [tilespmem:v7+s19+$0x0], $0xffff  }
0x112: {  	v52 =	vand.u32 $0xFFFFFC00, v52;
	v50 =	vor.u32 v51, v50;
	v51 =	vadd.s32 v23, v53;
	v3 =	vld.idx.msk [tilespmem:v3+s19+$0x0], $0xffff  }
0x113: {  	v45 =	vand.u32 $0xFFFFFC00, v45;
	v43 =	vor.u32 v43, v51;
	v53 =	vld.idx.msk [tilespmem:v35+s19+$0x0], $0xffff;
	v35 =	vadd.s32 v23, v52  }
0x114: {  	v44 =	vand.u32 $0xFFFFFC00, v44;
	v47 =	vld.idx.msk [tilespmem:v47+s19+$0x0], $0xffff;
	v42 =	vor.u32 v42, v35;
	v35 =	vadd.s32 v23, v45  }
0x115: {  	v6 =	vld.idx.msk [tilespmem:v6+s19+$0x0], $0xffff;
	v41 =	vor.u32 v41, v35;
	v35 =	vand.u32 $0x7F, v36;
	v36 =	vadd.s32 v23, v44  }
0x116: {  	v1 =	vld.idx.msk [tilespmem:v1+s19+$0x0], $0xffff;
	v36 =	vor.u32 v35, v36  }
0x117: {  	v28 =	vadd.s32 $0x8, v28;
	v45 =	vmul.f32 v46, v25;
	v46 =	vmul.f32 v57, v26;
	v44 =	vld.idx.msk [tilespmem:v50+s19+$0x0], $0xffff  }
0x118: {  	v49 =	vmul.f32 v49, v31;
	v35 =	vand.u32 $0x78, v28;
	v50 =	vmul.f32 v54, v30;
	v43 =	vld.idx.msk [tilespmem:v43+s19+$0x0], $0xffff  }
0x119: {  	v51 =	vand.u32 $0xFFFFFF80, v28;
	v48 =	vmul.f32 v48, v37;
	v7 =	vmul.f32 v7, v38;
	v42 =	vld.idx.msk [tilespmem:v42+s19+$0x0], $0xffff  }
0x11a: {  	v52 =	vor.u32 $0x6, v35;
	v3 =	vmul.f32 v3, v39;
	v39 =	vmul.f32 v53, v39;
	v41 =	vld.idx.msk [tilespmem:v41+s19+$0x0], $0xffff  }
0x11b: {  	v53 =	vor.u32 $0x7, v35;
	v47 =	vmul.f32 v47, v40;
	v6 =	vmul.f32 v6, v40;
	v36 =	vld.idx.msk [tilespmem:v36+s19+$0x0], $0xffff  }
0x11c: {  	v3 =	vadd.f32 v3, v24;
	v24 =	vadd.f32 v39, v34;
	v1 =	vmul.f32 v1, v37  }
0x11d: {  	v32 =	vadd.f32 v47, v32;
	v6 =	vadd.f32 v6, v33;
	v33 =	vmul.f32 v44, v38  }
0x11e: {  	v3 =	vadd.f32 v48, v3;
	v1 =	vadd.f32 v1, v24;
	v24 =	vmul.f32 v43, v30  }
0x11f: {  	v7 =	vadd.f32 v7, v32;
	v6 =	vadd.f32 v33, v6;
	v30 =	vmul.f32 v42, v31  }
0x120: {  	v3 =	vadd.f32 v50, v3;
	v1 =	vadd.f32 v24, v1;
	v25 =	vmul.f32 v41, v25  }
0x121: {  	v7 =	vadd.f32 v49, v7;
	v6 =	vadd.f32 v30, v6;
	v26 =	vmul.f32 v36, v26  }
0x122: {  	v24 =	vadd.f32 v45, v3;
	v30 =	vadd.s32 v27, v51;
	v34 =	vadd.f32 v25, v1  }
0x123: {  	v1 =	vor.u32 v52, v30;
	v32 =	vadd.f32 v46, v7;
	v33 =	vadd.f32 v26, v6  }
0x124: {  	v3 =	vor.u32 $0x4, v35;
	v7 =	vor.u32 v53, v30;
	v6 =	vadd.s32 $0x86, v28  }
0x125: {  	v40 =	vor.u32 $0x5, v35;
	v36 =	vadd.s32 $0x87, v28;
	v31 =	vor.u32 v3, v30  }
0x126: {  	v55 =	vadd.s32 $0x84, v28;
	v46 =	vor.u32 $0x2, v35;
	v37 =	vor.u32 v40, v30  }
0x127: {  	v61 =	vadd.s32 $0x85, v28;
	v60 =	vor.u32 $0x3, v35;
	v38 =	vor.u32 v46, v30  }
0x128: {  	v62 =	vadd.s32 $0x82, v28;
	v39 =	vor.u32 v60, v30;
	v26 =	vshll.u32 v28, $0x3;
	v25 =	vld.idx.msk [tilespmem:v1+s18+$0x0], $0xffff  }
0x129: {  	v47 =	vor.u32 $0x1, v35;
	v49 =	vand.u32 $0xFFFFFC00, v26;
	v1 =	vor.u32 v35, v30;
	v26 =	vld.idx.msk [tilespmem:v7+s18+$0x0], $0xffff  }
0x12a: {  	v50 =	vadd.s32 $0x83, v28;
	v48 =	vadd.s32 v23, v49;
	v7 =	vor.u32 v47, v30;
	v30 =	vld.idx.msk [tilespmem:v31+s18+$0x0], $0xffff  }
0x12b: {  	v54 =	vadd.s32 $0x81, v28;
	v41 =	vand.u32 $0x7E, v6;
	v63 =	vor.u32 v52, v48;
	v31 =	vld.idx.msk [tilespmem:v37+s18+$0x0], $0xffff  }
.Ltmp0:
0x12c: {  	v43 =	vand.u32 $0x7C, v55;
	v42 =	vand.u32 $0x7D, v61;
	v57 =	vor.u32 v53, v48;
	v37 =	vld.idx.msk [tilespmem:v38+s18+$0x0], $0xffff;
	(pc) =	sbr.rel @p0 .LBB2_5-.Ltmp0, $4  }
0x12d: {  	v44 =	vshll.u32 v36, $0x3;
	v45 =	vshll.u32 v6, $0x3;
	v56 =	vor.u32 v3, v48;
	v38 =	vld.idx.msk [tilespmem:v39+s18+$0x0], $0xffff  }
0x12e: {  	v51 =	vand.u32 $0x7B, v50;
	v53 =	vand.u32 $0x7A, v62;
	v58 =	vor.u32 v40, v48;
	v39 =	vld.idx.msk [tilespmem:v1+s18+$0x0], $0xffff  }
0x12f: {  	v55 =	vshll.u32 v55, $0x3;
	v59 =	vor.u32 v46, v48;
	v52 =	vshll.u32 v61, $0x3;
	v40 =	vld.idx.msk [tilespmem:v7+s18+$0x0], $0xffff  }
0x130: {  	s22 =	sadd.s32 $0xFFFFFFFF, s22;
	v6 =	vand.u32 $0x79, v54;
	v1 =	vshll.u32 v62, $0x3;
	v7 =	vor.u32 v60, v48;
	v46 =	vld.idx.msk [tilespmem:v63+s19+$0x0], $0xffff  }
0x131: {  	_ =	sdelay $0x2  }
0x132: {  	v3 =	vor.u32 v35, v48  }
0x133: {  	v27 =	vadd.s32 v29, v49;
	v28 =	vshll.u32 v54, $0x3;
	v29 =	vld.idx.msk [tilespmem:v57+s19+$0x0], $0xffff;
	v47 =	vor.u32 v47, v48  }
0x134: {  	v56 =	vld.idx.msk [tilespmem:v56+s19+$0x0], $0xffff;
	v27 =	vor.u32 v35, v27;
	v28 =	vand.u32 $0xFFFFFC00, v28  }
0x135: {  	v54 =	vshll.u32 v50, $0x3;
	v1 =	vand.u32 $0xFFFFFC00, v1;
	v57 =	vld.idx.msk [tilespmem:v58+s19+$0x0], $0xffff;
	v28 =	vadd.s32 v23, v28  }
0x136: {  	v1 =	vadd.s32 v23, v1;
	v35 =	vand.u32 $0xFFFFFC00, v54;
	v6 =	vor.u32 v6, v28;
	v28 =	vld.idx.msk [tilespmem:v59+s19+$0x0], $0xffff  }
0x137: {  	v58 =	vand.u32 $0xFFFFFC00, v55;
	v1 =	vor.u32 v53, v1;
	v35 =	vadd.s32 v23, v35;
	v3 =	vld.idx.msk [tilespmem:v3+s19+$0x0], $0xffff  }
0x138: {  	v50 =	vadd.s32 v23, v58;
	v35 =	vor.u32 v51, v35;
	v59 =	vand.u32 $0xFFFFFC00, v52;
	v47 =	vld.idx.msk [tilespmem:v47+s19+$0x0], $0xffff  }
0x139: {  	v45 =	vand.u32 $0xFFFFFC00, v45;
	v43 =	vor.u32 v43, v50;
	v60 =	vadd.s32 v23, v59;
	v27 =	vld.idx.msk [tilespmem:v27+s19+$0x0], $0xffff  }
0x13a: {  	v7 =	vld.idx.msk [tilespmem:v7+s19+$0x0], $0xffff;
	v44 =	vand.u32 $0xFFFFFC00, v44;
	v45 =	vadd.s32 v23, v45;
	v42 =	vor.u32 v42, v60  }
0x13b: {  	v36 =	vand.u32 $0x7F, v36;
	v41 =	vor.u32 v41, v45;
	v23 =	vadd.s32 v23, v44;
	v6 =	vld.idx.msk [tilespmem:v6+s19+$0x0], $0xffff  }
0x13c: {  	v61 =	vmul.f32 v46, v25;
	v23 =	vor.u32 v36, v23;
	v29 =	vmul.f32 v29, v26;
	v1 =	vld.idx.msk [tilespmem:v1+s19+$0x0], $0xffff  }
0x13d: {  	v62 =	vmul.f32 v56, v30;
	v35 =	vld.idx.msk [tilespmem:v35+s19+$0x0], $0xffff;
	v3 =	vmul.f32 v3, v39  }
0x13e: {  	v43 =	vld.idx.msk [tilespmem:v43+s19+$0x0], $0xffff;
	v49 =	vmul.f32 v47, v40;
	v27 =	vmul.f32 v27, v39  }
0x13f: {  	v7 =	vmul.f32 v7, v38;
	v28 =	vmul.f32 v28, v37;
	v42 =	vld.idx.msk [tilespmem:v42+s19+$0x0], $0xffff;
	v3 =	vadd.f32 v3, v24  }
0x140: {  	v48 =	vld.idx.msk [tilespmem:v41+s19+$0x0], $0xffff;
	v6 =	vmul.f32 v6, v40;
	v24 =	vadd.f32 v27, v34;
	v27 =	vadd.f32 v49, v32  }
0x141: {  	v63 =	vmul.f32 v57, v31;
	v23 =	vld.idx.msk [tilespmem:v23+s19+$0x0], $0xffff;
	v1 =	vmul.f32 v1, v37;
	v3 =	vadd.f32 v28, v3  }
0x142: {  	v50 =	vmul.f32 v35, v38;
	v6 =	vadd.f32 v6, v33;
	v7 =	vadd.f32 v7, v27  }
0x143: {  	v1 =	vadd.f32 v1, v24;
	v24 =	vmul.f32 v43, v30;
	v3 =	vadd.f32 v62, v3  }
0x144: {  	v27 =	vmul.f32 v42, v31;
	v6 =	vadd.f32 v50, v6;
	v7 =	vadd.f32 v63, v7  }
0x145: {  	v1 =	vadd.f32 v24, v1;
	v24 =	vmul.f32 v48, v25;
	v3 =	vadd.f32 v61, v3  }
0x146: {  	v0 =	vld [tilespmem:$0x1FF40];
	v23 =	vmul.f32 v23, v26;
	v6 =	vadd.f32 v27, v6;
	v7 =	vadd.f32 v29, v7  }
0x147: {  	v58 =	vld [tilespmem:$0x1FF50];
	v1 =	vadd.f32 v24, v1  }
0x148: {  	v6 =	vadd.f32 v23, v6;
	v3 =	vadd.f32 v7, v3  }
0x149: {  	s20 =	sor.u32 s15, s20  }
0x14a: {  	v51 =	vmov s20;
	v1 =	vadd.f32 v6, v1;
	v7 =	vmul.f32 v3, v18  }
0x14b: {  	v6 =	vmul.u32 $0x5, v51;
	v25 =	vmul.f32 v3, v17;
	v27 =	vmul.f32 v3, v16  }
0x14c: {  	v55 =	vmul.f32 v3, v0;
	v3 =	vmul.f32 v3, v58  }
0x14d: {  	v24 =	vmul.f32 v1, v22;
	v6 =	vbroadcast v6, $0x0  }
0x14e: {  	v23 =	vmul.u32 $0x5, v12;
	v26 =	vmul.f32 v1, v20;
	v29 =	vmul.f32 v1, v19  }
0x14f: {  	v56 =	vmul.f32 v1, v15;
	v1 =	vmul.f32 v1, v13  }
0x150: {  	v59 =	vld [tilespmem:$0x1FF60];
	v7 =	vadd.f32 v24, v7;
	v28 =	vadd.s32 v23, v6;
	v24 =	vadd.s32 $0x1, v23  }
0x151: {  	v61 =	vld [tilespmem:$0x1FF70];
	v52 =	vadd.f32 v26, v25;
	v25 =	vadd.s32 $0x2, v23;
	v53 =	vadd.s32 v24, v6  }
0x152: {  	v63 =	vld [tilespmem:$0x1FF80];
	v29 =	vadd.f32 v29, v27;
	v26 =	vadd.s32 $0x3, v23;
	v54 =	vadd.s32 v25, v6  }
0x153: {  	s21 =	sadd.s32 $0x1, s21;
	v27 =	vadd.s32 $0x4, v23;
	v57 =	vadd.s32 v26, v6;
	v7 =	vadd.f32 v7, v21  }
0x154: {  	p0 =	sne.s32 s21, $0x8;
	v33 =	vadd.f32 v56, v55;
	v6 =	vadd.s32 v27, v6;
	v30 =	vadd.f32 v52, v14  }
.Ltmp1:
0x155: {  	v1 =	vadd.f32 v1, v3;
	v60 =	vadd.f32 v29, v59;
	[tilespmem:v28+s12+$0x0] =	vst.idx.msk $0xffff, v7;
	(pc) =	sbr.rel @p0 .LBB2_4-.Ltmp1, $4  }
0x156: {  	v62 =	vadd.f32 v33, v61;
	[tilespmem:v53+s12+$0x0] =	vst.idx.msk $0xffff, v30  }
0x157: {  	v1 =	vadd.f32 v1, v63;
	[tilespmem:v54+s12+$0x0] =	vst.idx.msk $0xffff, v60  }
0x158: {  	[tilespmem:v57+s12+$0x0] =	vst.idx.msk $0xffff, v62  }
0x159: {  	[tilespmem:v6+s12+$0x0] =	vst.idx.msk $0xffff, v1  }
0x15a: {  	p0 =	seq.s32 s7, $0x7  }
.Ltmp2:
0x15b: {  	_ = 	snop;
	(pc) =	sbr.rel @p0 .LBB2_9-.Ltmp2, $1  }
0x15c: {  	_ =	sdelay $0x3  }
0x15d: {  	s20 =	sadd.s32 $0x100, s15  }
0x15e: {  	[tilespmem:s18], [sflag:$0x1] =	stream.indirect.gather [hbm4b:s3+s17], $0x80, s20, s17, $0xb8;
	[tilespmem:$0x1C000] =	vst v63  }
0x15f: {  	v1 =	vld [tilespmem:s15+$0x900];
	_ =	sdelay $0x4  }
0x160: {  	v0 =	vld [tilespmem:$0x1FF90];
	v3 =	vshll.u32 v1, $0x1  }
0x161: {  	v1 =	vand.u32 $0x7, v1;
	v3 =	vand.u32 $0xFFFFFFF0, v3  }
0x162: {  	v1 =	vor.u32 v1, v3  }
0x163: {  	v3 =	vperm.xlane v1, v10;
	_ =	sdelay $0x1  }
0x164: {  	v1 =	vperm.xlane v1, v0;
	v3 =	vadd.s32 v11, v3;
	_ =	sdelay $0x1  }
0x165: {  	v1 =	vadd.s32 v11, v1;
	_ =	sdelay $0x2  }
0x166: {  	[tilespmem:s19], [sflag:$0x3] =	stream.indirect_vreg.gather [hbm4b:s1+s4], $0x80, v3, vm0, $0xb8;
	[tilespmem:$0x1C000] =	vst v63  }
0x167: {  	s21 =	simm.s32 $0x9800  }
0x168: {  	[tilespmem:s21], [sflag:$0x3] =	stream.indirect_vreg.gather [hbm4b:s1+s4], $0x80, v1, vm0, $0xb8;
	[tilespmem:$0x1C000] =	vst v63  }
0x169: {  	v1 =	vld [tilespmem:s15+$0x910];
	_ =	sdelay $0x4  }
0x16a: {  	v57 =	vshll.u32 v1, $0x1  }
0x16b: {  	v1 =	vand.u32 $0x7, v1;
	v3 =	vand.u32 $0xFFFFFFF0, v57  }
0x16c: {  	v1 =	vor.u32 v1, v3  }
0x16d: {  	v3 =	vperm.xlane v1, v10;
	_ =	sdelay $0x1  }
0x16e: {  	v1 =	vperm.xlane v1, v0;
	v3 =	vadd.s32 v11, v3;
	_ =	sdelay $0x1  }
0x16f: {  	v1 =	vadd.s32 v11, v1;
	_ =	sdelay $0x1  }
0x170: {  	s22 =	simm.s32 $0xA000  }
0x171: {  	[tilespmem:s22], [sflag:$0x3] =	stream.indirect_vreg.gather [hbm4b:s1+s4], $0x80, v3, vm0, $0xb8;
	[tilespmem:$0x1C000] =	vst v63  }
0x172: {  	s21 =	simm.s32 $0xA800  }
0x173: {  	[tilespmem:s21], [sflag:$0x3] =	stream.indirect_vreg.gather [hbm4b:s1+s4], $0x80, v1, vm0, $0xb8;
	[tilespmem:$0x1C000] =	vst v63  }
0x174: {  	s22 =	sadd.s32 $0x120, s15;
	s21 =	simm.s32 $0x2000  }
0x175: {  	[tilespmem:s21], [sflag:$0x1] =	stream.indirect.gather [hbm4b:s3+s17], $0x80, s22, s17, $0xb8;
	[tilespmem:$0x1C000] =	vst v63  }
0x176: {  	v1 =	vld [tilespmem:s15+$0x920];
	_ =	sdelay $0x4  }
0x177: {  	v58 =	vshll.u32 v1, $0x1  }
0x178: {  	v1 =	vand.u32 $0x7, v1;
	v3 =	vand.u32 $0xFFFFFFF0, v58  }
0x179: {  	v1 =	vor.u32 v1, v3  }
0x17a: {  	v3 =	vperm.xlane v1, v10;
	_ =	sdelay $0x1  }
0x17b: {  	v1 =	vperm.xlane v1, v0;
	v3 =	vadd.s32 v11, v3;
	_ =	sdelay $0x1  }
0x17c: {  	v1 =	vadd.s32 v11, v1;
	_ =	sdelay $0x1  }
0x17d: {  	s21 =	simm.s32 $0xB000  }
0x17e: {  	[tilespmem:s21], [sflag:$0x3] =	stream.indirect_vreg.gather [hbm4b:s1+s4], $0x80, v3, vm0, $0xb8;
	[tilespmem:$0x1C000] =	vst v63  }
0x17f: {  	s22 =	simm.s32 $0xB800  }
0x180: {  	[tilespmem:s22], [sflag:$0x3] =	stream.indirect_vreg.gather [hbm4b:s1+s4], $0x80, v1, vm0, $0xb8;
	[tilespmem:$0x1C000] =	vst v63  }
0x181: {  	v1 =	vld [tilespmem:s15+$0x930];
	_ =	sdelay $0x4  }
0x182: {  	v59 =	vshll.u32 v1, $0x1  }
0x183: {  	v1 =	vand.u32 $0x7, v1;
	v3 =	vand.u32 $0xFFFFFFF0, v59  }
0x184: {  	v1 =	vor.u32 v1, v3  }
0x185: {  	v3 =	vperm.xlane v1, v10;
	_ =	sdelay $0x1  }
0x186: {  	v1 =	vperm.xlane v1, v0;
	v3 =	vadd.s32 v11, v3;
	_ =	sdelay $0x1  }
0x187: {  	v1 =	vadd.s32 v11, v1;
	_ =	sdelay $0x1  }
0x188: {  	s21 =	simm.s32 $0xC000  }
0x189: {  	[tilespmem:s21], [sflag:$0x3] =	stream.indirect_vreg.gather [hbm4b:s1+s4], $0x80, v3, vm0, $0xb8;
	[tilespmem:$0x1C000] =	vst v63  }
0x18a: {  	s22 =	simm.s32 $0xC800  }
0x18b: {  	[tilespmem:s22], [sflag:$0x3] =	stream.indirect_vreg.gather [hbm4b:s1+s4], $0x80, v1, vm0, $0xb8;
	[tilespmem:$0x1C000] =	vst v63  }
0x18c: {  	s21 =	sadd.s32 $0x140, s15;
	s22 =	simm.s32 $0x3000  }
0x18d: {  	[tilespmem:s22], [sflag:$0x1] =	stream.indirect.gather [hbm4b:s3+s17], $0x80, s21, s17, $0xb8;
	[tilespmem:$0x1C000] =	vst v63  }
0x18e: {  	v1 =	vld [tilespmem:s15+$0x940];
	_ =	sdelay $0x4  }
0x18f: {  	v60 =	vshll.u32 v1, $0x1  }
0x190: {  	v1 =	vand.u32 $0x7, v1;
	v3 =	vand.u32 $0xFFFFFFF0, v60  }
0x191: {  	v1 =	vor.u32 v1, v3  }
0x192: {  	v3 =	vperm.xlane v1, v10;
	_ =	sdelay $0x1  }
0x193: {  	v1 =	vperm.xlane v1, v0;
	v3 =	vadd.s32 v11, v3;
	_ =	sdelay $0x1  }
0x194: {  	v1 =	vadd.s32 v11, v1;
	_ =	sdelay $0x1  }
0x195: {  	s21 =	simm.s32 $0xD000  }
0x196: {  	[tilespmem:s21], [sflag:$0x3] =	stream.indirect_vreg.gather [hbm4b:s1+s4], $0x80, v3, vm0, $0xb8;
	[tilespmem:$0x1C000] =	vst v63  }
0x197: {  	s22 =	simm.s32 $0xD800  }
0x198: {  	[tilespmem:s22], [sflag:$0x3] =	stream.indirect_vreg.gather [hbm4b:s1+s4], $0x80, v1, vm0, $0xb8;
	[tilespmem:$0x1C000] =	vst v63  }
0x199: {  	v1 =	vld [tilespmem:s15+$0x950];
	_ =	sdelay $0x4  }
0x19a: {  	v61 =	vshll.u32 v1, $0x1  }
0x19b: {  	v1 =	vand.u32 $0x7, v1;
	v3 =	vand.u32 $0xFFFFFFF0, v61  }
0x19c: {  	v1 =	vor.u32 v1, v3  }
0x19d: {  	v3 =	vperm.xlane v1, v10;
	_ =	sdelay $0x1  }
0x19e: {  	v1 =	vperm.xlane v1, v0;
	v3 =	vadd.s32 v11, v3;
	_ =	sdelay $0x1  }
0x19f: {  	v1 =	vadd.s32 v11, v1;
	_ =	sdelay $0x1  }
0x1a0: {  	s21 =	simm.s32 $0xE000  }
0x1a1: {  	[tilespmem:s21], [sflag:$0x3] =	stream.indirect_vreg.gather [hbm4b:s1+s4], $0x80, v3, vm0, $0xb8;
	[tilespmem:$0x1C000] =	vst v63  }
0x1a2: {  	s22 =	simm.s32 $0xE800  }
0x1a3: {  	[tilespmem:s22], [sflag:$0x3] =	stream.indirect_vreg.gather [hbm4b:s1+s4], $0x80, v1, vm0, $0xb8;
	[tilespmem:$0x1C000] =	vst v63  }
0x1a4: {  	s21 =	sadd.s32 $0x160, s15;
	s22 =	simm.s32 $0x4000  }
0x1a5: {  	[tilespmem:s22], [sflag:$0x1] =	stream.indirect.gather [hbm4b:s3+s17], $0x80, s21, s17, $0xb8;
	[tilespmem:$0x1C000] =	vst v63  }
0x1a6: {  	v1 =	vld [tilespmem:s15+$0x960];
	_ =	sdelay $0x4  }
0x1a7: {  	v62 =	vshll.u32 v1, $0x1  }
0x1a8: {  	v1 =	vand.u32 $0x7, v1;
	v3 =	vand.u32 $0xFFFFFFF0, v62  }
0x1a9: {  	v1 =	vor.u32 v1, v3  }
0x1aa: {  	v3 =	vperm.xlane v1, v10;
	_ =	sdelay $0x1  }
0x1ab: {  	v1 =	vperm.xlane v1, v0;
	v3 =	vadd.s32 v11, v3;
	_ =	sdelay $0x1  }
0x1ac: {  	v1 =	vadd.s32 v11, v1;
	_ =	sdelay $0x1  }
0x1ad: {  	s21 =	simm.s32 $0xF000  }
0x1ae: {  	[tilespmem:s21], [sflag:$0x3] =	stream.indirect_vreg.gather [hbm4b:s1+s4], $0x80, v3, vm0, $0xb8;
	[tilespmem:$0x1C000] =	vst v63  }
0x1af: {  	s22 =	simm.s32 $0xF800  }
0x1b0: {  	[tilespmem:s22], [sflag:$0x3] =	stream.indirect_vreg.gather [hbm4b:s1+s4], $0x80, v1, vm0, $0xb8;
	[tilespmem:$0x1C000] =	vst v63  }
0x1b1: {  	v1 =	vld [tilespmem:s15+$0x970];
	_ =	sdelay $0x4  }
0x1b2: {  	v63 =	vshll.u32 v1, $0x1  }
0x1b3: {  	v1 =	vand.u32 $0x7, v1;
	v3 =	vand.u32 $0xFFFFFFF0, v63  }
0x1b4: {  	v1 =	vor.u32 v1, v3  }
0x1b5: {  	v3 =	vperm.xlane v1, v10;
	_ =	sdelay $0x1  }
0x1b6: {  	v1 =	vperm.xlane v1, v0;
	v3 =	vadd.s32 v11, v3;
	_ =	sdelay $0x1  }
0x1b7: {  	v1 =	vadd.s32 v11, v1;
	_ =	sdelay $0x1  }
0x1b8: {  	s21 =	simm.s32 $0x10000  }
0x1b9: {  	[tilespmem:s21], [sflag:$0x3] =	stream.indirect_vreg.gather [hbm4b:s1+s4], $0x80, v3, vm0, $0xb8;
	[tilespmem:$0x1C000] =	vst v63  }
0x1ba: {  	s22 =	simm.s32 $0x10800  }
0x1bb: {  	[tilespmem:s22], [sflag:$0x3] =	stream.indirect_vreg.gather [hbm4b:s1+s4], $0x80, v1, vm0, $0xb8;
	[tilespmem:$0x1C000] =	vst v63  }
.LBB2_9:
0x1bc: {  	_ =	swait.ge [sflag:s13], $0x4000  }
0x1bd: {  	[sflag:s13] =	ssyncset.done $0x0  }
0x1be: {  	[sflag:s13] =	ssyncadd.s32 $0xFFFFC000  }
0x1bf: {  	_ =	swait.ge [sflag:s16], $0x8000  }
0x1c0: {  	[sflag:s16] =	ssyncset.done $0x0  }
0x1c1: {  	s15 =	simm.s32 $0x0;
	[sflag:s16] =	ssyncadd.s32 $0xFFFF8000  }
.LBB2_10:
0x1c2: {  	v0 =	vld [tilespmem:$0x1FFA0]  }
0x1c3: {  	s20 =	sshll.u32 s15, $0x4  }
0x1c4: {  	v1 =	vor.u32 s20, v12  }
0x1c5: {  	v3 =	vshll.u32 v1, $0x8  }
0x1c6: {  	v32 =	vshll.u32 v1, $0x7;
	v1 =	vand.u32 $0x7800, v3  }
0x1c7: {  	v33 =	vimm.s32 $0x0;
	v28 =	vor.u32 v0, v1;
	v0 =	vld [tilespmem:$0x1FFB0]  }
0x1c8: {  	v29 =	vimm.f32 $0.0e+00;
	v40 =	vand.u32 $0x78, v33  }
0x1c9: {  	v38 =	vadd.s32 $0x86, v33;
	v41 =	vadd.s32 $0x87, v33;
	v3 =	vand.u32 $0xFFFFFF80, v33  }
0x1ca: {  	v51 =	vadd.s32 $0x84, v33;
	v6 =	vor.u32 $0x7, v40;
	v3 =	vadd.s32 v32, v3  }
0x1cb: {  	v57 =	vadd.s32 $0x85, v33;
	v37 =	vor.u32 $0x4, v40;
	v31 =	vor.u32 v6, v3  }
0x1cc: {  	v35 =	vor.u32 v37, v3;
	v34 =	vor.u32 v0, v1;
	v1 =	vor.u32 $0x6, v40  }
0x1cd: {  	v43 =	vshll.u32 v33, $0x3;
	v39 =	vor.u32 $0x5, v40;
	v7 =	vor.u32 v1, v3  }
0x1ce: {  	v55 =	vadd.s32 $0x83, v33;
	v45 =	vor.u32 $0x2, v40;
	v36 =	vor.u32 v39, v3  }
0x1cf: {  	v2 =	vor.u32 $0x3, v40;
	v54 =	vand.u32 $0xFFFFFC00, v43;
	v42 =	vor.u32 v45, v3  }
0x1d0: {  	v59 =	vadd.s32 $0x81, v33;
	v44 =	vor.u32 v2, v3;
	v53 =	vadd.s32 v28, v54;
	v31 =	vld.idx.msk [tilespmem:v31+s29+$0x0], $0xffff  }
0x1d1: {  	v52 =	vor.u32 $0x1, v40;
	v46 =	vand.u32 $0x7E, v38;
	v35 =	vld.idx.msk [tilespmem:v35+s29+$0x0], $0xffff;
	v4 =	vor.u32 v1, v53  }
0x1d2: {  	v48 =	vand.u32 $0x7C, v51;
	v47 =	vand.u32 $0x7D, v57;
	v30 =	vld.idx.msk [tilespmem:v7+s29+$0x0], $0xffff;
	v7 =	vor.u32 v40, v3  }
0x1d3: {  	v50 =	vshll.u32 v38, $0x3;
	v49 =	vshll.u32 v41, $0x3;
	v36 =	vld.idx.msk [tilespmem:v36+s29+$0x0], $0xffff;
	v3 =	vor.u32 v52, v3  }
0x1d4: {  	v56 =	vand.u32 $0x7B, v55;
	v60 =	vshll.u32 v51, $0x3;
	v62 =	vor.u32 v6, v53;
	v42 =	vld.idx.msk [tilespmem:v42+s29+$0x0], $0xffff  }
0x1d5: {  	v57 =	vshll.u32 v57, $0x3;
	v38 =	vimm.f32 $0.0e+00;
	v61 =	vor.u32 v37, v53;
	v43 =	vld.idx.msk [tilespmem:v44+s29+$0x0], $0xffff  }
0x1d6: {  	v63 =	vor.u32 v39, v53;
	v6 =	vor.u32 v2, v53;
	v39 =	vimm.f32 $0.0e+00;
	v51 =	vld.idx.msk [tilespmem:v4+s8+$0x0], $0xffff  }
0x1d7: {  	v37 =	vimm.f32 $0.0e+00;
	v0 =	vadd.s32 $0x82, v33;
	v44 =	vld.idx.msk [tilespmem:v7+s29+$0x0], $0xffff;
	v7 =	vor.u32 v45, v53  }
0x1d8: {  	s21 =	simm.s32 $0xF;
	v58 =	vand.u32 $0x7A, v0;
	v1 =	vand.u32 $0x79, v59;
	v45 =	vld.idx.msk [tilespmem:v3+s29+$0x0], $0xffff;
	v3 =	vshll.u32 v0, $0x3  }
.LBB2_11:
0x1d9: {  	p0 =	sne.s32 s21, $0x1;
	v0 =	vor.u32 v40, v53;
	v2 =	vadd.s32 v34, v54;
	v4 =	vshll.u32 v59, $0x3;
	v54 =	vld.idx.msk [tilespmem:v62+s8+$0x0], $0xffff  }
0x1da: {  	v2 =	vor.u32 v40, v2;
	v4 =	vand.u32 $0xFFFFFC00, v4;
	v40 =	vshll.u32 v55, $0x3;
	v55 =	vld.idx.msk [tilespmem:v61+s8+$0x0], $0xffff  }
0x1db: {  	v52 =	vor.u32 v52, v53;
	v3 =	vand.u32 $0xFFFFFC00, v3;
	v4 =	vadd.s32 v28, v4;
	v53 =	vld.idx.msk [tilespmem:v63+s8+$0x0], $0xffff  }
0x1dc: {  	v3 =	vadd.s32 v28, v3;
	v1 =	vor.u32 v1, v4;
	v4 =	vld.idx.msk [tilespmem:v7+s8+$0x0], $0xffff;
	v7 =	vand.u32 $0xFFFFFC00, v40  }
0x1dd: {  	v3 =	vor.u32 v58, v3;
	v40 =	vand.u32 $0xFFFFFC00, v60;
	v6 =	vld.idx.msk [tilespmem:v6+s8+$0x0], $0xffff;
	v7 =	vadd.s32 v28, v7  }
0x1de: {  	v40 =	vadd.s32 v28, v40;
	v0 =	vld.idx.msk [tilespmem:v0+s8+$0x0], $0xffff;
	v7 =	vor.u32 v56, v7;
	v56 =	vand.u32 $0xFFFFFC00, v57  }
0x1df: {  	v50 =	vand.u32 $0xFFFFFC00, v50;
	v48 =	vor.u32 v48, v40;
	v2 =	vld.idx.msk [tilespmem:v2+s8+$0x0], $0xffff;
	v40 =	vadd.s32 v28, v56  }
0x1e0: {  	v49 =	vand.u32 $0xFFFFFC00, v49;
	v52 =	vld.idx.msk [tilespmem:v52+s8+$0x0], $0xffff;
	v47 =	vor.u32 v47, v40;
	v40 =	vadd.s32 v28, v50  }
0x1e1: {  	v1 =	vld.idx.msk [tilespmem:v1+s8+$0x0], $0xffff;
	v46 =	vor.u32 v46, v40;
	v40 =	vand.u32 $0x7F, v41;
	v41 =	vadd.s32 v28, v49  }
0x1e2: {  	v3 =	vld.idx.msk [tilespmem:v3+s8+$0x0], $0xffff;
	v41 =	vor.u32 v40, v41  }
0x1e3: {  	v33 =	vadd.s32 $0x8, v33;
	v50 =	vmul.f32 v54, v31;
	v49 =	vmul.f32 v51, v30;
	v7 =	vld.idx.msk [tilespmem:v7+s8+$0x0], $0xffff  }
0x1e4: {  	v53 =	vmul.f32 v53, v36;
	v51 =	vmul.f32 v55, v35;
	v40 =	vand.u32 $0x78, v33;
	v48 =	vld.idx.msk [tilespmem:v48+s8+$0x0], $0xffff  }
0x1e5: {  	v54 =	vand.u32 $0xFFFFFF80, v33;
	v4 =	vmul.f32 v4, v42;
	v6 =	vmul.f32 v6, v43;
	v47 =	vld.idx.msk [tilespmem:v47+s8+$0x0], $0xffff  }
0x1e6: {  	v56 =	vor.u32 $0x6, v40;
	v0 =	vmul.f32 v0, v44;
	v2 =	vmul.f32 v2, v44;
	v44 =	vld.idx.msk [tilespmem:v46+s8+$0x0], $0xffff  }
0x1e7: {  	v57 =	vor.u32 $0x7, v40;
	v46 =	vmul.f32 v52, v45;
	v1 =	vmul.f32 v1, v45;
	v41 =	vld.idx.msk [tilespmem:v41+s8+$0x0], $0xffff  }
0x1e8: {  	v0 =	vadd.f32 v0, v29;
	v2 =	vadd.f32 v2, v39;
	v3 =	vmul.f32 v3, v42  }
0x1e9: {  	v29 =	vadd.f32 v46, v37;
	v1 =	vadd.f32 v1, v38;
	v7 =	vmul.f32 v7, v43  }
0x1ea: {  	v0 =	vadd.f32 v4, v0;
	v2 =	vadd.f32 v3, v2;
	v3 =	vmul.f32 v48, v35  }
0x1eb: {  	v4 =	vadd.f32 v6, v29;
	v1 =	vadd.f32 v7, v1;
	v6 =	vmul.f32 v47, v36  }
0x1ec: {  	v0 =	vadd.f32 v51, v0;
	v2 =	vadd.f32 v3, v2;
	v3 =	vmul.f32 v44, v30  }
0x1ed: {  	v4 =	vadd.f32 v53, v4;
	v1 =	vadd.f32 v6, v1;
	v6 =	vmul.f32 v41, v31  }
0x1ee: {  	v7 =	vadd.s32 v32, v54;
	v29 =	vadd.f32 v49, v0;
	v39 =	vadd.f32 v3, v2  }
0x1ef: {  	v0 =	vor.u32 v56, v7;
	v37 =	vadd.f32 v50, v4;
	v38 =	vadd.f32 v6, v1  }
0x1f0: {  	v2 =	vadd.s32 $0x86, v33;
	v3 =	vor.u32 v57, v7;
	v1 =	vor.u32 $0x4, v40  }
0x1f1: {  	v41 =	vadd.s32 $0x87, v33;
	v6 =	vor.u32 $0x5, v40;
	v4 =	vor.u32 v1, v7  }
0x1f2: {  	v60 =	vadd.s32 $0x84, v33;
	v51 =	vor.u32 $0x2, v40;
	v36 =	vor.u32 v6, v7  }
0x1f3: {  	v8 =	vadd.s32 $0x85, v33;
	v5 =	vor.u32 $0x3, v40;
	v42 =	vor.u32 v51, v7  }
0x1f4: {  	v9 =	vadd.s32 $0x82, v33;
	v43 =	vor.u32 v5, v7;
	v31 =	vshll.u32 v33, $0x3;
	v30 =	vld.idx.msk [tilespmem:v0+s29+$0x0], $0xffff  }
0x1f5: {  	v52 =	vor.u32 $0x1, v40;
	v54 =	vand.u32 $0xFFFFFC00, v31;
	v0 =	vor.u32 v40, v7;
	v31 =	vld.idx.msk [tilespmem:v3+s29+$0x0], $0xffff  }
0x1f6: {  	v55 =	vadd.s32 $0x83, v33;
	v53 =	vadd.s32 v28, v54;
	v3 =	vor.u32 v52, v7;
	v35 =	vld.idx.msk [tilespmem:v4+s29+$0x0], $0xffff  }
0x1f7: {  	v59 =	vadd.s32 $0x81, v33;
	v46 =	vand.u32 $0x7E, v2;
	v4 =	vor.u32 v56, v53;
	v36 =	vld.idx.msk [tilespmem:v36+s29+$0x0], $0xffff  }
.Ltmp3:
0x1f8: {  	v48 =	vand.u32 $0x7C, v60;
	v47 =	vand.u32 $0x7D, v8;
	v62 =	vor.u32 v57, v53;
	v42 =	vld.idx.msk [tilespmem:v42+s29+$0x0], $0xffff;
	(pc) =	sbr.rel @p0 .LBB2_11-.Ltmp3, $4  }
0x1f9: {  	v49 =	vshll.u32 v41, $0x3;
	v50 =	vshll.u32 v2, $0x3;
	v61 =	vor.u32 v1, v53;
	v43 =	vld.idx.msk [tilespmem:v43+s29+$0x0], $0xffff  }
0x1fa: {  	v58 =	vand.u32 $0x7A, v9;
	v63 =	vor.u32 v6, v53;
	v56 =	vand.u32 $0x7B, v55;
	v44 =	vld.idx.msk [tilespmem:v0+s29+$0x0], $0xffff  }
0x1fb: {  	v60 =	vshll.u32 v60, $0x3;
	v57 =	vshll.u32 v8, $0x3;
	v7 =	vor.u32 v51, v53;
	v45 =	vld.idx.msk [tilespmem:v3+s29+$0x0], $0xffff  }
0x1fc: {  	s21 =	sadd.s32 $0xFFFFFFFF, s21;
	v1 =	vand.u32 $0x79, v59;
	v6 =	vor.u32 v5, v53;
	v3 =	vshll.u32 v9, $0x3;
	v51 =	vld.idx.msk [tilespmem:v4+s8+$0x0], $0xffff  }
0x1fd: {  	_ =	sdelay $0x3  }
0x1fe: {  	v0 =	vor.u32 v40, v53;
	v2 =	vadd.s32 v34, v54;
	v4 =	vshll.u32 v59, $0x3;
	v5 =	vld.idx.msk [tilespmem:v62+s8+$0x0], $0xffff  }
0x1ff: {  	v8 =	vshll.u32 v55, $0x3;
	v9 =	vld.idx.msk [tilespmem:v61+s8+$0x0], $0xffff;
	v32 =	vor.u32 v52, v53;
	v4 =	vand.u32 $0xFFFFFC00, v4  }
0x200: {  	v3 =	vand.u32 $0xFFFFFC00, v3;
	v33 =	vld.idx.msk [tilespmem:v63+s8+$0x0], $0xffff;
	v2 =	vor.u32 v40, v2;
	v4 =	vadd.s32 v28, v4  }
0x201: {  	v55 =	vld.idx.msk [tilespmem:v7+s8+$0x0], $0xffff;
	v3 =	vadd.s32 v28, v3;
	v59 =	vand.u32 $0xFFFFFC00, v8;
	v1 =	vor.u32 v1, v4  }
0x202: {  	v6 =	vld.idx.msk [tilespmem:v6+s8+$0x0], $0xffff;
	v8 =	vand.u32 $0xFFFFFC00, v60;
	v3 =	vor.u32 v58, v3;
	v7 =	vadd.s32 v28, v59  }
0x203: {  	v60 =	vand.u32 $0xFFFFFC00, v57;
	v8 =	vadd.s32 v28, v8;
	v7 =	vor.u32 v56, v7;
	v0 =	vld.idx.msk [tilespmem:v0+s8+$0x0], $0xffff  }
0x204: {  	v61 =	vand.u32 $0xFFFFFC00, v50;
	v34 =	vadd.s32 v28, v60;
	v8 =	vor.u32 v48, v8;
	v32 =	vld.idx.msk [tilespmem:v32+s8+$0x0], $0xffff  }
0x205: {  	v62 =	vand.u32 $0xFFFFFC00, v49;
	v40 =	vadd.s32 v28, v61;
	v34 =	vor.u32 v47, v34;
	v2 =	vld.idx.msk [tilespmem:v2+s8+$0x0], $0xffff  }
0x206: {  	v41 =	vand.u32 $0x7F, v41;
	v40 =	vor.u32 v46, v40;
	v28 =	vadd.s32 v28, v62;
	v1 =	vld.idx.msk [tilespmem:v1+s8+$0x0], $0xffff  }
0x207: {  	v28 =	vor.u32 v41, v28;
	v63 =	vmul.f32 v51, v30;
	v5 =	vmul.f32 v5, v31;
	v3 =	vld.idx.msk [tilespmem:v3+s8+$0x0], $0xffff  }
0x208: {  	v9 =	vmul.f32 v9, v35;
	v7 =	vld.idx.msk [tilespmem:v7+s8+$0x0], $0xffff;
	v0 =	vmul.f32 v0, v44  }
0x209: {  	v33 =	vmul.f32 v33, v36;
	v8 =	vld.idx.msk [tilespmem:v8+s8+$0x0], $0xffff;
	v32 =	vmul.f32 v32, v45  }
0x20a: {  	v4 =	vmul.f32 v55, v42;
	v34 =	vld.idx.msk [tilespmem:v34+s8+$0x0], $0xffff;
	v2 =	vmul.f32 v2, v44;
	v0 =	vadd.f32 v0, v29  }
0x20b: {  	v6 =	vmul.f32 v6, v43;
	v40 =	vld.idx.msk [tilespmem:v40+s8+$0x0], $0xffff;
	v29 =	vadd.f32 v32, v37;
	v1 =	vmul.f32 v1, v45  }
0x20c: {  	v28 =	vld.idx.msk [tilespmem:v28+s8+$0x0], $0xffff;
	v3 =	vmul.f32 v3, v42;
	v2 =	vadd.f32 v2, v39;
	v0 =	vadd.f32 v4, v0  }
0x20d: {  	v7 =	vmul.f32 v7, v43;
	v47 =	vadd.f32 v6, v29;
	v1 =	vadd.f32 v1, v38  }
0x20e: {  	v46 =	vmul.f32 v8, v35;
	v2 =	vadd.f32 v3, v2;
	v0 =	vadd.f32 v9, v0  }
0x20f: {  	v48 =	vmul.f32 v34, v36;
	v4 =	vadd.f32 v33, v47;
	v1 =	vadd.f32 v7, v1  }
0x210: {  	v49 =	vmul.f32 v40, v30;
	v2 =	vadd.f32 v46, v2;
	v0 =	vadd.f32 v63, v0  }
0x211: {  	v50 =	vmul.f32 v28, v31;
	v51 =	vadd.f32 v5, v4;
	v1 =	vadd.f32 v48, v1  }
0x212: {  	v9 =	vld [tilespmem:$0x1FF40];
	v2 =	vadd.f32 v49, v2  }
0x213: {  	s20 =	sor.u32 s9, s20;
	v60 =	vld [tilespmem:$0x1FF50];
	v0 =	vadd.f32 v51, v0;
	v1 =	vadd.f32 v50, v1  }
0x214: {  	v52 =	vmov s20  }
0x215: {  	v3 =	vmul.f32 v0, v18;
	v1 =	vadd.f32 v1, v2;
	v2 =	vmul.u32 $0x5, v52  }
0x216: {  	v54 =	vmul.f32 v0, v17;
	v56 =	vmul.f32 v0, v16  }
0x217: {  	v9 =	vmul.f32 v0, v9;
	v2 =	vbroadcast v2, $0x0  }
0x218: {  	v0 =	vmul.f32 v0, v60;
	v53 =	vmul.f32 v1, v22  }
0x219: {  	v61 =	vld [tilespmem:$0x1FF60];
	v55 =	vmul.f32 v1, v20;
	v57 =	vmul.f32 v1, v19;
	v8 =	vadd.s32 v23, v2  }
0x21a: {  	v62 =	vld [tilespmem:$0x1FF70];
	v28 =	vmul.f32 v1, v15;
	v3 =	vadd.f32 v53, v3;
	v58 =	vadd.s32 v24, v2  }
0x21b: {  	v63 =	vld [tilespmem:$0x1FF80];
	v1 =	vmul.f32 v1, v13;
	v4 =	vadd.f32 v55, v54;
	v59 =	vadd.s32 v25, v2  }
0x21c: {  	s15 =	sadd.s32 $0x1, s15;
	v6 =	vadd.f32 v57, v56;
	v29 =	vadd.s32 v26, v2;
	v3 =	vadd.f32 v3, v21  }
0x21d: {  	p0 =	sne.s32 s15, $0x8;
	v9 =	vadd.f32 v28, v9;
	v2 =	vadd.s32 v27, v2;
	v4 =	vadd.f32 v4, v14  }
.Ltmp4:
0x21e: {  	v0 =	vadd.f32 v1, v0;
	[tilespmem:v8+s12+$0x0] =	vst.idx.msk $0xffff, v3;
	v3 =	vadd.f32 v6, v61;
	(pc) =	sbr.rel @p0 .LBB2_10-.Ltmp4, $4  }
0x21f: {  	v1 =	vadd.f32 v9, v62;
	[tilespmem:v58+s12+$0x0] =	vst.idx.msk $0xffff, v4  }
0x220: {  	v0 =	vadd.f32 v0, v63;
	[tilespmem:v59+s12+$0x0] =	vst.idx.msk $0xffff, v3  }
0x221: {  	[tilespmem:v29+s12+$0x0] =	vst.idx.msk $0xffff, v1  }
0x222: {  	[tilespmem:v2+s12+$0x0] =	vst.idx.msk $0xffff, v0  }
0x223: {  	s7 =	sadd.s32 $0x1, s7  }
0x224: {  	p0 =	sne.s32 s7, $0x8  }
.Ltmp5:
0x225: {  	_ = 	snop;
	(pc) =	sbr.rel @p0 .LBB2_3-.Ltmp5, $1  }
0x226: {  	_ =	sdelay $0x3  }
0x227: {  	s6 =	rddreg [dreg:$0xe]  }
0x228: {  	s6 =	smul.u32 $0x5, s6  }
0x229: {  	s5 =	sadd.s32 $0x1, s5  }
0x22a: {  	s7 =	rddreg [dreg:$0x8];
	p0 =	sne.s32 s5, $0x4;
	s6 =	sshrl.u32 s6, $0x3  }
.Ltmp6:
0x22b: {  	s15 =	simm.s32 $0x5;
	s6 =	sadd.s32 s7, s6;
	(pc) =	sbr.rel @p0 .LBB2_2-.Ltmp6, $4  }
0x22c: {  	[hbm4b:s6+s4] =	stream.linear.scatter [tilespmem:s12], [sflag:$0x5], $0x2800, $0x38;
	[tilespmem:$0x1C000] =	vst v63  }
0x22d: {  	_ =	swait.ge [sflag:s15], $0x2800  }
0x22e: {  	[sflag:s15] =	ssyncset.done $0x0  }
0x22f: {  	[sflag:s15] =	ssyncadd.s32 $0xFFFFD800  }
0x230: {  	s5 =	simm.s32 $0x0;
	s6 =	rddreg [dreg:$0x9]  }
0x231: {  	[tilespmem:s5], [sflag:$0x5] =	stream.linear.gather [hbm4b:s6+s5], $0x710, $0x38;
	[tilespmem:$0x1C000] =	vst v63  }
0x232: {  	_ =	swait.ge [sflag:s15], $0x710  }
0x233: {  	[sflag:s15] =	ssyncset.done $0x0  }
0x234: {  	s7 =	simm.s32 $0x800;
	s20 =	rddreg [dreg:$0xa];
	[sflag:s15] =	ssyncadd.s32 $0xFFFFF8F0  }
0x235: {  	[tilespmem:s7], [sflag:$0x5] =	stream.linear.gather [hbm4b:s20+s5], $0x710, $0x38;
	[tilespmem:$0x1C000] =	vst v63  }
0x236: {  	_ =	swait.ge [sflag:s15], $0x710  }
0x237: {  	[sflag:s15] =	ssyncset.done $0x0  }
0x238: {  	[sflag:s15] =	ssyncadd.s32 $0xFFFFF8F0  }
0x239: {  	[tilespmem:s18], [sflag:$0x1] =	stream.indirect.gather [hbm4b:s3+s17], $0x80, s5, s17, $0xb8;
	[tilespmem:$0x1C000] =	vst v63  }
0x23a: {  	v0 =	vld [tilespmem:$0x800];
	_ =	sdelay $0x4  }
0x23b: {  	v2 =	vld [tilespmem:$0x1FF90];
	v1 =	vshll.u32 v0, $0x1  }
0x23c: {  	v0 =	vand.u32 $0x7, v0;
	v1 =	vand.u32 $0xFFFFFFF0, v1  }
0x23d: {  	v0 =	vor.u32 v0, v1  }
0x23e: {  	v1 =	vperm.xlane v0, v10;
	_ =	sdelay $0x1  }
0x23f: {  	v0 =	vperm.xlane v0, v2;
	v1 =	vadd.s32 v11, v1;
	_ =	sdelay $0x1  }
0x240: {  	v0 =	vadd.s32 v11, v0;
	_ =	sdelay $0x2  }
0x241: {  	[tilespmem:s19], [sflag:$0x3] =	stream.indirect_vreg.gather [hbm4b:s1+s5], $0x80, v1, vm0, $0xb8;
	[tilespmem:$0x1C000] =	vst v63  }
0x242: {  	s21 =	simm.s32 $0x9800  }
0x243: {  	[tilespmem:s21], [sflag:$0x3] =	stream.indirect_vreg.gather [hbm4b:s1+s5], $0x80, v0, vm0, $0xb8;
	[tilespmem:$0x1C000] =	vst v63  }
0x244: {  	v0 =	vld [tilespmem:$0x810];
	_ =	sdelay $0x4  }
0x245: {  	v57 =	vshll.u32 v0, $0x1  }
0x246: {  	v0 =	vand.u32 $0x7, v0;
	v1 =	vand.u32 $0xFFFFFFF0, v57  }
0x247: {  	v0 =	vor.u32 v0, v1  }
0x248: {  	v1 =	vperm.xlane v0, v10;
	_ =	sdelay $0x1  }
0x249: {  	v0 =	vperm.xlane v0, v2;
	v1 =	vadd.s32 v11, v1;
	_ =	sdelay $0x1  }
0x24a: {  	v0 =	vadd.s32 v11, v0;
	_ =	sdelay $0x1  }
0x24b: {  	s22 =	simm.s32 $0xA000  }
0x24c: {  	[tilespmem:s22], [sflag:$0x3] =	stream.indirect_vreg.gather [hbm4b:s1+s5], $0x80, v1, vm0, $0xb8;
	[tilespmem:$0x1C000] =	vst v63  }
0x24d: {  	s7 =	simm.s32 $0xA800  }
0x24e: {  	[tilespmem:s7], [sflag:$0x3] =	stream.indirect_vreg.gather [hbm4b:s1+s5], $0x80, v0, vm0, $0xb8;
	[tilespmem:$0x1C000] =	vst v63  }
0x24f: {  	s9 =	simm.s32 $0x2000  }
0x250: {  	[tilespmem:s9], [sflag:$0x1] =	stream.indirect.gather [hbm4b:s3+s17], $0x80, s17, s17, $0xb8;
	[tilespmem:$0x1C000] =	vst v63  }
0x251: {  	v0 =	vld [tilespmem:$0x820];
	_ =	sdelay $0x4  }
0x252: {  	v58 =	vshll.u32 v0, $0x1  }
0x253: {  	v0 =	vand.u32 $0x7, v0;
	v1 =	vand.u32 $0xFFFFFFF0, v58  }
0x254: {  	v0 =	vor.u32 v0, v1  }
0x255: {  	v1 =	vperm.xlane v0, v10;
	_ =	sdelay $0x1  }
0x256: {  	v0 =	vperm.xlane v0, v2;
	v1 =	vadd.s32 v11, v1;
	_ =	sdelay $0x1  }
0x257: {  	v0 =	vadd.s32 v11, v0;
	_ =	sdelay $0x1  }
0x258: {  	s15 =	simm.s32 $0xB000  }
0x259: {  	[tilespmem:s15], [sflag:$0x3] =	stream.indirect_vreg.gather [hbm4b:s1+s5], $0x80, v1, vm0, $0xb8;
	[tilespmem:$0x1C000] =	vst v63  }
0x25a: {  	s20 =	simm.s32 $0xB800  }
0x25b: {  	[tilespmem:s20], [sflag:$0x3] =	stream.indirect_vreg.gather [hbm4b:s1+s5], $0x80, v0, vm0, $0xb8;
	[tilespmem:$0x1C000] =	vst v63  }
0x25c: {  	v0 =	vld [tilespmem:$0x830];
	_ =	sdelay $0x4  }
0x25d: {  	v59 =	vshll.u32 v0, $0x1  }
0x25e: {  	v0 =	vand.u32 $0x7, v0;
	v1 =	vand.u32 $0xFFFFFFF0, v59  }
0x25f: {  	v0 =	vor.u32 v0, v1  }
0x260: {  	v1 =	vperm.xlane v0, v10;
	_ =	sdelay $0x1  }
0x261: {  	v0 =	vperm.xlane v0, v2;
	v1 =	vadd.s32 v11, v1;
	_ =	sdelay $0x1  }
0x262: {  	v0 =	vadd.s32 v11, v0;
	_ =	sdelay $0x1  }
0x263: {  	s21 =	simm.s32 $0xC000  }
0x264: {  	[tilespmem:s21], [sflag:$0x3] =	stream.indirect_vreg.gather [hbm4b:s1+s5], $0x80, v1, vm0, $0xb8;
	[tilespmem:$0x1C000] =	vst v63  }
0x265: {  	s22 =	simm.s32 $0xC800  }
0x266: {  	[tilespmem:s22], [sflag:$0x3] =	stream.indirect_vreg.gather [hbm4b:s1+s5], $0x80, v0, vm0, $0xb8;
	[tilespmem:$0x1C000] =	vst v63  }
0x267: {  	s7 =	simm.s32 $0x40;
	s9 =	simm.s32 $0x3000  }
0x268: {  	[tilespmem:s9], [sflag:$0x1] =	stream.indirect.gather [hbm4b:s3+s17], $0x80, s7, s17, $0xb8;
	[tilespmem:$0x1C000] =	vst v63  }
0x269: {  	v0 =	vld [tilespmem:$0x840];
	_ =	sdelay $0x4  }
0x26a: {  	v60 =	vshll.u32 v0, $0x1  }
0x26b: {  	v0 =	vand.u32 $0x7, v0;
	v1 =	vand.u32 $0xFFFFFFF0, v60  }
0x26c: {  	v0 =	vor.u32 v0, v1  }
0x26d: {  	v1 =	vperm.xlane v0, v10;
	_ =	sdelay $0x1  }
0x26e: {  	v0 =	vperm.xlane v0, v2;
	v1 =	vadd.s32 v11, v1;
	_ =	sdelay $0x1  }
0x26f: {  	v0 =	vadd.s32 v11, v0;
	_ =	sdelay $0x1  }
0x270: {  	s15 =	simm.s32 $0xD000  }
0x271: {  	[tilespmem:s15], [sflag:$0x3] =	stream.indirect_vreg.gather [hbm4b:s1+s5], $0x80, v1, vm0, $0xb8;
	[tilespmem:$0x1C000] =	vst v63  }
0x272: {  	s20 =	simm.s32 $0xD800  }
0x273: {  	[tilespmem:s20], [sflag:$0x3] =	stream.indirect_vreg.gather [hbm4b:s1+s5], $0x80, v0, vm0, $0xb8;
	[tilespmem:$0x1C000] =	vst v63  }
0x274: {  	v0 =	vld [tilespmem:$0x850];
	_ =	sdelay $0x4  }
0x275: {  	v61 =	vshll.u32 v0, $0x1  }
0x276: {  	v0 =	vand.u32 $0x7, v0;
	v1 =	vand.u32 $0xFFFFFFF0, v61  }
0x277: {  	v0 =	vor.u32 v0, v1  }
0x278: {  	v1 =	vperm.xlane v0, v10;
	_ =	sdelay $0x1  }
0x279: {  	v0 =	vperm.xlane v0, v2;
	v1 =	vadd.s32 v11, v1;
	_ =	sdelay $0x1  }
0x27a: {  	v0 =	vadd.s32 v11, v0;
	_ =	sdelay $0x1  }
0x27b: {  	s21 =	simm.s32 $0xE000  }
0x27c: {  	[tilespmem:s21], [sflag:$0x3] =	stream.indirect_vreg.gather [hbm4b:s1+s5], $0x80, v1, vm0, $0xb8;
	[tilespmem:$0x1C000] =	vst v63  }
0x27d: {  	s22 =	simm.s32 $0xE800  }
0x27e: {  	[tilespmem:s22], [sflag:$0x3] =	stream.indirect_vreg.gather [hbm4b:s1+s5], $0x80, v0, vm0, $0xb8;
	[tilespmem:$0x1C000] =	vst v63  }
0x27f: {  	s7 =	simm.s32 $0x60;
	s9 =	simm.s32 $0x4000  }
0x280: {  	[tilespmem:s9], [sflag:$0x1] =	stream.indirect.gather [hbm4b:s3+s17], $0x80, s7, s17, $0xb8;
	[tilespmem:$0x1C000] =	vst v63  }
0x281: {  	v0 =	vld [tilespmem:$0x860];
	_ =	sdelay $0x4  }
0x282: {  	v62 =	vshll.u32 v0, $0x1  }
0x283: {  	v0 =	vand.u32 $0x7, v0;
	v1 =	vand.u32 $0xFFFFFFF0, v62  }
0x284: {  	v0 =	vor.u32 v0, v1  }
0x285: {  	v1 =	vperm.xlane v0, v10;
	_ =	sdelay $0x1  }
0x286: {  	v0 =	vperm.xlane v0, v2;
	v1 =	vadd.s32 v11, v1;
	_ =	sdelay $0x1  }
0x287: {  	v0 =	vadd.s32 v11, v0;
	_ =	sdelay $0x1  }
0x288: {  	s15 =	simm.s32 $0xF000  }
0x289: {  	[tilespmem:s15], [sflag:$0x3] =	stream.indirect_vreg.gather [hbm4b:s1+s5], $0x80, v1, vm0, $0xb8;
	[tilespmem:$0x1C000] =	vst v63  }
0x28a: {  	s20 =	simm.s32 $0xF800  }
0x28b: {  	[tilespmem:s20], [sflag:$0x3] =	stream.indirect_vreg.gather [hbm4b:s1+s5], $0x80, v0, vm0, $0xb8;
	[tilespmem:$0x1C000] =	vst v63  }
0x28c: {  	v0 =	vld [tilespmem:$0x870];
	_ =	sdelay $0x4  }
0x28d: {  	v63 =	vshll.u32 v0, $0x1  }
0x28e: {  	v0 =	vand.u32 $0x7, v0;
	v1 =	vand.u32 $0xFFFFFFF0, v63  }
0x28f: {  	v0 =	vor.u32 v0, v1  }
0x290: {  	v1 =	vperm.xlane v0, v10;
	_ =	sdelay $0x1  }
0x291: {  	v0 =	vperm.xlane v0, v2;
	v1 =	vadd.s32 v11, v1;
	_ =	sdelay $0x1  }
0x292: {  	v0 =	vadd.s32 v11, v0;
	_ =	sdelay $0x1  }
0x293: {  	s21 =	simm.s32 $0x10000  }
0x294: {  	[tilespmem:s21], [sflag:$0x3] =	stream.indirect_vreg.gather [hbm4b:s1+s5], $0x80, v1, vm0, $0xb8;
	[tilespmem:$0x1C000] =	vst v63  }
0x295: {  	s6 =	simm.s32 $0x0;
	s22 =	simm.s32 $0x10800  }
0x296: {  	[tilespmem:s22], [sflag:$0x3] =	stream.indirect_vreg.gather [hbm4b:s1+s5], $0x80, v0, vm0, $0xb8;
	[tilespmem:$0x1C000] =	vst v63  }
.LBB2_16:
0x297: {  	s9 =	sshll.u32 s6, $0x8  }
0x298: {  	s7 =	sor.u32 $0x80, s9  }
0x299: {  	[tilespmem:s29], [sflag:$0x2] =	stream.indirect.gather [hbm4b:s3+s17], $0x80, s7, s17, $0xb8;
	[tilespmem:$0x1C000] =	vst v63  }
0x29a: {  	v0 =	vld [tilespmem:s9+$0x880];
	_ =	sdelay $0x4  }
0x29b: {  	v2 =	vld [tilespmem:$0x1FF90];
	v1 =	vshll.u32 v0, $0x1  }
0x29c: {  	v0 =	vand.u32 $0x7, v0;
	v1 =	vand.u32 $0xFFFFFFF0, v1  }
0x29d: {  	v0 =	vor.u32 v0, v1  }
0x29e: {  	v1 =	vperm.xlane v0, v10;
	_ =	sdelay $0x1  }
0x29f: {  	v0 =	vperm.xlane v0, v2;
	v1 =	vadd.s32 v11, v1;
	_ =	sdelay $0x1  }
0x2a0: {  	v0 =	vadd.s32 v11, v0;
	_ =	sdelay $0x2  }
0x2a1: {  	[tilespmem:s8], [sflag:$0x4] =	stream.indirect_vreg.gather [hbm4b:s1+s5], $0x80, v1, vm0, $0xb8;
	[tilespmem:$0x1C000] =	vst v63  }
0x2a2: {  	s15 =	simm.s32 $0x11800  }
0x2a3: {  	[tilespmem:s15], [sflag:$0x4] =	stream.indirect_vreg.gather [hbm4b:s1+s5], $0x80, v0, vm0, $0xb8;
	[tilespmem:$0x1C000] =	vst v63  }
0x2a4: {  	v0 =	vld [tilespmem:s9+$0x890];
	_ =	sdelay $0x4  }
0x2a5: {  	v57 =	vshll.u32 v0, $0x1  }
0x2a6: {  	v0 =	vand.u32 $0x7, v0;
	v1 =	vand.u32 $0xFFFFFFF0, v57  }
0x2a7: {  	v0 =	vor.u32 v0, v1  }
0x2a8: {  	v1 =	vperm.xlane v0, v10;
	_ =	sdelay $0x1  }
0x2a9: {  	v0 =	vperm.xlane v0, v2;
	v1 =	vadd.s32 v11, v1;
	_ =	sdelay $0x1  }
0x2aa: {  	v0 =	vadd.s32 v11, v0;
	_ =	sdelay $0x1  }
0x2ab: {  	s20 =	simm.s32 $0x12000  }
0x2ac: {  	[tilespmem:s20], [sflag:$0x4] =	stream.indirect_vreg.gather [hbm4b:s1+s5], $0x80, v1, vm0, $0xb8;
	[tilespmem:$0x1C000] =	vst v63  }
0x2ad: {  	s21 =	simm.s32 $0x12800  }
0x2ae: {  	[tilespmem:s21], [sflag:$0x4] =	stream.indirect_vreg.gather [hbm4b:s1+s5], $0x80, v0, vm0, $0xb8;
	[tilespmem:$0x1C000] =	vst v63  }
0x2af: {  	s22 =	sor.u32 $0xA0, s9;
	s20 =	simm.s32 $0x6000  }
0x2b0: {  	[tilespmem:s20], [sflag:$0x2] =	stream.indirect.gather [hbm4b:s3+s17], $0x80, s22, s17, $0xb8;
	[tilespmem:$0x1C000] =	vst v63  }
0x2b1: {  	v0 =	vld [tilespmem:s9+$0x8A0];
	_ =	sdelay $0x4  }
0x2b2: {  	v58 =	vshll.u32 v0, $0x1  }
0x2b3: {  	v0 =	vand.u32 $0x7, v0;
	v1 =	vand.u32 $0xFFFFFFF0, v58  }
0x2b4: {  	v0 =	vor.u32 v0, v1  }
0x2b5: {  	v1 =	vperm.xlane v0, v10;
	_ =	sdelay $0x1  }
0x2b6: {  	v0 =	vperm.xlane v0, v2;
	v1 =	vadd.s32 v11, v1;
	_ =	sdelay $0x1  }
0x2b7: {  	v0 =	vadd.s32 v11, v0;
	_ =	sdelay $0x1  }
0x2b8: {  	s20 =	simm.s32 $0x13000  }
0x2b9: {  	[tilespmem:s20], [sflag:$0x4] =	stream.indirect_vreg.gather [hbm4b:s1+s5], $0x80, v1, vm0, $0xb8;
	[tilespmem:$0x1C000] =	vst v63  }
0x2ba: {  	s21 =	simm.s32 $0x13800  }
0x2bb: {  	[tilespmem:s21], [sflag:$0x4] =	stream.indirect_vreg.gather [hbm4b:s1+s5], $0x80, v0, vm0, $0xb8;
	[tilespmem:$0x1C000] =	vst v63  }
0x2bc: {  	v0 =	vld [tilespmem:s9+$0x8B0];
	_ =	sdelay $0x4  }
0x2bd: {  	v59 =	vshll.u32 v0, $0x1  }
0x2be: {  	v0 =	vand.u32 $0x7, v0;
	v1 =	vand.u32 $0xFFFFFFF0, v59  }
0x2bf: {  	v0 =	vor.u32 v0, v1  }
0x2c0: {  	v1 =	vperm.xlane v0, v10;
	_ =	sdelay $0x1  }
0x2c1: {  	v0 =	vperm.xlane v0, v2;
	v1 =	vadd.s32 v11, v1;
	_ =	sdelay $0x1  }
0x2c2: {  	v0 =	vadd.s32 v11, v0;
	_ =	sdelay $0x1  }
0x2c3: {  	s22 =	simm.s32 $0x14000  }
0x2c4: {  	[tilespmem:s22], [sflag:$0x4] =	stream.indirect_vreg.gather [hbm4b:s1+s5], $0x80, v1, vm0, $0xb8;
	[tilespmem:$0x1C000] =	vst v63  }
0x2c5: {  	s20 =	simm.s32 $0x14800  }
0x2c6: {  	[tilespmem:s20], [sflag:$0x4] =	stream.indirect_vreg.gather [hbm4b:s1+s5], $0x80, v0, vm0, $0xb8;
	[tilespmem:$0x1C000] =	vst v63  }
0x2c7: {  	s21 =	sor.u32 $0xC0, s9  }
0x2c8: {  	[tilespmem:s23], [sflag:$0x2] =	stream.indirect.gather [hbm4b:s3+s17], $0x80, s21, s17, $0xb8;
	[tilespmem:$0x1C000] =	vst v63  }
0x2c9: {  	v0 =	vld [tilespmem:s9+$0x8C0];
	_ =	sdelay $0x4  }
0x2ca: {  	v60 =	vshll.u32 v0, $0x1  }
0x2cb: {  	v0 =	vand.u32 $0x7, v0;
	v1 =	vand.u32 $0xFFFFFFF0, v60  }
0x2cc: {  	v0 =	vor.u32 v0, v1  }
0x2cd: {  	v1 =	vperm.xlane v0, v10;
	_ =	sdelay $0x1  }
0x2ce: {  	v0 =	vperm.xlane v0, v2;
	v1 =	vadd.s32 v11, v1;
	_ =	sdelay $0x1  }
0x2cf: {  	v0 =	vadd.s32 v11, v0;
	_ =	sdelay $0x2  }
0x2d0: {  	[tilespmem:s24], [sflag:$0x4] =	stream.indirect_vreg.gather [hbm4b:s1+s5], $0x80, v1, vm0, $0xb8;
	[tilespmem:$0x1C000] =	vst v63  }
0x2d1: {  	_ = 	snop  }
0x2d2: {  	[tilespmem:s25], [sflag:$0x4] =	stream.indirect_vreg.gather [hbm4b:s1+s5], $0x80, v0, vm0, $0xb8;
	[tilespmem:$0x1C000] =	vst v63  }
0x2d3: {  	v0 =	vld [tilespmem:s9+$0x8D0];
	_ =	sdelay $0x4  }
0x2d4: {  	v61 =	vshll.u32 v0, $0x1  }
0x2d5: {  	v0 =	vand.u32 $0x7, v0;
	v1 =	vand.u32 $0xFFFFFFF0, v61  }
0x2d6: {  	v0 =	vor.u32 v0, v1  }
0x2d7: {  	v1 =	vperm.xlane v0, v10;
	_ =	sdelay $0x1  }
0x2d8: {  	v0 =	vperm.xlane v0, v2;
	v1 =	vadd.s32 v11, v1;
	_ =	sdelay $0x1  }
0x2d9: {  	v0 =	vadd.s32 v11, v0;
	_ =	sdelay $0x2  }
0x2da: {  	[tilespmem:s26], [sflag:$0x4] =	stream.indirect_vreg.gather [hbm4b:s1+s5], $0x80, v1, vm0, $0xb8;
	[tilespmem:$0x1C000] =	vst v63  }
0x2db: {  	_ = 	snop  }
0x2dc: {  	[tilespmem:s28], [sflag:$0x4] =	stream.indirect_vreg.gather [hbm4b:s1+s5], $0x80, v0, vm0, $0xb8;
	[tilespmem:$0x1C000] =	vst v63  }
0x2dd: {  	s22 =	sor.u32 $0xE0, s9  }
0x2de: {  	[tilespmem:s30], [sflag:$0x2] =	stream.indirect.gather [hbm4b:s3+s17], $0x80, s22, s17, $0xb8;
	[tilespmem:$0x1C000] =	vst v63  }
0x2df: {  	v0 =	vld [tilespmem:s9+$0x8E0];
	_ =	sdelay $0x4  }
0x2e0: {  	v62 =	vshll.u32 v0, $0x1  }
0x2e1: {  	v0 =	vand.u32 $0x7, v0;
	v1 =	vand.u32 $0xFFFFFFF0, v62  }
0x2e2: {  	v0 =	vor.u32 v0, v1  }
0x2e3: {  	v1 =	vperm.xlane v0, v10;
	_ =	sdelay $0x1  }
0x2e4: {  	v0 =	vperm.xlane v0, v2;
	v1 =	vadd.s32 v11, v1;
	_ =	sdelay $0x1  }
0x2e5: {  	v0 =	vadd.s32 v11, v0;
	_ =	sdelay $0x2  }
0x2e6: {  	[tilespmem:s31], [sflag:$0x4] =	stream.indirect_vreg.gather [hbm4b:s1+s5], $0x80, v1, vm0, $0xb8;
	[tilespmem:$0x1C000] =	vst v63  }
0x2e7: {  	_ = 	snop  }
0x2e8: {  	[tilespmem:s2], [sflag:$0x4] =	stream.indirect_vreg.gather [hbm4b:s1+s5], $0x80, v0, vm0, $0xb8;
	[tilespmem:$0x1C000] =	vst v63  }
0x2e9: {  	v0 =	vld [tilespmem:s9+$0x8F0];
	_ =	sdelay $0x4  }
0x2ea: {  	v63 =	vshll.u32 v0, $0x1  }
0x2eb: {  	v0 =	vand.u32 $0x7, v0;
	v1 =	vand.u32 $0xFFFFFFF0, v63  }
0x2ec: {  	v0 =	vor.u32 v0, v1  }
0x2ed: {  	v1 =	vperm.xlane v0, v10;
	_ =	sdelay $0x1  }
0x2ee: {  	v0 =	vperm.xlane v0, v2;
	v1 =	vadd.s32 v11, v1;
	_ =	sdelay $0x1  }
0x2ef: {  	v0 =	vadd.s32 v11, v0;
	_ =	sdelay $0x2  }
0x2f0: {  	[tilespmem:s0], [sflag:$0x4] =	stream.indirect_vreg.gather [hbm4b:s1+s5], $0x80, v1, vm0, $0xb8;
	[tilespmem:$0x1C000] =	vst v63  }
0x2f1: {  	_ = 	snop  }
0x2f2: {  	[tilespmem:s14], [sflag:$0x4] =	stream.indirect_vreg.gather [hbm4b:s1+s5], $0x80, v0, vm0, $0xb8;
	[tilespmem:$0x1C000] =	vst v63  }
0x2f3: {  	_ =	swait.ge [sflag:s10], $0x4000  }
0x2f4: {  	[sflag:s10] =	ssyncset.done $0x0  }
0x2f5: {  	[sflag:s10] =	ssyncadd.s32 $0xFFFFC000  }
0x2f6: {  	_ =	swait.ge [sflag:s11], $0x8000  }
0x2f7: {  	[sflag:s11] =	ssyncset.done $0x0  }
0x2f8: {  	s15 =	simm.s32 $0x0;
	[sflag:s11] =	ssyncadd.s32 $0xFFFF8000  }
.LBB2_17:
0x2f9: {  	s20 =	sshll.u32 s15, $0x4  }
0x2fa: {  	v0 =	vor.u32 s20, v12  }
0x2fb: {  	v1 =	vshll.u32 v0, $0x8  }
0x2fc: {  	v32 =	vshll.u32 v0, $0x7;
	v0 =	vand.u32 $0x7800, v1;
	v1 =	vld [tilespmem:$0x1FFA0]  }
0x2fd: {  	v2 =	vld [tilespmem:$0x1FFB0];
	_ =	sdelay $0x1  }
0x2fe: {  	v33 =	vimm.s32 $0x0  }
0x2ff: {  	v29 =	vimm.f32 $0.0e+00;
	v40 =	vand.u32 $0x78, v33;
	v5 =	vadd.s32 $0x86, v33  }
0x300: {  	v41 =	vadd.s32 $0x87, v33;
	v28 =	vor.u32 v1, v0;
	v1 =	vand.u32 $0xFFFFFF80, v33  }
0x301: {  	v34 =	vor.u32 v2, v0;
	v0 =	vor.u32 $0x6, v40;
	v1 =	vadd.s32 v32, v1  }
0x302: {  	v37 =	vadd.s32 $0x84, v33;
	v2 =	vor.u32 $0x7, v40;
	v3 =	vor.u32 v0, v1  }
0x303: {  	v45 =	vadd.s32 $0x85, v33;
	v4 =	vor.u32 $0x4, v40;
	v6 =	vor.u32 v2, v1  }
0x304: {  	v31 =	vshll.u32 v33, $0x3;
	v8 =	vor.u32 $0x5, v40;
	v7 =	vor.u32 v4, v1  }
0x305: {  	v51 =	vadd.s32 $0x82, v33;
	v9 =	vor.u32 $0x2, v40;
	v36 =	vor.u32 v8, v1  }
0x306: {  	v55 =	vadd.s32 $0x83, v33;
	v39 =	vor.u32 $0x3, v40;
	v38 =	vor.u32 v9, v1  }
0x307: {  	v59 =	vadd.s32 $0x81, v33;
	v54 =	vand.u32 $0xFFFFFC00, v31;
	v43 =	vor.u32 v39, v1;
	v30 =	vld.idx.msk [tilespmem:v3+s18+$0x0], $0xffff  }
0x308: {  	v52 =	vor.u32 $0x1, v40;
	v46 =	vand.u32 $0x7E, v5;
	v3 =	vor.u32 v40, v1;
	v31 =	vld.idx.msk [tilespmem:v6+s18+$0x0], $0xffff  }
0x309: {  	v48 =	vand.u32 $0x7C, v37;
	v53 =	vadd.s32 v28, v54;
	v1 =	vor.u32 v52, v1;
	v35 =	vld.idx.msk [tilespmem:v7+s18+$0x0], $0xffff  }
0x30a: {  	v47 =	vand.u32 $0x7D, v45;
	v50 =	vshll.u32 v5, $0x3;
	v0 =	vor.u32 v0, v53;
	v36 =	vld.idx.msk [tilespmem:v36+s18+$0x0], $0xffff  }
0x30b: {  	v49 =	vshll.u32 v41, $0x3;
	v58 =	vand.u32 $0x7A, v51;
	v7 =	vor.u32 v2, v53;
	v42 =	vld.idx.msk [tilespmem:v38+s18+$0x0], $0xffff  }
0x30c: {  	v56 =	vand.u32 $0x7B, v55;
	v60 =	vshll.u32 v37, $0x3;
	v61 =	vor.u32 v4, v53;
	v43 =	vld.idx.msk [tilespmem:v43+s18+$0x0], $0xffff  }
0x30d: {  	v57 =	vshll.u32 v45, $0x3;
	v37 =	vimm.f32 $0.0e+00;
	v62 =	vor.u32 v8, v53;
	v44 =	vld.idx.msk [tilespmem:v3+s18+$0x0], $0xffff  }
0x30e: {  	v63 =	vor.u32 v9, v53;
	v6 =	vor.u32 v39, v53;
	v39 =	vimm.f32 $0.0e+00;
	v45 =	vld.idx.msk [tilespmem:v1+s18+$0x0], $0xffff  }
0x30f: {  	s21 =	simm.s32 $0xF;
	v38 =	vimm.f32 $0.0e+00;
	v1 =	vand.u32 $0x79, v59;
	v3 =	vshll.u32 v51, $0x3;
	v51 =	vld.idx.msk [tilespmem:v0+s19+$0x0], $0xffff  }
.LBB2_18:
0x310: {  	p0 =	sne.s32 s21, $0x1;
	v0 =	vor.u32 v40, v53;
	v2 =	vadd.s32 v34, v54;
	v4 =	vshll.u32 v59, $0x3;
	v5 =	vld.idx.msk [tilespmem:v7+s19+$0x0], $0xffff  }
0x311: {  	v7 =	vshll.u32 v55, $0x3;
	v2 =	vor.u32 v40, v2;
	v4 =	vand.u32 $0xFFFFFC00, v4;
	v8 =	vld.idx.msk [tilespmem:v61+s19+$0x0], $0xffff  }
0x312: {  	v9 =	vor.u32 v52, v53;
	v3 =	vand.u32 $0xFFFFFC00, v3;
	v4 =	vadd.s32 v28, v4;
	v52 =	vld.idx.msk [tilespmem:v62+s19+$0x0], $0xffff  }
0x313: {  	v3 =	vadd.s32 v28, v3;
	v7 =	vand.u32 $0xFFFFFC00, v7;
	v1 =	vor.u32 v1, v4;
	v4 =	vld.idx.msk [tilespmem:v63+s19+$0x0], $0xffff  }
0x314: {  	v40 =	vand.u32 $0xFFFFFC00, v60;
	v3 =	vor.u32 v58, v3;
	v7 =	vadd.s32 v28, v7;
	v6 =	vld.idx.msk [tilespmem:v6+s19+$0x0], $0xffff  }
0x315: {  	v53 =	vand.u32 $0xFFFFFC00, v57;
	v40 =	vadd.s32 v28, v40;
	v7 =	vor.u32 v56, v7;
	v0 =	vld.idx.msk [tilespmem:v0+s19+$0x0], $0xffff  }
0x316: {  	v50 =	vand.u32 $0xFFFFFC00, v50;
	v48 =	vor.u32 v48, v40;
	v40 =	vadd.s32 v28, v53;
	v2 =	vld.idx.msk [tilespmem:v2+s19+$0x0], $0xffff  }
0x317: {  	v49 =	vand.u32 $0xFFFFFC00, v49;
	v47 =	vor.u32 v47, v40;
	v40 =	vadd.s32 v28, v50;
	v9 =	vld.idx.msk [tilespmem:v9+s19+$0x0], $0xffff  }
0x318: {  	v46 =	vor.u32 v46, v40;
	v40 =	vand.u32 $0x7F, v41;
	v41 =	vadd.s32 v28, v49;
	v1 =	vld.idx.msk [tilespmem:v1+s19+$0x0], $0xffff  }
0x319: {  	v41 =	vor.u32 v40, v41;
	v3 =	vld.idx.msk [tilespmem:v3+s19+$0x0], $0xffff  }
0x31a: {  	v33 =	vadd.s32 $0x8, v33;
	v49 =	vmul.f32 v51, v30;
	v5 =	vmul.f32 v5, v31;
	v7 =	vld.idx.msk [tilespmem:v7+s19+$0x0], $0xffff  }
0x31b: {  	v40 =	vand.u32 $0x78, v33;
	v8 =	vmul.f32 v8, v35;
	v50 =	vmul.f32 v52, v36;
	v48 =	vld.idx.msk [tilespmem:v48+s19+$0x0], $0xffff  }
0x31c: {  	v51 =	vand.u32 $0xFFFFFF80, v33;
	v4 =	vmul.f32 v4, v42;
	v6 =	vmul.f32 v6, v43;
	v47 =	vld.idx.msk [tilespmem:v47+s19+$0x0], $0xffff  }
0x31d: {  	v56 =	vor.u32 $0x6, v40;
	v0 =	vmul.f32 v0, v44;
	v2 =	vmul.f32 v2, v44;
	v44 =	vld.idx.msk [tilespmem:v46+s19+$0x0], $0xffff  }
0x31e: {  	v57 =	vor.u32 $0x7, v40;
	v9 =	vmul.f32 v9, v45;
	v1 =	vmul.f32 v1, v45;
	v41 =	vld.idx.msk [tilespmem:v41+s19+$0x0], $0xffff  }
0x31f: {  	v0 =	vadd.f32 v0, v29;
	v2 =	vadd.f32 v2, v39;
	v3 =	vmul.f32 v3, v42  }
0x320: {  	v9 =	vadd.f32 v9, v37;
	v1 =	vadd.f32 v1, v38;
	v7 =	vmul.f32 v7, v43  }
0x321: {  	v0 =	vadd.f32 v4, v0;
	v2 =	vadd.f32 v3, v2;
	v3 =	vmul.f32 v48, v35  }
0x322: {  	v4 =	vadd.f32 v6, v9;
	v1 =	vadd.f32 v7, v1;
	v6 =	vmul.f32 v47, v36  }
0x323: {  	v0 =	vadd.f32 v8, v0;
	v2 =	vadd.f32 v3, v2;
	v3 =	vmul.f32 v44, v30  }
0x324: {  	v4 =	vadd.f32 v50, v4;
	v1 =	vadd.f32 v6, v1;
	v6 =	vmul.f32 v41, v31  }
0x325: {  	v7 =	vadd.s32 v32, v51;
	v29 =	vadd.f32 v49, v0;
	v39 =	vadd.f32 v3, v2  }
0x326: {  	v0 =	vor.u32 v56, v7;
	v37 =	vadd.f32 v5, v4;
	v38 =	vadd.f32 v6, v1  }
0x327: {  	v2 =	vadd.s32 $0x86, v33;
	v3 =	vor.u32 v57, v7;
	v1 =	vor.u32 $0x4, v40  }
0x328: {  	v41 =	vadd.s32 $0x87, v33;
	v5 =	vor.u32 $0x5, v40;
	v4 =	vor.u32 v1, v7  }
0x329: {  	v8 =	vadd.s32 $0x84, v33;
	v6 =	vor.u32 $0x2, v40;
	v9 =	vor.u32 v5, v7  }
0x32a: {  	v10 =	vadd.s32 $0x85, v33;
	v51 =	vor.u32 $0x3, v40;
	v42 =	vor.u32 v6, v7  }
0x32b: {  	v11 =	vadd.s32 $0x82, v33;
	v43 =	vor.u32 v51, v7;
	v31 =	vshll.u32 v33, $0x3;
	v30 =	vld.idx.msk [tilespmem:v0+s18+$0x0], $0xffff  }
0x32c: {  	v52 =	vor.u32 $0x1, v40;
	v54 =	vand.u32 $0xFFFFFC00, v31;
	v0 =	vor.u32 v40, v7;
	v31 =	vld.idx.msk [tilespmem:v3+s18+$0x0], $0xffff  }
0x32d: {  	v55 =	vadd.s32 $0x83, v33;
	v53 =	vadd.s32 v28, v54;
	v3 =	vor.u32 v52, v7;
	v35 =	vld.idx.msk [tilespmem:v4+s18+$0x0], $0xffff  }
0x32e: {  	v59 =	vadd.s32 $0x81, v33;
	v46 =	vand.u32 $0x7E, v2;
	v4 =	vor.u32 v56, v53;
	v36 =	vld.idx.msk [tilespmem:v9+s18+$0x0], $0xffff  }
.Ltmp7:
0x32f: {  	v48 =	vand.u32 $0x7C, v8;
	v47 =	vand.u32 $0x7D, v10;
	v7 =	vor.u32 v57, v53;
	v42 =	vld.idx.msk [tilespmem:v42+s18+$0x0], $0xffff;
	(pc) =	sbr.rel @p0 .LBB2_18-.Ltmp7, $4  }
0x330: {  	v49 =	vshll.u32 v41, $0x3;
	v50 =	vshll.u32 v2, $0x3;
	v61 =	vor.u32 v1, v53;
	v43 =	vld.idx.msk [tilespmem:v43+s18+$0x0], $0xffff  }
0x331: {  	v58 =	vand.u32 $0x7A, v11;
	v62 =	vor.u32 v5, v53;
	v56 =	vand.u32 $0x7B, v55;
	v44 =	vld.idx.msk [tilespmem:v0+s18+$0x0], $0xffff  }
0x332: {  	v60 =	vshll.u32 v8, $0x3;
	v63 =	vor.u32 v6, v53;
	v57 =	vshll.u32 v10, $0x3;
	v45 =	vld.idx.msk [tilespmem:v3+s18+$0x0], $0xffff  }
0x333: {  	s21 =	sadd.s32 $0xFFFFFFFF, s21;
	v1 =	vand.u32 $0x79, v59;
	v6 =	vor.u32 v51, v53;
	v3 =	vshll.u32 v11, $0x3;
	v51 =	vld.idx.msk [tilespmem:v4+s19+$0x0], $0xffff  }
0x334: {  	_ =	sdelay $0x3  }
0x335: {  	v0 =	vor.u32 v40, v53;
	v2 =	vadd.s32 v34, v54;
	v4 =	vshll.u32 v59, $0x3;
	v5 =	vld.idx.msk [tilespmem:v7+s19+$0x0], $0xffff  }
0x336: {  	v59 =	vshll.u32 v55, $0x3;
	v8 =	vld.idx.msk [tilespmem:v61+s19+$0x0], $0xffff;
	v9 =	vor.u32 v52, v53;
	v4 =	vand.u32 $0xFFFFFC00, v4  }
0x337: {  	v3 =	vand.u32 $0xFFFFFC00, v3;
	v10 =	vld.idx.msk [tilespmem:v62+s19+$0x0], $0xffff;
	v2 =	vor.u32 v40, v2;
	v4 =	vadd.s32 v28, v4  }
0x338: {  	v61 =	vld.idx.msk [tilespmem:v63+s19+$0x0], $0xffff;
	v3 =	vadd.s32 v28, v3;
	v7 =	vand.u32 $0xFFFFFC00, v59;
	v1 =	vor.u32 v1, v4  }
0x339: {  	v6 =	vld.idx.msk [tilespmem:v6+s19+$0x0], $0xffff;
	v11 =	vand.u32 $0xFFFFFC00, v60;
	v3 =	vor.u32 v58, v3;
	v7 =	vadd.s32 v28, v7  }
0x33a: {  	v32 =	vand.u32 $0xFFFFFC00, v57;
	v11 =	vadd.s32 v28, v11;
	v7 =	vor.u32 v56, v7;
	v0 =	vld.idx.msk [tilespmem:v0+s19+$0x0], $0xffff  }
0x33b: {  	v33 =	vand.u32 $0xFFFFFC00, v50;
	v32 =	vadd.s32 v28, v32;
	v11 =	vor.u32 v48, v11;
	v9 =	vld.idx.msk [tilespmem:v9+s19+$0x0], $0xffff  }
0x33c: {  	v62 =	vand.u32 $0xFFFFFC00, v49;
	v33 =	vadd.s32 v28, v33;
	v32 =	vor.u32 v47, v32;
	v2 =	vld.idx.msk [tilespmem:v2+s19+$0x0], $0xffff  }
0x33d: {  	v63 =	vand.u32 $0x7F, v41;
	v33 =	vor.u32 v46, v33;
	v28 =	vadd.s32 v28, v62;
	v1 =	vld.idx.msk [tilespmem:v1+s19+$0x0], $0xffff  }
0x33e: {  	v28 =	vor.u32 v63, v28;
	v41 =	vmul.f32 v51, v30;
	v5 =	vmul.f32 v5, v31;
	v3 =	vld.idx.msk [tilespmem:v3+s19+$0x0], $0xffff  }
0x33f: {  	v8 =	vmul.f32 v8, v35;
	v7 =	vld.idx.msk [tilespmem:v7+s19+$0x0], $0xffff;
	v0 =	vmul.f32 v0, v44  }
0x340: {  	v10 =	vmul.f32 v10, v36;
	v11 =	vld.idx.msk [tilespmem:v11+s19+$0x0], $0xffff;
	v9 =	vmul.f32 v9, v45  }
0x341: {  	v4 =	vmul.f32 v61, v42;
	v32 =	vld.idx.msk [tilespmem:v32+s19+$0x0], $0xffff;
	v2 =	vmul.f32 v2, v44;
	v0 =	vadd.f32 v0, v29  }
0x342: {  	v6 =	vmul.f32 v6, v43;
	v33 =	vld.idx.msk [tilespmem:v33+s19+$0x0], $0xffff;
	v9 =	vadd.f32 v9, v37;
	v1 =	vmul.f32 v1, v45  }
0x343: {  	v28 =	vld.idx.msk [tilespmem:v28+s19+$0x0], $0xffff;
	v3 =	vmul.f32 v3, v42;
	v2 =	vadd.f32 v2, v39;
	v0 =	vadd.f32 v4, v0  }
0x344: {  	v7 =	vmul.f32 v7, v43;
	v44 =	vadd.f32 v6, v9;
	v1 =	vadd.f32 v1, v38  }
0x345: {  	v43 =	vmul.f32 v11, v35;
	v2 =	vadd.f32 v3, v2;
	v0 =	vadd.f32 v8, v0  }
0x346: {  	v45 =	vmul.f32 v32, v36;
	v4 =	vadd.f32 v10, v44;
	v1 =	vadd.f32 v7, v1  }
0x347: {  	v46 =	vmul.f32 v33, v30;
	v2 =	vadd.f32 v43, v2;
	v0 =	vadd.f32 v41, v0  }
0x348: {  	v47 =	vmul.f32 v28, v31;
	v48 =	vadd.f32 v5, v4;
	v1 =	vadd.f32 v45, v1  }
0x349: {  	v58 =	vld [tilespmem:$0x1FF40];
	v2 =	vadd.f32 v46, v2  }
0x34a: {  	s20 =	sor.u32 s9, s20;
	v28 =	vld [tilespmem:$0x1FF50];
	v0 =	vadd.f32 v48, v0;
	v1 =	vadd.f32 v47, v1  }
0x34b: {  	v49 =	vmov s20  }
0x34c: {  	v3 =	vmul.f32 v0, v18;
	v1 =	vadd.f32 v1, v2;
	v2 =	vmul.u32 $0x5, v49  }
0x34d: {  	v51 =	vmul.f32 v0, v17;
	v53 =	vmul.f32 v0, v16  }
0x34e: {  	v9 =	vmul.f32 v0, v58;
	v2 =	vbroadcast v2, $0x0  }
0x34f: {  	v0 =	vmul.f32 v0, v28;
	v50 =	vmul.f32 v1, v22  }
0x350: {  	v61 =	vld [tilespmem:$0x1FF60];
	v52 =	vmul.f32 v1, v20;
	v54 =	vmul.f32 v1, v19;
	v55 =	vadd.s32 v23, v2  }
0x351: {  	v62 =	vld [tilespmem:$0x1FF70];
	v59 =	vmul.f32 v1, v15;
	v3 =	vadd.f32 v50, v3;
	v56 =	vadd.s32 v24, v2  }
0x352: {  	v63 =	vld [tilespmem:$0x1FF80];
	v1 =	vmul.f32 v1, v13;
	v4 =	vadd.f32 v52, v51;
	v57 =	vadd.s32 v25, v2  }
0x353: {  	s15 =	sadd.s32 $0x1, s15;
	v6 =	vadd.f32 v54, v53;
	v60 =	vadd.s32 v26, v2;
	v3 =	vadd.f32 v3, v21  }
0x354: {  	p0 =	sne.s32 s15, $0x8;
	v9 =	vadd.f32 v59, v9;
	v2 =	vadd.s32 v27, v2;
	v4 =	vadd.f32 v4, v14  }
.Ltmp8:
0x355: {  	v0 =	vadd.f32 v1, v0;
	[tilespmem:v55+s12+$0x0] =	vst.idx.msk $0xffff, v3;
	v3 =	vadd.f32 v6, v61;
	(pc) =	sbr.rel @p0 .LBB2_17-.Ltmp8, $4  }
0x356: {  	v1 =	vadd.f32 v9, v62;
	[tilespmem:v56+s12+$0x0] =	vst.idx.msk $0xffff, v4  }
0x357: {  	v0 =	vadd.f32 v0, v63;
	[tilespmem:v57+s12+$0x0] =	vst.idx.msk $0xffff, v3  }
0x358: {  	[tilespmem:v60+s12+$0x0] =	vst.idx.msk $0xffff, v1  }
0x359: {  	[tilespmem:v2+s12+$0x0] =	vst.idx.msk $0xffff, v0  }
0x35a: {  	p0 =	seq.s32 s6, $0x6  }
.Ltmp9:
0x35b: {  	_ = 	snop;
	(pc) =	sbr.rel @p0 .LBB2_22-.Ltmp9, $1  }
0x35c: {  	_ =	sdelay $0x3  }
0x35d: {  	s15 =	sadd.s32 $0x100, s9  }
0x35e: {  	[tilespmem:s18], [sflag:$0x1] =	stream.indirect.gather [hbm4b:s3+s17], $0x80, s15, s17, $0xb8;
	[tilespmem:$0x1C000] =	vst v63  }
0x35f: {  	v0 =	vld [tilespmem:s9+$0x900];
	_ =	sdelay $0x2  }
0x360: {  	v2 =	vld [tilespmem:$0x1FFC0]  }
0x361: {  	v3 =	vld [tilespmem:$0x1FFD0]  }
0x362: {  	v4 =	vld [tilespmem:$0x1FF90];
	v1 =	vshll.u32 v0, $0x1  }
0x363: {  	v0 =	vand.u32 $0x7, v0;
	v1 =	vand.u32 $0xFFFFFFF0, v1  }
0x364: {  	v0 =	vor.u32 v0, v1  }
0x365: {  	v1 =	vperm.xlane v0, v2;
	_ =	sdelay $0x1  }
0x366: {  	v0 =	vperm.xlane v0, v4;
	v1 =	vadd.s32 v3, v1;
	_ =	sdelay $0x1  }
0x367: {  	v0 =	vadd.s32 v3, v0;
	_ =	sdelay $0x2  }
0x368: {  	[tilespmem:s19], [sflag:$0x3] =	stream.indirect_vreg.gather [hbm4b:s1+s4], $0x80, v1, vm0, $0xb8;
	[tilespmem:$0x1C000] =	vst v63  }
0x369: {  	s21 =	simm.s32 $0x9800  }
0x36a: {  	[tilespmem:s21], [sflag:$0x3] =	stream.indirect_vreg.gather [hbm4b:s1+s4], $0x80, v0, vm0, $0xb8;
	[tilespmem:$0x1C000] =	vst v63  }
0x36b: {  	v0 =	vld [tilespmem:s9+$0x910];
	_ =	sdelay $0x4  }
0x36c: {  	v57 =	vshll.u32 v0, $0x1  }
0x36d: {  	v0 =	vand.u32 $0x7, v0;
	v1 =	vand.u32 $0xFFFFFFF0, v57  }
0x36e: {  	v0 =	vor.u32 v0, v1  }
0x36f: {  	v1 =	vperm.xlane v0, v2;
	_ =	sdelay $0x1  }
0x370: {  	v0 =	vperm.xlane v0, v4;
	v1 =	vadd.s32 v3, v1;
	_ =	sdelay $0x1  }
0x371: {  	v0 =	vadd.s32 v3, v0;
	_ =	sdelay $0x1  }
0x372: {  	s22 =	simm.s32 $0xA000  }
0x373: {  	[tilespmem:s22], [sflag:$0x3] =	stream.indirect_vreg.gather [hbm4b:s1+s4], $0x80, v1, vm0, $0xb8;
	[tilespmem:$0x1C000] =	vst v63  }
0x374: {  	s20 =	simm.s32 $0xA800  }
0x375: {  	[tilespmem:s20], [sflag:$0x3] =	stream.indirect_vreg.gather [hbm4b:s1+s4], $0x80, v0, vm0, $0xb8;
	[tilespmem:$0x1C000] =	vst v63  }
0x376: {  	s21 =	sadd.s32 $0x120, s9;
	s20 =	simm.s32 $0x2000  }
0x377: {  	[tilespmem:s20], [sflag:$0x1] =	stream.indirect.gather [hbm4b:s3+s17], $0x80, s21, s17, $0xb8;
	[tilespmem:$0x1C000] =	vst v63  }
0x378: {  	v0 =	vld [tilespmem:s9+$0x920];
	_ =	sdelay $0x4  }
0x379: {  	v58 =	vshll.u32 v0, $0x1  }
0x37a: {  	v0 =	vand.u32 $0x7, v0;
	v1 =	vand.u32 $0xFFFFFFF0, v58  }
0x37b: {  	v0 =	vor.u32 v0, v1  }
0x37c: {  	v1 =	vperm.xlane v0, v2;
	_ =	sdelay $0x1  }
0x37d: {  	v0 =	vperm.xlane v0, v4;
	v1 =	vadd.s32 v3, v1;
	_ =	sdelay $0x1  }
0x37e: {  	v0 =	vadd.s32 v3, v0;
	_ =	sdelay $0x1  }
0x37f: {  	s22 =	simm.s32 $0xB000  }
0x380: {  	[tilespmem:s22], [sflag:$0x3] =	stream.indirect_vreg.gather [hbm4b:s1+s4], $0x80, v1, vm0, $0xb8;
	[tilespmem:$0x1C000] =	vst v63  }
0x381: {  	s20 =	simm.s32 $0xB800  }
0x382: {  	[tilespmem:s20], [sflag:$0x3] =	stream.indirect_vreg.gather [hbm4b:s1+s4], $0x80, v0, vm0, $0xb8;
	[tilespmem:$0x1C000] =	vst v63  }
0x383: {  	v0 =	vld [tilespmem:s9+$0x930];
	_ =	sdelay $0x4  }
0x384: {  	v59 =	vshll.u32 v0, $0x1  }
0x385: {  	v0 =	vand.u32 $0x7, v0;
	v1 =	vand.u32 $0xFFFFFFF0, v59  }
0x386: {  	v0 =	vor.u32 v0, v1  }
0x387: {  	v1 =	vperm.xlane v0, v2;
	_ =	sdelay $0x1  }
0x388: {  	v0 =	vperm.xlane v0, v4;
	v1 =	vadd.s32 v3, v1;
	_ =	sdelay $0x1  }
0x389: {  	v0 =	vadd.s32 v3, v0;
	_ =	sdelay $0x1  }
0x38a: {  	s21 =	simm.s32 $0xC000  }
0x38b: {  	[tilespmem:s21], [sflag:$0x3] =	stream.indirect_vreg.gather [hbm4b:s1+s4], $0x80, v1, vm0, $0xb8;
	[tilespmem:$0x1C000] =	vst v63  }
0x38c: {  	s22 =	simm.s32 $0xC800  }
0x38d: {  	[tilespmem:s22], [sflag:$0x3] =	stream.indirect_vreg.gather [hbm4b:s1+s4], $0x80, v0, vm0, $0xb8;
	[tilespmem:$0x1C000] =	vst v63  }
0x38e: {  	s20 =	sadd.s32 $0x140, s9;
	s21 =	simm.s32 $0x3000  }
0x38f: {  	[tilespmem:s21], [sflag:$0x1] =	stream.indirect.gather [hbm4b:s3+s17], $0x80, s20, s17, $0xb8;
	[tilespmem:$0x1C000] =	vst v63  }
0x390: {  	v0 =	vld [tilespmem:s9+$0x940];
	_ =	sdelay $0x4  }
0x391: {  	v60 =	vshll.u32 v0, $0x1  }
0x392: {  	v0 =	vand.u32 $0x7, v0;
	v1 =	vand.u32 $0xFFFFFFF0, v60  }
0x393: {  	v0 =	vor.u32 v0, v1  }
0x394: {  	v1 =	vperm.xlane v0, v2;
	_ =	sdelay $0x1  }
0x395: {  	v0 =	vperm.xlane v0, v4;
	v1 =	vadd.s32 v3, v1;
	_ =	sdelay $0x1  }
0x396: {  	v0 =	vadd.s32 v3, v0;
	_ =	sdelay $0x1  }
0x397: {  	s22 =	simm.s32 $0xD000  }
0x398: {  	[tilespmem:s22], [sflag:$0x3] =	stream.indirect_vreg.gather [hbm4b:s1+s4], $0x80, v1, vm0, $0xb8;
	[tilespmem:$0x1C000] =	vst v63  }
0x399: {  	s20 =	simm.s32 $0xD800  }
0x39a: {  	[tilespmem:s20], [sflag:$0x3] =	stream.indirect_vreg.gather [hbm4b:s1+s4], $0x80, v0, vm0, $0xb8;
	[tilespmem:$0x1C000] =	vst v63  }
0x39b: {  	v0 =	vld [tilespmem:s9+$0x950];
	_ =	sdelay $0x4  }
0x39c: {  	v61 =	vshll.u32 v0, $0x1  }
0x39d: {  	v0 =	vand.u32 $0x7, v0;
	v1 =	vand.u32 $0xFFFFFFF0, v61  }
0x39e: {  	v0 =	vor.u32 v0, v1  }
0x39f: {  	v1 =	vperm.xlane v0, v2;
	_ =	sdelay $0x1  }
0x3a0: {  	v0 =	vperm.xlane v0, v4;
	v1 =	vadd.s32 v3, v1;
	_ =	sdelay $0x1  }
0x3a1: {  	v0 =	vadd.s32 v3, v0;
	_ =	sdelay $0x1  }
0x3a2: {  	s21 =	simm.s32 $0xE000  }
0x3a3: {  	[tilespmem:s21], [sflag:$0x3] =	stream.indirect_vreg.gather [hbm4b:s1+s4], $0x80, v1, vm0, $0xb8;
	[tilespmem:$0x1C000] =	vst v63  }
0x3a4: {  	s22 =	simm.s32 $0xE800  }
0x3a5: {  	[tilespmem:s22], [sflag:$0x3] =	stream.indirect_vreg.gather [hbm4b:s1+s4], $0x80, v0, vm0, $0xb8;
	[tilespmem:$0x1C000] =	vst v63  }
0x3a6: {  	s20 =	sadd.s32 $0x160, s9;
	s21 =	simm.s32 $0x4000  }
0x3a7: {  	[tilespmem:s21], [sflag:$0x1] =	stream.indirect.gather [hbm4b:s3+s17], $0x80, s20, s17, $0xb8;
	[tilespmem:$0x1C000] =	vst v63  }
0x3a8: {  	v0 =	vld [tilespmem:s9+$0x960];
	_ =	sdelay $0x4  }
0x3a9: {  	v62 =	vshll.u32 v0, $0x1  }
0x3aa: {  	v0 =	vand.u32 $0x7, v0;
	v1 =	vand.u32 $0xFFFFFFF0, v62  }
0x3ab: {  	v0 =	vor.u32 v0, v1  }
0x3ac: {  	v1 =	vperm.xlane v0, v2;
	_ =	sdelay $0x1  }
0x3ad: {  	v0 =	vperm.xlane v0, v4;
	v1 =	vadd.s32 v3, v1;
	_ =	sdelay $0x1  }
0x3ae: {  	v0 =	vadd.s32 v3, v0;
	_ =	sdelay $0x1  }
0x3af: {  	s22 =	simm.s32 $0xF000  }
0x3b0: {  	[tilespmem:s22], [sflag:$0x3] =	stream.indirect_vreg.gather [hbm4b:s1+s4], $0x80, v1, vm0, $0xb8;
	[tilespmem:$0x1C000] =	vst v63  }
0x3b1: {  	s20 =	simm.s32 $0xF800  }
0x3b2: {  	[tilespmem:s20], [sflag:$0x3] =	stream.indirect_vreg.gather [hbm4b:s1+s4], $0x80, v0, vm0, $0xb8;
	[tilespmem:$0x1C000] =	vst v63  }
0x3b3: {  	v0 =	vld [tilespmem:s9+$0x970];
	_ =	sdelay $0x4  }
0x3b4: {  	v63 =	vshll.u32 v0, $0x1  }
0x3b5: {  	v0 =	vand.u32 $0x7, v0;
	v1 =	vand.u32 $0xFFFFFFF0, v63  }
0x3b6: {  	v0 =	vor.u32 v0, v1  }
0x3b7: {  	v1 =	vperm.xlane v0, v2;
	_ =	sdelay $0x1  }
0x3b8: {  	v0 =	vperm.xlane v0, v4;
	v1 =	vadd.s32 v3, v1;
	_ =	sdelay $0x1  }
0x3b9: {  	v0 =	vadd.s32 v3, v0;
	_ =	sdelay $0x1  }
0x3ba: {  	s21 =	simm.s32 $0x10000  }
0x3bb: {  	[tilespmem:s21], [sflag:$0x3] =	stream.indirect_vreg.gather [hbm4b:s1+s4], $0x80, v1, vm0, $0xb8;
	[tilespmem:$0x1C000] =	vst v63  }
0x3bc: {  	s22 =	simm.s32 $0x10800  }
0x3bd: {  	[tilespmem:s22], [sflag:$0x3] =	stream.indirect_vreg.gather [hbm4b:s1+s4], $0x80, v0, vm0, $0xb8;
	[tilespmem:$0x1C000] =	vst v63  }
.LBB2_22:
0x3be: {  	_ =	swait.ge [sflag:s13], $0x4000  }
0x3bf: {  	[sflag:s13] =	ssyncset.done $0x0  }
0x3c0: {  	[sflag:s13] =	ssyncadd.s32 $0xFFFFC000  }
0x3c1: {  	_ =	swait.ge [sflag:s16], $0x8000  }
0x3c2: {  	[sflag:s16] =	ssyncset.done $0x0  }
0x3c3: {  	s9 =	simm.s32 $0x0;
	[sflag:s16] =	ssyncadd.s32 $0xFFFF8000  }
.LBB2_23:
0x3c4: {  	s15 =	sshll.u32 s9, $0x4  }
0x3c5: {  	v0 =	vor.u32 s15, v12  }
0x3c6: {  	v1 =	vshll.u32 v0, $0x8  }
0x3c7: {  	v32 =	vshll.u32 v0, $0x7;
	v0 =	vand.u32 $0x7800, v1;
	v1 =	vld [tilespmem:$0x1FFA0]  }
0x3c8: {  	v2 =	vld [tilespmem:$0x1FFB0];
	_ =	sdelay $0x1  }
0x3c9: {  	v33 =	vimm.s32 $0x0  }
0x3ca: {  	v29 =	vimm.f32 $0.0e+00;
	v40 =	vand.u32 $0x78, v33;
	v5 =	vadd.s32 $0x86, v33  }
0x3cb: {  	v41 =	vadd.s32 $0x87, v33;
	v28 =	vor.u32 v1, v0;
	v1 =	vand.u32 $0xFFFFFF80, v33  }
0x3cc: {  	v34 =	vor.u32 v2, v0;
	v0 =	vor.u32 $0x6, v40;
	v1 =	vadd.s32 v32, v1  }
0x3cd: {  	v10 =	vadd.s32 $0x84, v33;
	v2 =	vor.u32 $0x7, v40;
	v3 =	vor.u32 v0, v1  }
0x3ce: {  	v39 =	vadd.s32 $0x85, v33;
	v4 =	vor.u32 $0x4, v40;
	v6 =	vor.u32 v2, v1  }
0x3cf: {  	v31 =	vshll.u32 v33, $0x3;
	v8 =	vor.u32 $0x5, v40;
	v7 =	vor.u32 v4, v1  }
0x3d0: {  	v51 =	vadd.s32 $0x82, v33;
	v9 =	vor.u32 $0x2, v40;
	v11 =	vor.u32 v8, v1  }
0x3d1: {  	v55 =	vadd.s32 $0x83, v33;
	v38 =	vor.u32 $0x3, v40;
	v37 =	vor.u32 v9, v1  }
0x3d2: {  	v59 =	vadd.s32 $0x81, v33;
	v54 =	vand.u32 $0xFFFFFC00, v31;
	v43 =	vor.u32 v38, v1;
	v30 =	vld.idx.msk [tilespmem:v3+s29+$0x0], $0xffff  }
0x3d3: {  	v52 =	vor.u32 $0x1, v40;
	v46 =	vand.u32 $0x7E, v5;
	v3 =	vor.u32 v40, v1;
	v31 =	vld.idx.msk [tilespmem:v6+s29+$0x0], $0xffff  }
0x3d4: {  	v48 =	vand.u32 $0x7C, v10;
	v53 =	vadd.s32 v28, v54;
	v1 =	vor.u32 v52, v1;
	v35 =	vld.idx.msk [tilespmem:v7+s29+$0x0], $0xffff  }
0x3d5: {  	v47 =	vand.u32 $0x7D, v39;
	v50 =	vshll.u32 v5, $0x3;
	v0 =	vor.u32 v0, v53;
	v36 =	vld.idx.msk [tilespmem:v11+s29+$0x0], $0xffff  }
0x3d6: {  	v49 =	vshll.u32 v41, $0x3;
	v58 =	vand.u32 $0x7A, v51;
	v7 =	vor.u32 v2, v53;
	v42 =	vld.idx.msk [tilespmem:v37+s29+$0x0], $0xffff  }
0x3d7: {  	v56 =	vand.u32 $0x7B, v55;
	v60 =	vshll.u32 v10, $0x3;
	v61 =	vor.u32 v4, v53;
	v43 =	vld.idx.msk [tilespmem:v43+s29+$0x0], $0xffff  }
0x3d8: {  	v57 =	vshll.u32 v39, $0x3;
	v39 =	vimm.f32 $0.0e+00;
	v62 =	vor.u32 v8, v53;
	v44 =	vld.idx.msk [tilespmem:v3+s29+$0x0], $0xffff  }
0x3d9: {  	v63 =	vor.u32 v9, v53;
	v6 =	vor.u32 v38, v53;
	v37 =	vimm.f32 $0.0e+00;
	v45 =	vld.idx.msk [tilespmem:v1+s29+$0x0], $0xffff  }
0x3da: {  	s20 =	simm.s32 $0xF;
	v38 =	vimm.f32 $0.0e+00;
	v1 =	vand.u32 $0x79, v59;
	v3 =	vshll.u32 v51, $0x3;
	v51 =	vld.idx.msk [tilespmem:v0+s8+$0x0], $0xffff  }
.LBB2_24:
0x3db: {  	p0 =	sne.s32 s20, $0x1;
	v0 =	vor.u32 v40, v53;
	v2 =	vadd.s32 v34, v54;
	v4 =	vshll.u32 v59, $0x3;
	v5 =	vld.idx.msk [tilespmem:v7+s8+$0x0], $0xffff  }
0x3dc: {  	v7 =	vshll.u32 v55, $0x3;
	v2 =	vor.u32 v40, v2;
	v4 =	vand.u32 $0xFFFFFC00, v4;
	v8 =	vld.idx.msk [tilespmem:v61+s8+$0x0], $0xffff  }
0x3dd: {  	v9 =	vor.u32 v52, v53;
	v3 =	vand.u32 $0xFFFFFC00, v3;
	v4 =	vadd.s32 v28, v4;
	v10 =	vld.idx.msk [tilespmem:v62+s8+$0x0], $0xffff  }
0x3de: {  	v3 =	vadd.s32 v28, v3;
	v7 =	vand.u32 $0xFFFFFC00, v7;
	v1 =	vor.u32 v1, v4;
	v4 =	vld.idx.msk [tilespmem:v63+s8+$0x0], $0xffff  }
0x3df: {  	v11 =	vand.u32 $0xFFFFFC00, v60;
	v3 =	vor.u32 v58, v3;
	v7 =	vadd.s32 v28, v7;
	v6 =	vld.idx.msk [tilespmem:v6+s8+$0x0], $0xffff  }
0x3e0: {  	v11 =	vadd.s32 v28, v11;
	v40 =	vand.u32 $0xFFFFFC00, v57;
	v7 =	vor.u32 v56, v7;
	v0 =	vld.idx.msk [tilespmem:v0+s8+$0x0], $0xffff  }
0x3e1: {  	v11 =	vor.u32 v48, v11;
	v40 =	vadd.s32 v28, v40;
	v48 =	vand.u32 $0xFFFFFC00, v50;
	v2 =	vld.idx.msk [tilespmem:v2+s8+$0x0], $0xffff  }
0x3e2: {  	v47 =	vor.u32 v47, v40;
	v40 =	vadd.s32 v28, v48;
	v48 =	vand.u32 $0xFFFFFC00, v49;
	v9 =	vld.idx.msk [tilespmem:v9+s8+$0x0], $0xffff  }
0x3e3: {  	v46 =	vor.u32 v46, v40;
	v40 =	vand.u32 $0x7F, v41;
	v41 =	vadd.s32 v28, v48;
	v1 =	vld.idx.msk [tilespmem:v1+s8+$0x0], $0xffff  }
0x3e4: {  	v41 =	vor.u32 v40, v41;
	v3 =	vld.idx.msk [tilespmem:v3+s8+$0x0], $0xffff  }
0x3e5: {  	v33 =	vadd.s32 $0x8, v33;
	v48 =	vmul.f32 v51, v30;
	v5 =	vmul.f32 v5, v31;
	v7 =	vld.idx.msk [tilespmem:v7+s8+$0x0], $0xffff  }
0x3e6: {  	v40 =	vand.u32 $0x78, v33;
	v8 =	vmul.f32 v8, v35;
	v10 =	vmul.f32 v10, v36;
	v11 =	vld.idx.msk [tilespmem:v11+s8+$0x0], $0xffff  }
0x3e7: {  	v49 =	vand.u32 $0xFFFFFF80, v33;
	v4 =	vmul.f32 v4, v42;
	v6 =	vmul.f32 v6, v43;
	v47 =	vld.idx.msk [tilespmem:v47+s8+$0x0], $0xffff  }
0x3e8: {  	v50 =	vor.u32 $0x6, v40;
	v0 =	vmul.f32 v0, v44;
	v2 =	vmul.f32 v2, v44;
	v44 =	vld.idx.msk [tilespmem:v46+s8+$0x0], $0xffff  }
0x3e9: {  	v51 =	vor.u32 $0x7, v40;
	v9 =	vmul.f32 v9, v45;
	v1 =	vmul.f32 v1, v45;
	v41 =	vld.idx.msk [tilespmem:v41+s8+$0x0], $0xffff  }
0x3ea: {  	v0 =	vadd.f32 v0, v29;
	v2 =	vadd.f32 v2, v39;
	v3 =	vmul.f32 v3, v42  }
0x3eb: {  	v9 =	vadd.f32 v9, v37;
	v1 =	vadd.f32 v1, v38;
	v7 =	vmul.f32 v7, v43  }
0x3ec: {  	v0 =	vadd.f32 v4, v0;
	v2 =	vadd.f32 v3, v2;
	v3 =	vmul.f32 v11, v35  }
0x3ed: {  	v4 =	vadd.f32 v6, v9;
	v1 =	vadd.f32 v7, v1;
	v6 =	vmul.f32 v47, v36  }
0x3ee: {  	v0 =	vadd.f32 v8, v0;
	v2 =	vadd.f32 v3, v2;
	v3 =	vmul.f32 v44, v30  }
0x3ef: {  	v4 =	vadd.f32 v10, v4;
	v1 =	vadd.f32 v6, v1;
	v6 =	vmul.f32 v41, v31  }
0x3f0: {  	v7 =	vadd.s32 v32, v49;
	v29 =	vadd.f32 v48, v0;
	v39 =	vadd.f32 v3, v2  }
0x3f1: {  	v0 =	vor.u32 v50, v7;
	v37 =	vadd.f32 v5, v4;
	v38 =	vadd.f32 v6, v1  }
0x3f2: {  	v2 =	vadd.s32 $0x86, v33;
	v3 =	vor.u32 v51, v7;
	v1 =	vor.u32 $0x4, v40  }
0x3f3: {  	v41 =	vadd.s32 $0x87, v33;
	v5 =	vor.u32 $0x5, v40;
	v4 =	vor.u32 v1, v7  }
0x3f4: {  	v8 =	vadd.s32 $0x84, v33;
	v6 =	vor.u32 $0x2, v40;
	v9 =	vor.u32 v5, v7  }
0x3f5: {  	v57 =	vadd.s32 $0x85, v33;
	v11 =	vor.u32 $0x3, v40;
	v10 =	vor.u32 v6, v7  }
0x3f6: {  	v12 =	vadd.s32 $0x82, v33;
	v43 =	vor.u32 v11, v7;
	v31 =	vshll.u32 v33, $0x3;
	v30 =	vld.idx.msk [tilespmem:v0+s29+$0x0], $0xffff  }
0x3f7: {  	v52 =	vor.u32 $0x1, v40;
	v54 =	vand.u32 $0xFFFFFC00, v31;
	v0 =	vor.u32 v40, v7;
	v31 =	vld.idx.msk [tilespmem:v3+s29+$0x0], $0xffff  }
0x3f8: {  	v55 =	vadd.s32 $0x83, v33;
	v53 =	vadd.s32 v28, v54;
	v3 =	vor.u32 v52, v7;
	v35 =	vld.idx.msk [tilespmem:v4+s29+$0x0], $0xffff  }
0x3f9: {  	v59 =	vadd.s32 $0x81, v33;
	v46 =	vand.u32 $0x7E, v2;
	v4 =	vor.u32 v50, v53;
	v36 =	vld.idx.msk [tilespmem:v9+s29+$0x0], $0xffff  }
.Ltmp10:
0x3fa: {  	v47 =	vand.u32 $0x7D, v57;
	v48 =	vand.u32 $0x7C, v8;
	v7 =	vor.u32 v51, v53;
	v42 =	vld.idx.msk [tilespmem:v10+s29+$0x0], $0xffff;
	(pc) =	sbr.rel @p0 .LBB2_24-.Ltmp10, $4  }
0x3fb: {  	v49 =	vshll.u32 v41, $0x3;
	v61 =	vor.u32 v1, v53;
	v50 =	vshll.u32 v2, $0x3;
	v43 =	vld.idx.msk [tilespmem:v43+s29+$0x0], $0xffff  }
0x3fc: {  	v58 =	vand.u32 $0x7A, v12;
	v56 =	vand.u32 $0x7B, v55;
	v62 =	vor.u32 v5, v53;
	v44 =	vld.idx.msk [tilespmem:v0+s29+$0x0], $0xffff  }
0x3fd: {  	v60 =	vshll.u32 v8, $0x3;
	v57 =	vshll.u32 v57, $0x3;
	v63 =	vor.u32 v6, v53;
	v45 =	vld.idx.msk [tilespmem:v3+s29+$0x0], $0xffff  }
0x3fe: {  	s20 =	sadd.s32 $0xFFFFFFFF, s20;
	v1 =	vand.u32 $0x79, v59;
	v6 =	vor.u32 v11, v53;
	v3 =	vshll.u32 v12, $0x3;
	v51 =	vld.idx.msk [tilespmem:v4+s8+$0x0], $0xffff  }
0x3ff: {  	_ =	sdelay $0x3  }
0x400: {  	v0 =	vor.u32 v40, v53;
	v2 =	vadd.s32 v34, v54;
	v4 =	vshll.u32 v59, $0x3;
	v5 =	vld.idx.msk [tilespmem:v7+s8+$0x0], $0xffff  }
0x401: {  	v59 =	vshll.u32 v55, $0x3;
	v8 =	vld.idx.msk [tilespmem:v61+s8+$0x0], $0xffff;
	v9 =	vor.u32 v52, v53;
	v4 =	vand.u32 $0xFFFFFC00, v4  }
0x402: {  	v3 =	vand.u32 $0xFFFFFC00, v3;
	v10 =	vld.idx.msk [tilespmem:v62+s8+$0x0], $0xffff;
	v2 =	vor.u32 v40, v2;
	v4 =	vadd.s32 v28, v4  }
0x403: {  	v63 =	vld.idx.msk [tilespmem:v63+s8+$0x0], $0xffff;
	v3 =	vadd.s32 v28, v3;
	v7 =	vand.u32 $0xFFFFFC00, v59;
	v1 =	vor.u32 v1, v4  }
0x404: {  	v6 =	vld.idx.msk [tilespmem:v6+s8+$0x0], $0xffff;
	v11 =	vand.u32 $0xFFFFFC00, v60;
	v3 =	vor.u32 v58, v3;
	v7 =	vadd.s32 v28, v7  }
0x405: {  	v12 =	vand.u32 $0xFFFFFC00, v57;
	v11 =	vadd.s32 v28, v11;
	v7 =	vor.u32 v56, v7;
	v0 =	vld.idx.msk [tilespmem:v0+s8+$0x0], $0xffff  }
0x406: {  	v32 =	vand.u32 $0xFFFFFC00, v50;
	v12 =	vadd.s32 v28, v12;
	v11 =	vor.u32 v48, v11;
	v9 =	vld.idx.msk [tilespmem:v9+s8+$0x0], $0xffff  }
0x407: {  	v33 =	vand.u32 $0xFFFFFC00, v49;
	v32 =	vadd.s32 v28, v32;
	v12 =	vor.u32 v47, v12;
	v2 =	vld.idx.msk [tilespmem:v2+s8+$0x0], $0xffff  }
0x408: {  	v40 =	vand.u32 $0x7F, v41;
	v32 =	vor.u32 v46, v32;
	v28 =	vadd.s32 v28, v33;
	v1 =	vld.idx.msk [tilespmem:v1+s8+$0x0], $0xffff  }
0x409: {  	v28 =	vor.u32 v40, v28;
	v41 =	vmul.f32 v51, v30;
	v5 =	vmul.f32 v5, v31;
	v3 =	vld.idx.msk [tilespmem:v3+s8+$0x0], $0xffff  }
0x40a: {  	v8 =	vmul.f32 v8, v35;
	v7 =	vld.idx.msk [tilespmem:v7+s8+$0x0], $0xffff;
	v0 =	vmul.f32 v0, v44  }
0x40b: {  	v10 =	vmul.f32 v10, v36;
	v11 =	vld.idx.msk [tilespmem:v11+s8+$0x0], $0xffff;
	v9 =	vmul.f32 v9, v45  }
0x40c: {  	v4 =	vmul.f32 v63, v42;
	v12 =	vld.idx.msk [tilespmem:v12+s8+$0x0], $0xffff;
	v2 =	vmul.f32 v2, v44;
	v0 =	vadd.f32 v0, v29  }
0x40d: {  	v6 =	vmul.f32 v6, v43;
	v32 =	vld.idx.msk [tilespmem:v32+s8+$0x0], $0xffff;
	v9 =	vadd.f32 v9, v37;
	v1 =	vmul.f32 v1, v45  }
0x40e: {  	v28 =	vld.idx.msk [tilespmem:v28+s8+$0x0], $0xffff;
	v3 =	vmul.f32 v3, v42;
	v2 =	vadd.f32 v2, v39;
	v0 =	vadd.f32 v4, v0  }
0x40f: {  	v7 =	vmul.f32 v7, v43;
	v44 =	vadd.f32 v6, v9;
	v1 =	vadd.f32 v1, v38  }
0x410: {  	v43 =	vmul.f32 v11, v35;
	v2 =	vadd.f32 v3, v2;
	v0 =	vadd.f32 v8, v0  }
0x411: {  	v45 =	vmul.f32 v12, v36;
	v4 =	vadd.f32 v10, v44;
	v1 =	vadd.f32 v7, v1  }
0x412: {  	v46 =	vmul.f32 v32, v30;
	v2 =	vadd.f32 v43, v2;
	v0 =	vadd.f32 v41, v0  }
0x413: {  	v47 =	vmul.f32 v28, v31;
	v48 =	vadd.f32 v5, v4;
	v1 =	vadd.f32 v45, v1  }
0x414: {  	v58 =	vld [tilespmem:$0x1FF40];
	v2 =	vadd.f32 v46, v2  }
0x415: {  	s15 =	sor.u32 s7, s15;
	v12 =	vld [tilespmem:$0x1FF50];
	v0 =	vadd.f32 v48, v0;
	v1 =	vadd.f32 v47, v1  }
0x416: {  	v49 =	vmov s15  }
0x417: {  	v3 =	vmul.f32 v0, v18;
	v1 =	vadd.f32 v1, v2;
	v2 =	vmul.u32 $0x5, v49  }
0x418: {  	v51 =	vmul.f32 v0, v17;
	v53 =	vmul.f32 v0, v16  }
0x419: {  	v9 =	vmul.f32 v0, v58;
	v2 =	vbroadcast v2, $0x0  }
0x41a: {  	v0 =	vmul.f32 v0, v12;
	v50 =	vmul.f32 v1, v22  }
0x41b: {  	v61 =	vld [tilespmem:$0x1FF60];
	v52 =	vmul.f32 v1, v20;
	v54 =	vmul.f32 v1, v19;
	v55 =	vadd.s32 v23, v2  }
0x41c: {  	v62 =	vld [tilespmem:$0x1FF70];
	v59 =	vmul.f32 v1, v15;
	v3 =	vadd.f32 v50, v3;
	v56 =	vadd.s32 v24, v2  }
0x41d: {  	v63 =	vld [tilespmem:$0x1FF80];
	v1 =	vmul.f32 v1, v13;
	v4 =	vadd.f32 v52, v51;
	v57 =	vadd.s32 v25, v2  }
0x41e: {  	s9 =	sadd.s32 $0x1, s9;
	v6 =	vadd.f32 v54, v53;
	v60 =	vadd.s32 v26, v2;
	v3 =	vadd.f32 v3, v21  }
0x41f: {  	p0 =	sne.s32 s9, $0x8;
	v9 =	vadd.f32 v59, v9;
	v2 =	vadd.s32 v27, v2;
	v4 =	vadd.f32 v4, v14  }
.Ltmp11:
0x420: {  	v0 =	vadd.f32 v1, v0;
	[tilespmem:v55+s12+$0x0] =	vst.idx.msk $0xffff, v3;
	v3 =	vadd.f32 v6, v61;
	(pc) =	sbr.rel @p0 .LBB2_23-.Ltmp11, $4  }
0x421: {  	v1 =	vadd.f32 v9, v62;
	[tilespmem:v56+s12+$0x0] =	vst.idx.msk $0xffff, v4  }
0x422: {  	v0 =	vadd.f32 v0, v63;
	[tilespmem:v57+s12+$0x0] =	vst.idx.msk $0xffff, v3  }
0x423: {  	[tilespmem:v60+s12+$0x0] =	vst.idx.msk $0xffff, v1  }
0x424: {  	v12 =	vlaneseq.u32;
	[tilespmem:v2+s12+$0x0] =	vst.idx.msk $0xffff, v0  }
0x425: {  	s6 =	sadd.s32 $0x1, s6  }
0x426: {  	p0 =	sne.s32 s6, $0x7  }
.Ltmp12:
0x427: {  	_ = 	snop;
	(pc) =	sbr.rel @p0 .LBB2_16-.Ltmp12, $3  }
0x428: {  	_ =	sdelay $0x1  }
0x429: {  	v10 =	vld [tilespmem:$0x1FFC0]  }
0x42a: {  	v11 =	vld [tilespmem:$0x1FFD0]  }
0x42b: {  	s5 =	simm.s32 $0x10;
	s6 =	simm.s32 $0x700  }
0x42c: {  	[tilespmem:s18], [sflag:$0x1] =	stream.indirect.gather [hbm4b:s3+s5], $0x80, s6, s5, $0xb8;
	[tilespmem:$0x1C000] =	vst v63  }
0x42d: {  	v0 =	vld [tilespmem:$0xF00];
	_ =	sdelay $0x4  }
0x42e: {  	v2 =	vld [tilespmem:$0x1FF90];
	v1 =	vshll.u32 v0, $0x1  }
0x42f: {  	v0 =	vand.u32 $0x7, v0;
	v1 =	vand.u32 $0xFFFFFFF0, v1  }
0x430: {  	v0 =	vor.u32 v0, v1  }
0x431: {  	v1 =	vperm.xlane v0, v10;
	_ =	sdelay $0x1  }
0x432: {  	v0 =	vperm.xlane v0, v2;
	v1 =	vadd.s32 v11, v1;
	_ =	sdelay $0x1  }
0x433: {  	v0 =	vadd.s32 v11, v0;
	_ =	sdelay $0x2  }
0x434: {  	[tilespmem:s19], [sflag:$0x3] =	stream.indirect_vreg.gather [hbm4b:s1+s4], $0x80, v1, vm0, $0xb8;
	[tilespmem:$0x1C000] =	vst v63  }
0x435: {  	v27 =	vimm.s32 $0x0;
	s22 =	simm.s32 $0x9800  }
0x436: {  	v28 =	vmul.u32 $0x80, v12;
	v24 =	vimm.f32 $0.0e+00;
	v34 =	vand.u32 $0x78, v27;
	[tilespmem:s22], [sflag:$0x3] =	stream.indirect_vreg.gather [hbm4b:s1+s4], $0x80, v0, vm0, $0xb8;
	[tilespmem:$0x1C000] =	vst v63  }
0x437: {  	v7 =	vadd.s32 $0x87, v27;
	v9 =	vadd.s32 $0x84, v27;
	v1 =	vand.u32 $0xFFFFFF80, v27;
	_ =	swait.ge [sflag:s10], $0x800  }
0x438: {  	v31 =	vadd.s32 $0x85, v27;
	v1 =	vadd.s32 v28, v1;
	v0 =	vor.u32 $0x6, v34;
	[sflag:s10] =	ssyncset.done $0x0  }
0x439: {  	v33 =	vadd.s32 $0x82, v27;
	v3 =	vor.u32 $0x7, v34;
	v4 =	vor.u32 v0, v1;
	[sflag:s10] =	ssyncadd.s32 $0xFFFFF800  }
0x43a: {  	v26 =	vshll.u32 v27, $0x3;
	v5 =	vor.u32 $0x4, v34;
	v6 =	vor.u32 v3, v1;
	_ =	swait.ge [sflag:s11], $0x1000  }
0x43b: {  	v58 =	vadd.s32 $0x83, v27;
	v62 =	vor.u32 $0x5, v34;
	v8 =	vor.u32 v5, v1;
	v59 =	vld [tilespmem:$0x1FFE0]  }
0x43c: {  	v50 =	vadd.s32 $0x81, v27;
	v63 =	vor.u32 $0x2, v34;
	v12 =	vor.u32 v62, v1;
	[sflag:s11] =	ssyncset.done $0x0  }
0x43d: {  	v43 =	vor.u32 $0x3, v34;
	v49 =	vand.u32 $0xFFFFFC00, v26;
	v32 =	vor.u32 v63, v1;
	v60 =	vld [tilespmem:$0x1FFF0];
	[sflag:s11] =	ssyncadd.s32 $0xFFFFF000  }
0x43e: {  	v45 =	vor.u32 $0x1, v34;
	v39 =	vand.u32 $0x7F, v7;
	v36 =	vor.u32 v43, v1;
	v25 =	vld.idx.msk [tilespmem:v4+s18+$0x0], $0xffff  }
0x43f: {  	v41 =	vshll.u32 v7, $0x3;
	v46 =	vand.u32 $0x7C, v9;
	v4 =	vor.u32 v34, v1;
	v26 =	vld.idx.msk [tilespmem:v6+s18+$0x0], $0xffff  }
0x440: {  	v44 =	vand.u32 $0x7D, v31;
	v1 =	vor.u32 v45, v1;
	v30 =	vld.idx.msk [tilespmem:v8+s18+$0x0], $0xffff;
	v47 =	vadd.s32 v59, v49  }
0x441: {  	v51 =	vshll.u32 v9, $0x3;
	v48 =	vshll.u32 v31, $0x3;
	v29 =	vld.idx.msk [tilespmem:v12+s18+$0x0], $0xffff;
	v0 =	vor.u32 v0, v47  }
0x442: {  	v56 =	vand.u32 $0x7A, v33;
	v52 =	vand.u32 $0x7B, v58;
	v35 =	vld.idx.msk [tilespmem:v32+s18+$0x0], $0xffff;
	v54 =	vor.u32 v3, v47  }
0x443: {  	v31 =	vimm.f32 $0.0e+00;
	v2 =	vadd.s32 $0x86, v27;
	v36 =	vld.idx.msk [tilespmem:v36+s18+$0x0], $0xffff;
	v53 =	vor.u32 v5, v47  }
0x444: {  	v40 =	vand.u32 $0x7E, v2;
	v42 =	vshll.u32 v2, $0x3;
	v55 =	vor.u32 v62, v47;
	v37 =	vld.idx.msk [tilespmem:v4+s18+$0x0], $0xffff  }
0x445: {  	v6 =	vshll.u32 v58, $0x3;
	v32 =	vimm.f32 $0.0e+00;
	v7 =	vor.u32 v63, v47;
	v38 =	vld.idx.msk [tilespmem:v1+s18+$0x0], $0xffff  }
0x446: {  	s5 =	simm.s32 $0xF;
	v57 =	vor.u32 v43, v47;
	v1 =	vshll.u32 v33, $0x3;
	v33 =	vimm.f32 $0.0e+00;
	v43 =	vld.idx.msk [tilespmem:v0+s19+$0x0], $0xffff  }
.LBB2_28:
0x447: {  	p0 =	sne.s32 s5, $0x1;
	v0 =	vor.u32 v34, v47;
	v2 =	vor.u32 v34, v49;
	v3 =	vshll.u32 v50, $0x3;
	v4 =	vld.idx.msk [tilespmem:v54+s19+$0x0], $0xffff  }
0x448: {  	v5 =	vand.u32 $0x79, v50;
	v2 =	vadd.s32 v60, v2;
	v3 =	vand.u32 $0xFFFFFC00, v3;
	v8 =	vld.idx.msk [tilespmem:v53+s19+$0x0], $0xffff  }
0x449: {  	v9 =	vor.u32 v45, v47;
	v1 =	vand.u32 $0xFFFFFC00, v1;
	v3 =	vor.u32 v5, v3;
	v5 =	vld.idx.msk [tilespmem:v55+s19+$0x0], $0xffff  }
0x44a: {  	v6 =	vand.u32 $0xFFFFFC00, v6;
	v1 =	vor.u32 v56, v1;
	v3 =	vadd.s32 v59, v3;
	v7 =	vld.idx.msk [tilespmem:v7+s19+$0x0], $0xffff  }
0x44b: {  	v11 =	vand.u32 $0xFFFFFC00, v51;
	v6 =	vor.u32 v52, v6;
	v1 =	vadd.s32 v59, v1;
	v10 =	vld.idx.msk [tilespmem:v57+s19+$0x0], $0xffff  }
0x44c: {  	v12 =	vand.u32 $0xFFFFFC00, v48;
	v11 =	vor.u32 v46, v11;
	v6 =	vadd.s32 v59, v6;
	v0 =	vld.idx.msk [tilespmem:v0+s19+$0x0], $0xffff  }
0x44d: {  	v34 =	vand.u32 $0xFFFFFC00, v42;
	v12 =	vor.u32 v44, v12;
	v11 =	vadd.s32 v59, v11;
	v2 =	vld.idx.msk [tilespmem:v2+s19+$0x0], $0xffff  }
0x44e: {  	v34 =	vor.u32 v40, v34;
	v40 =	vand.u32 $0xFFFFFC00, v41;
	v12 =	vadd.s32 v59, v12;
	v9 =	vld.idx.msk [tilespmem:v9+s19+$0x0], $0xffff  }
0x44f: {  	v41 =	vadd.s32 v59, v34;
	v34 =	vor.u32 v39, v40;
	v3 =	vld.idx.msk [tilespmem:v3+s19+$0x0], $0xffff  }
0x450: {  	v27 =	vadd.s32 $0x8, v27;
	v39 =	vadd.s32 v59, v34;
	v1 =	vld.idx.msk [tilespmem:v1+s19+$0x0], $0xffff  }
0x451: {  	v42 =	vadd.s32 $0x86, v27;
	v40 =	vmul.f32 v43, v25;
	v4 =	vmul.f32 v4, v26;
	v6 =	vld.idx.msk [tilespmem:v6+s19+$0x0], $0xffff  }
0x452: {  	v34 =	vand.u32 $0x78, v27;
	v8 =	vmul.f32 v8, v30;
	v5 =	vmul.f32 v5, v29;
	v11 =	vld.idx.msk [tilespmem:v11+s19+$0x0], $0xffff  }
0x453: {  	v43 =	vand.u32 $0xFFFFFF80, v27;
	v7 =	vmul.f32 v7, v35;
	v10 =	vmul.f32 v10, v36;
	v12 =	vld.idx.msk [tilespmem:v12+s19+$0x0], $0xffff  }
0x454: {  	v44 =	vor.u32 $0x6, v34;
	v0 =	vmul.f32 v0, v37;
	v2 =	vmul.f32 v2, v37;
	v37 =	vld.idx.msk [tilespmem:v41+s19+$0x0], $0xffff  }
0x455: {  	v9 =	vmul.f32 v9, v38;
	v41 =	vor.u32 $0x7, v34;
	v3 =	vmul.f32 v3, v38;
	v38 =	vld.idx.msk [tilespmem:v39+s19+$0x0], $0xffff  }
0x456: {  	v0 =	vadd.f32 v0, v24;
	v2 =	vadd.f32 v2, v33;
	v1 =	vmul.f32 v1, v35  }
0x457: {  	v9 =	vadd.f32 v9, v31;
	v3 =	vadd.f32 v3, v32;
	v6 =	vmul.f32 v6, v36  }
0x458: {  	v0 =	vadd.f32 v7, v0;
	v1 =	vadd.f32 v1, v2;
	v2 =	vmul.f32 v11, v30  }
0x459: {  	v7 =	vadd.f32 v10, v9;
	v3 =	vadd.f32 v6, v3;
	v6 =	vmul.f32 v12, v29  }
0x45a: {  	v0 =	vadd.f32 v8, v0;
	v1 =	vadd.f32 v2, v1;
	v2 =	vmul.f32 v37, v25  }
0x45b: {  	v5 =	vadd.f32 v5, v7;
	v3 =	vadd.f32 v6, v3;
	v6 =	vmul.f32 v38, v26  }
0x45c: {  	v7 =	vadd.s32 v28, v43;
	v24 =	vadd.f32 v40, v0;
	v33 =	vadd.f32 v2, v1  }
0x45d: {  	v0 =	vor.u32 v44, v7;
	v31 =	vadd.f32 v4, v5;
	v32 =	vadd.f32 v6, v3  }
0x45e: {  	v1 =	vor.u32 $0x4, v34;
	v2 =	vor.u32 v41, v7;
	v3 =	vadd.s32 $0x87, v27  }
0x45f: {  	v5 =	vadd.s32 $0x84, v27;
	v4 =	vor.u32 v1, v7;
	v6 =	vor.u32 $0x5, v34  }
0x460: {  	v8 =	vor.u32 $0x2, v34;
	v10 =	vadd.s32 $0x85, v27;
	v9 =	vor.u32 v6, v7  }
0x461: {  	v12 =	vadd.s32 $0x82, v27;
	v43 =	vor.u32 $0x3, v34;
	v11 =	vor.u32 v8, v7  }
0x462: {  	v58 =	vadd.s32 $0x83, v27;
	v26 =	vshll.u32 v27, $0x3;
	v36 =	vor.u32 v43, v7;
	v25 =	vld.idx.msk [tilespmem:v0+s18+$0x0], $0xffff  }
0x463: {  	v45 =	vor.u32 $0x1, v34;
	v49 =	vand.u32 $0xFFFFFC00, v26;
	v0 =	vor.u32 v34, v7;
	v26 =	vld.idx.msk [tilespmem:v2+s18+$0x0], $0xffff  }
0x464: {  	v50 =	vadd.s32 $0x81, v27;
	v47 =	vadd.s32 v59, v49;
	v2 =	vor.u32 v45, v7;
	v30 =	vld.idx.msk [tilespmem:v4+s18+$0x0], $0xffff  }
0x465: {  	v40 =	vand.u32 $0x7E, v42;
	v39 =	vand.u32 $0x7F, v3;
	v4 =	vor.u32 v44, v47;
	v29 =	vld.idx.msk [tilespmem:v9+s18+$0x0], $0xffff  }
.Ltmp13:
0x466: {  	v42 =	vshll.u32 v42, $0x3;
	v54 =	vor.u32 v41, v47;
	v41 =	vshll.u32 v3, $0x3;
	v35 =	vld.idx.msk [tilespmem:v11+s18+$0x0], $0xffff;
	(pc) =	sbr.rel @p0 .LBB2_28-.Ltmp13, $4  }
0x467: {  	v46 =	vand.u32 $0x7C, v5;
	v53 =	vor.u32 v1, v47;
	v44 =	vand.u32 $0x7D, v10;
	v36 =	vld.idx.msk [tilespmem:v36+s18+$0x0], $0xffff  }
0x468: {  	v48 =	vshll.u32 v10, $0x3;
	v51 =	vshll.u32 v5, $0x3;
	v55 =	vor.u32 v6, v47;
	v37 =	vld.idx.msk [tilespmem:v0+s18+$0x0], $0xffff  }
0x469: {  	v52 =	vand.u32 $0x7B, v58;
	v56 =	vand.u32 $0x7A, v12;
	v7 =	vor.u32 v8, v47;
	v38 =	vld.idx.msk [tilespmem:v2+s18+$0x0], $0xffff  }
0x46a: {  	s5 =	sadd.s32 $0xFFFFFFFF, s5;
	v1 =	vshll.u32 v12, $0x3;
	v57 =	vor.u32 v43, v47;
	v6 =	vshll.u32 v58, $0x3;
	v43 =	vld.idx.msk [tilespmem:v4+s19+$0x0], $0xffff  }
0x46b: {  	_ =	sdelay $0x3  }
0x46c: {  	v0 =	vor.u32 v34, v47;
	v2 =	vor.u32 v34, v49;
	v3 =	vshll.u32 v50, $0x3;
	v4 =	vld.idx.msk [tilespmem:v54+s19+$0x0], $0xffff  }
0x46d: {  	v5 =	vand.u32 $0x79, v50;
	v8 =	vld.idx.msk [tilespmem:v53+s19+$0x0], $0xffff;
	v9 =	vor.u32 v45, v47;
	v3 =	vand.u32 $0xFFFFFC00, v3  }
0x46e: {  	v1 =	vand.u32 $0xFFFFFC00, v1;
	v45 =	vld.idx.msk [tilespmem:v55+s19+$0x0], $0xffff;
	v2 =	vadd.s32 v60, v2;
	v3 =	vor.u32 v5, v3  }
0x46f: {  	v7 =	vld.idx.msk [tilespmem:v7+s19+$0x0], $0xffff;
	v6 =	vand.u32 $0xFFFFFC00, v6;
	v1 =	vor.u32 v56, v1;
	v3 =	vadd.s32 v59, v3  }
0x470: {  	v10 =	vld.idx.msk [tilespmem:v57+s19+$0x0], $0xffff;
	v11 =	vand.u32 $0xFFFFFC00, v51;
	v6 =	vor.u32 v52, v6;
	v1 =	vadd.s32 v59, v1  }
0x471: {  	v12 =	vand.u32 $0xFFFFFC00, v48;
	v11 =	vor.u32 v46, v11;
	v6 =	vadd.s32 v59, v6;
	v0 =	vld.idx.msk [tilespmem:v0+s19+$0x0], $0xffff  }
0x472: {  	v27 =	vand.u32 $0xFFFFFC00, v42;
	v12 =	vor.u32 v44, v12;
	v11 =	vadd.s32 v59, v11;
	v9 =	vld.idx.msk [tilespmem:v9+s19+$0x0], $0xffff  }
0x473: {  	v28 =	vand.u32 $0xFFFFFC00, v41;
	v27 =	vor.u32 v40, v27;
	v12 =	vadd.s32 v59, v12;
	v2 =	vld.idx.msk [tilespmem:v2+s19+$0x0], $0xffff  }
0x474: {  	v28 =	vor.u32 v39, v28;
	v27 =	vadd.s32 v59, v27;
	v3 =	vld.idx.msk [tilespmem:v3+s19+$0x0], $0xffff  }
0x475: {  	v28 =	vadd.s32 v59, v28;
	v47 =	vmul.f32 v43, v25;
	v4 =	vmul.f32 v4, v26;
	v1 =	vld.idx.msk [tilespmem:v1+s19+$0x0], $0xffff  }
0x476: {  	v8 =	vmul.f32 v8, v30;
	v5 =	vmul.f32 v45, v29;
	v6 =	vld.idx.msk [tilespmem:v6+s19+$0x0], $0xffff  }
0x477: {  	v7 =	vmul.f32 v7, v35;
	v10 =	vmul.f32 v10, v36;
	v11 =	vld.idx.msk [tilespmem:v11+s19+$0x0], $0xffff  }
0x478: {  	v12 =	vld.idx.msk [tilespmem:v12+s19+$0x0], $0xffff;
	v0 =	vmul.f32 v0, v37;
	v9 =	vmul.f32 v9, v38  }
0x479: {  	v27 =	vld.idx.msk [tilespmem:v27+s19+$0x0], $0xffff;
	v2 =	vmul.f32 v2, v37;
	v3 =	vmul.f32 v3, v38  }
0x47a: {  	v28 =	vld.idx.msk [tilespmem:v28+s19+$0x0], $0xffff;
	v0 =	vadd.f32 v0, v24;
	v1 =	vmul.f32 v1, v35;
	v9 =	vadd.f32 v9, v31  }
0x47b: {  	v6 =	vmul.f32 v6, v36;
	v2 =	vadd.f32 v2, v33;
	v3 =	vadd.f32 v3, v32  }
0x47c: {  	v48 =	vmul.f32 v11, v30;
	v0 =	vadd.f32 v7, v0;
	v49 =	vadd.f32 v10, v9  }
0x47d: {  	v50 =	vmul.f32 v12, v29;
	v1 =	vadd.f32 v1, v2;
	v3 =	vadd.f32 v6, v3  }
0x47e: {  	v51 =	vmul.f32 v27, v25;
	v0 =	vadd.f32 v8, v0;
	v5 =	vadd.f32 v5, v49  }
0x47f: {  	v52 =	vmul.f32 v28, v26;
	v1 =	vadd.f32 v48, v1;
	v3 =	vadd.f32 v50, v3  }
0x480: {  	v0 =	vadd.f32 v47, v0;
	v53 =	vadd.f32 v4, v5  }
0x481: {  	v1 =	vadd.f32 v51, v1;
	v3 =	vadd.f32 v52, v3  }
0x482: {  	v8 =	vld [tilespmem:$0x1FF40];
	v0 =	vadd.f32 v53, v0  }
0x483: {  	v11 =	vld [tilespmem:$0x1FF50];
	v1 =	vadd.f32 v3, v1  }
0x484: {  	v58 =	vor.u32 $0x2300, v23;
	v60 =	vadd.s32 $0x2302, v23;
	v2 =	vmul.f32 v0, v18  }
0x485: {  	v59 =	vadd.s32 $0x2301, v23;
	v54 =	vmul.f32 v0, v17;
	v3 =	vmul.f32 v1, v22  }
0x486: {  	v61 =	vld [tilespmem:$0x1FF60];
	v10 =	vadd.s32 $0x2303, v23;
	v56 =	vmul.f32 v0, v16;
	v55 =	vmul.f32 v1, v20  }
0x487: {  	v62 =	vld [tilespmem:$0x1FF70];
	v8 =	vmul.f32 v0, v8;
	v57 =	vmul.f32 v1, v19;
	v2 =	vadd.f32 v3, v2  }
0x488: {  	v63 =	vld [tilespmem:$0x1FF80];
	v0 =	vmul.f32 v0, v11;
	v9 =	vmul.f32 v1, v15;
	v3 =	vadd.f32 v55, v54  }
0x489: {  	v1 =	vmul.f32 v1, v13;
	v5 =	vadd.f32 v57, v56;
	v2 =	vadd.f32 v2, v21  }
0x48a: {  	v8 =	vadd.f32 v9, v8;
	v9 =	vadd.s32 $0x2304, v23;
	v3 =	vadd.f32 v3, v14  }
0x48b: {  	v0 =	vadd.f32 v1, v0;
	[tilespmem:v58+s12+$0x0] =	vst.idx.msk $0xffff, v2;
	v2 =	vadd.f32 v5, v61  }
0x48c: {  	v1 =	vadd.f32 v8, v62;
	[tilespmem:v59+s12+$0x0] =	vst.idx.msk $0xffff, v3  }
0x48d: {  	v0 =	vadd.f32 v0, v63;
	[tilespmem:v60+s12+$0x0] =	vst.idx.msk $0xffff, v2  }
0x48e: {  	[tilespmem:v10+s12+$0x0] =	vst.idx.msk $0xffff, v1  }
0x48f: {  	s5 =	rddreg [dreg:$0xb];
	s15 =	simm.s32 $0x5;
	[tilespmem:v9+s12+$0x0] =	vst.idx.msk $0xffff, v0  }
0x490: {  	[hbm4b:s5+s4] =	stream.linear.scatter [tilespmem:s12], [sflag:$0x5], $0x2350, $0x38;
	[tilespmem:$0x1C000] =	vst v63  }
0x491: {  	_ =	swait.ge [sflag:s15], $0x2350  }
0x492: {  	s6 =	rddreg [dreg:$0xd]  }
0x493: {  	s22 =	rddreg [dreg:$0xc];
	s6 =	sadd.s32 $0x1, s6  }
0x494: {  	p0 =	sne.s32 s6, s22  }
.Ltmp14:
0x495: {  	_ = 	snop;
	(pc) =	sbr.rel @p0 .LBB2_1-.Ltmp14, $3  }
0x496: {  	_ =	sdelay $0x1  }
0x497: {  	[sflag:s15] =	ssyncset.done $0x0;
	v10 =	vld [tilespmem:$0x1FFC0]  }
0x498: {  	v12 =	vlaneseq.u32;
	v11 =	vld [tilespmem:$0x1FFD0];
	[sflag:s15] =	ssyncadd.s32 $0xFFFFDCB0  }
0x499: {  	_ =	sfence.sel $0x180000  }
0x49a: {  	[bflag:$0x0] =	sbarrier.arrive $0xFFFF  }
0x49b: {  	_ =	strace $0x90000047  }
0x49c: {  	s0 =	stileid.u32;
	[bflag:$0x2] =	sbarrier.arrive $0xFFFF  }
0x49d: {  	p0 =	sne.s32 s0, $0x0;
	s0 =	rddreg [dreg:$0x3]  }
0x49e: {  	s0 =	sadd.s32 @!p0 $0x100000, s0  }
0x49f: {  	[sflag:s0] =	ssyncadd.tile.s32 @!p0 $0x1;
	_ =	shalt  }
.Lfunc_end2:
_tile_overlayer_lowered:
.L_overlay_start_2:
0x4a0: {  	(tag) =	ssettag $0x2  }
0x4a1: {  	s0 =	rddreg [dreg:$0x0];
	s2 =	stileid.u32  }
0x4a2: {  	s1 =	rddreg [dreg:$0x1];
	p0 =	sne.s32 s2, $0x0  }
0x4a3: {  	s3 =	rddreg [dreg:$0x2];
	[bflag:$0x3] =	sbarrier.arrive $0xFFFF;
	s2 =	simm.s32 @!p0 $0x1C05  }
0x4a4: {  	[timem:s3], [sflag:s2] =	dma.local @!p0 [hbm:s0], s1  }
0x4a5: {  	s0 =	simm.s32 @!p0 $0x5  }
0x4a6: {  	_ =	swait.ge @!p0 [sflag:s0], s1  }
0x4a7: {  	s1 =	ssub.s32 @!p0 $0x0, s1;
	[sflag:s0] =	ssyncset.done @!p0 $0x0  }
0x4a8: {  	[sflag:s0] =	ssyncadd.s32 @!p0 s1  }
0x4a9: {  	[bflag:$0x3] =	sbarrier.arrive $0xFFFF  }
0x4aa: {  	_ =	shalt  }

</sc_bundles>
